<compile_context>
chip_gen: v7x
topology: tpu7x:2x2x1
jax: 0.10.2.dev20260603
libtpu: 0.0.44.dev20260713+nightly
codegen_flags: <defaults>
</compile_context>

<pallas_src>
import jax
import jax.numpy as jnp
from jax import lax
from jax.experimental import pallas as pl
from jax.experimental.pallas import tpu as pltpu
from jax.experimental.pallas import tpu_sc as plsc

B, L, EMB = 1024, 200, 16
VOC = 1_000_000
NW = 32
SEQ_PER_W = B // NW
H0, H1 = 104, 96
SCALE = 0.5 ** 0.5

LANES = 16
NBKT = VOC // 128
BKT_PER_W = NBKT // NW
EXTRA0 = NBKT - NW * BKT_PER_W
WCH = 1536
FULL_CH = (BKT_PER_W * 128) // WCH
REM = BKT_PER_W * 128 - FULL_CH * WCH
TAIL = VOC - NBKT * 128


def _transpose_loop(in_v, stage_v, width):
    iota = lax.iota(jnp.int32, LANES)

    @plsc.parallel_loop(0, width // 8, 1, unroll=4)
    def tok8(j8):
        ld_base = jnp.full((LANES,), j8 * 8, jnp.int32)
        for jj in range(8):
            row = plsc.load_gather(in_v, [iota, ld_base + jj])
            stage_v[j8, pl.ds(jj * 16, 16)] = row


def _transpose_chunk(wt_hbm, scr_hbm, in_v, stage_v, sem, lane0, width):
    lane0 = pl.multiple_of(lane0, 128)
    pltpu.sync_copy(wt_hbm.at[:, pl.ds(lane0, width)], in_v.at[:, pl.ds(0, width)])
    _transpose_loop(in_v, stage_v, width)
    pltpu.make_async_copy(
        stage_v.at[pl.ds(0, width // 8)],
        scr_hbm.at[pl.ds(pl.multiple_of(lane0 // 8, 16), width // 8)],
        sem,
    ).start()
    pltpu.make_async_copy(
        stage_v.at[pl.ds(0, width // 8)],
        scr_hbm.at[pl.ds(pl.multiple_of(lane0 // 8, 16), width // 8)],
        sem,
    ).wait()


def _tbody(wt_hbm, tail_hbm, scr_hbm, in_v, stage_v, tail_v, gsem, osem):
    nc = 2
    wid = lax.axis_index("s") * nc + lax.axis_index("c")
    base = wid * (BKT_PER_W * 128)

    def fire_in(c):
        lane0 = pl.multiple_of(base + c * WCH, 128)
        pltpu.make_async_copy(
            wt_hbm.at[:, pl.ds(lane0, WCH)],
            in_v.at[c % 2, :, pl.ds(0, WCH)], gsem).start()

    def fire_out(c):
        lane0 = pl.multiple_of(base + c * WCH, 128)
        pltpu.make_async_copy(
            stage_v.at[c % 2],
            scr_hbm.at[pl.ds(pl.multiple_of(lane0 // 8, 16), WCH // 8)],
            osem,
        ).start()

    def wait_in():
        pltpu.make_async_copy(
            wt_hbm.at[:, pl.ds(0, WCH)],
            in_v.at[0, :, pl.ds(0, WCH)], gsem).wait()

    def wait_out():
        pltpu.make_async_copy(
            stage_v.at[0], scr_hbm.at[pl.ds(0, WCH // 8)], osem).wait()

    fire_in(0)

    def chunk(c, carry):
        @pl.when(c + 1 < FULL_CH)
        def _():
            fire_in(c + 1)

        wait_in()

        @pl.when(c >= 2)
        def _():
            wait_out()

        _transpose_loop(in_v.at[c % 2], stage_v.at[c % 2], WCH)
        fire_out(c)
        return carry

    lax.fori_loop(0, FULL_CH, chunk, 0)
    wait_out()
    wait_out()
    _transpose_chunk(wt_hbm, scr_hbm, in_v.at[0], stage_v.at[0], gsem,
                     base + FULL_CH * WCH, REM)

    @pl.when(wid == 0)
    def _extra():
        _transpose_chunk(wt_hbm, scr_hbm, in_v.at[0], stage_v.at[0], gsem,
                         NW * BKT_PER_W * 128, EXTRA0 * 128)
        pltpu.sync_copy(tail_hbm, tail_v)
        iota = lax.iota(jnp.int32, LANES)

        def tok(j, carry):
            row = tail_v[j]
            plsc.store_scatter(
                stage_v.at[0],
                [jnp.full((LANES,), j // 8, jnp.int32), (j % 8) * 16 + iota],
                row,
            )
            return carry

        lax.fori_loop(0, TAIL, tok, 0, unroll=8)
        pltpu.sync_copy(
            stage_v.at[0, pl.ds(0, TAIL * 16 // 128)],
            scr_hbm.at[pl.ds(NBKT * 128 * 16 // 128, TAIL * 16 // 128)],
        )


def _gbody(tok_hbm, word_hbm, pos_hbm, out_hbm, idx_v, rows_v, stg_v, pos_v, sem):
    nc = 2
    wid = lax.axis_index("s") * nc + lax.axis_index("c")
    b0 = wid * SEQ_PER_W

    pltpu.sync_copy(tok_hbm.at[pl.ds(b0, SEQ_PER_W)], idx_v)
    pltpu.sync_copy(pos_hbm, pos_v)

    c = jnp.full((EMB,), SCALE, dtype=jnp.float32)

    def scale_pos(l, carry):
        pos_v[l] = pos_v[l] * c
        return carry

    lax.fori_loop(0, L, scale_pos, 0, unroll=4)

    iota16 = lax.iota(jnp.int32, LANES)

    for h, (l0, hh) in enumerate(((0, H0), (H0, H1))):
        def fire(s, carry):
            pltpu.make_async_copy(
                word_hbm.at[idx_v.at[s, pl.ds(l0, hh)]],
                rows_v.at[s, pl.ds(0, hh)], sem).start()
            return carry

        lax.fori_loop(0, SEQ_PER_W, fire, 0)

        def drain(s, carry):
            pltpu.make_async_copy(
                word_hbm.at[idx_v.at[0, pl.ds(l0, hh)]],
                rows_v.at[0, pl.ds(0, hh)], sem).wait()
            return carry

        lax.fori_loop(0, SEQ_PER_W, drain, 0)

        def seq(s, carry):
            @plsc.parallel_loop(0, hh, 1, unroll=4)
            def tok(i):
                val = rows_v[s, i] * c + pos_v[l0 + i]
                plsc.store_scatter(
                    stg_v,
                    [jnp.full((LANES,), i, jnp.int32), iota16,
                     jnp.full((LANES,), s, jnp.int32)],
                    val)

            return carry

        lax.fori_loop(0, SEQ_PER_W, seq, 0)

        pltpu.sync_copy(
            stg_v.at[pl.ds(0, hh), :, pl.ds(0, SEQ_PER_W)],
            out_hbm.at[pl.ds(l0, hh), :, pl.ds(b0, SEQ_PER_W)])


@jax.jit
def _embed(tok_ids, word_table, pos_table):
    mesh = plsc.VectorSubcoreMesh(core_axis_name="c", subcore_axis_name="s")

    wt_t = word_table.T
    wt_tail = lax.slice(word_table, (NBKT * 128, 0), (VOC, EMB))

    trans = pl.kernel(
        _tbody,
        out_type=jax.ShapeDtypeStruct((VOC * EMB // 128, 128), jnp.float32),
        mesh=mesh,
        scratch_types=[
            pltpu.VMEM((2, LANES, WCH + 1), jnp.float32),
            pltpu.VMEM((2, WCH // 8, 128), jnp.float32),
            pltpu.VMEM((TAIL, EMB), jnp.float32),
            pltpu.SemaphoreType.DMA,
            pltpu.SemaphoreType.DMA,
        ],
        compiler_params=pltpu.CompilerParams(
            use_tc_tiling_on_sc=True, needs_layout_passes=False),
    )
    scratch = trans(wt_t, wt_tail)
    wt_lin = scratch.reshape(VOC, EMB)

    gather = pl.kernel(
        _gbody,
        out_type=jax.ShapeDtypeStruct((L, EMB, B), jnp.float32),
        mesh=mesh,
        scratch_types=[
            pltpu.VMEM((SEQ_PER_W, L), jnp.int32),
            pltpu.VMEM((SEQ_PER_W, H0, EMB), jnp.float32),
            pltpu.VMEM((H0, EMB, 33), jnp.float32),
            pltpu.VMEM((L, EMB), jnp.float32),
            pltpu.SemaphoreType.DMA,
        ],
        compiler_params=pltpu.CompilerParams(
            use_tc_tiling_on_sc=False, needs_layout_passes=False),
    )
    out_t = gather(tok_ids, wt_lin, pos_table)
    return jnp.transpose(out_t, (2, 0, 1))


def kernel(tok_ids, word_table, pos_table):
    return _embed(tok_ids, word_table, pos_table)

# --- scband reference (transcript-rebuilt; emitter-appended) ---
"""Pipeline reference for scband-token-embedding-38938173505861 (READ-ONLY COPY).

The authoritative reference and input builder live on the scoring server;
editing this copy changes nothing except your own understanding.
"""

import jax, jax.numpy as jnp
import numpy as np

VOC, EMB, PAD, B, L = 1000000, 16, 0, 1024, 200


def setup_inputs(seed: int = 0) -> dict:
    key = jax.random.key(seed)
    k1, k2, k3 = jax.random.split(key, 3)
    tok_ids = jax.random.randint(k1, (B, L), 0, VOC)
    word_table = jax.random.normal(k2, (VOC, EMB), dtype=jnp.float32) * 0.02
    # reinit_embedding_ zeroes the padding row
    word_table = word_table.at[PAD].set(0.0)
    pos_table = jax.random.normal(k3, (L, EMB), dtype=jnp.float32) * 0.02
    return {"tok_ids": tok_ids, "word_table": word_table, "pos_table": pos_table}


def reference(tok_ids, word_table, pos_table):
    # word embedding lookup (gather)
    word_embedded = jnp.take(word_table, tok_ids, axis=0)  # [B, L, EMB]
    # positional embedding: pos = arange(L) repeated over batch
    pos = jnp.arange(word_embedded.shape[1])
    pos_embedded = jnp.take(pos_table, pos, axis=0)  # [L, EMB]
    return (word_embedded + pos_embedded[None, :, :]) * (0.5 ** 0.5)

if __name__ == "__main__":
    import jax
    _d = setup_inputs()
    print(jax.jit(kernel)(*tuple(_d.values())))

</pallas_src>

<mosaic_0001>
#map = affine_map<(d0, d1) -> (0, 0)>
#map1 = affine_map<(d0, d1) -> (0, 0, 0)>
module attributes {stable_mosaic.version = 14 : i64} {
  func.func @_gbody(%arg0: i32, %arg1: i32, %arg2: memref<1024x200xi32, #tpu.memory_space<hbm>>, %arg3: memref<1000000x16xf32, #tpu.memory_space<hbm>>, %arg4: memref<200x16xf32, #tpu.memory_space<hbm>>, %arg5: memref<200x16x1024xf32, #tpu.memory_space<hbm>>, %arg6: memref<32x200xi32, #tpu.memory_space<vmem>>, %arg7: memref<32x104x16xf32, #tpu.memory_space<vmem>>, %arg8: memref<104x16x33xf32, #tpu.memory_space<vmem>>, %arg9: memref<200x16xf32, #tpu.memory_space<vmem>>, %arg10: memref<!tpu.dma_semaphore, #tpu.memory_space<semaphore_mem>>) attributes {dimension_semantics = [#tpu.dimension_semantics<core_parallel>, #tpu.dimension_semantics<subcore_parallel>], iteration_bounds = array<i64: 2, 16>, scalar_prefetch = 0 : i64, scratch_operands = 5 : i64, tpu.core_type = #tpu.core_type<sc_vector_subcore>, window_params = [{transform_indices = #map}, {transform_indices = #map}, {transform_indices = #map}, {transform_indices = #map1}]} {
    %mul3A = arith.constant 2 : i32
    %mul3A_0 = arith.muli %arg1, %mul3A : i32
    %add3A = arith.addi %mul3A_0, %arg0 : i32
    %mul3A_1 = arith.constant 32 : i32
    %mul3A_2 = arith.muli %add3A, %mul3A_1 : i32
    "tpu.region"() ({
      %run_scoped3A = tpu.sem_alloc : memref<!tpu.dma_semaphore, #tpu.memory_space<semaphore_mem>>
      %dma_start3A = arith.constant 0 : i32
      %dma_start3A_45 = tpu.memref_slice %arg2[%mul3A_2, %dma_start3A] : memref<1024x200xi32, #tpu.memory_space<hbm>> -> memref<32x200xi32, #tpu.memory_space<hbm>>
      %dma_start3A_46 = arith.constant 0 : i32
      %dma_start3A_47 = tpu.memref_slice %arg2[%mul3A_2, %dma_start3A_46] : memref<1024x200xi32, #tpu.memory_space<hbm>> -> memref<32x200xi32, #tpu.memory_space<hbm>>
      tpu.enqueue_dma source(%dma_start3A_47 : memref<32x200xi32, #tpu.memory_space<hbm>>) target(%arg6 : memref<32x200xi32, #tpu.memory_space<vmem>>) target_semaphore(%run_scoped3A : memref<!tpu.dma_semaphore, #tpu.memory_space<semaphore_mem>>)
      %dma_wait3A = arith.constant 0 : i32
      %dma_wait3A_48 = tpu.memref_slice %arg2[%mul3A_2, %dma_wait3A] : memref<1024x200xi32, #tpu.memory_space<hbm>> -> memref<32x200xi32, #tpu.memory_space<hbm>>
      %dma_wait3A_49 = arith.constant 0 : i32
      %dma_wait3A_50 = tpu.memref_slice %arg2[%mul3A_2, %dma_wait3A_49] : memref<1024x200xi32, #tpu.memory_space<hbm>> -> memref<32x200xi32, #tpu.memory_space<hbm>>
      tpu.wait_dma2 semaphore(%run_scoped3A : memref<!tpu.dma_semaphore, #tpu.memory_space<semaphore_mem>>) src(%dma_wait3A_50 : memref<32x200xi32, #tpu.memory_space<hbm>>) dst(%arg6 : memref<32x200xi32, #tpu.memory_space<vmem>>)
      tpu.yield
    }) : () -> ()
    "tpu.region"() ({
      %run_scoped3A = tpu.sem_alloc : memref<!tpu.dma_semaphore, #tpu.memory_space<semaphore_mem>>
      tpu.enqueue_dma source(%arg4 : memref<200x16xf32, #tpu.memory_space<hbm>>) target(%arg9 : memref<200x16xf32, #tpu.memory_space<vmem>>) target_semaphore(%run_scoped3A : memref<!tpu.dma_semaphore, #tpu.memory_space<semaphore_mem>>)
      tpu.wait_dma2 semaphore(%run_scoped3A : memref<!tpu.dma_semaphore, #tpu.memory_space<semaphore_mem>>) src(%arg4 : memref<200x16xf32, #tpu.memory_space<hbm>>) dst(%arg9 : memref<200x16xf32, #tpu.memory_space<vmem>>)
      tpu.yield
    }) : () -> ()
    %broadcast_in_dim3A = arith.constant 0.707106769 : f32
    %broadcast_in_dim3A_3 = vector.broadcast %broadcast_in_dim3A : f32 to vector<16xf32>
    %scan3A = arith.constant 0 : i32
    %scan3A_4 = arith.constant 0 : i32
    %scan3A_5 = arith.constant 200 : i32
    %scan3A_6 = arith.addi %scan3A_4, %scan3A_5 : i32
    %scan3A_7 = arith.constant 4 : i32
    scf.for %scan3A_45 = %scan3A_4 to %scan3A_6 step %scan3A_7  : i32 {
      %get3A = arith.index_cast %scan3A_45 : i32 to index
      %get3A_46 = arith.constant 0 : index
      %get3A_47 = tpu.vector_load %arg9[%get3A, %get3A_46] {strides = array<i32>} : memref<200x16xf32, #tpu.memory_space<vmem>>, vector<16xf32>,
      %mul3A_48 = arith.mulf %get3A_47, %broadcast_in_dim3A_3 : vector<16xf32>
      %swap3A = arith.index_cast %scan3A_45 : i32 to index
      %swap3A_49 = arith.constant 0 : index
      %swap3A_50 = tpu.vector_load %arg9[%swap3A, %swap3A_49] {strides = array<i32>} : memref<200x16xf32, #tpu.memory_space<vmem>>, vector<16xf32>,
      tpu.vector_store %arg9[%swap3A, %swap3A_49], %mul3A_48 {strides = array<i32>} : memref<200x16xf32, #tpu.memory_space<vmem>>, vector<16xf32>,
      %scan3A_51 = arith.constant 1 : i32
      %scan3A_52 = arith.addi %scan3A_45, %scan3A_51 : i32
      %get3A_53 = arith.index_cast %scan3A_52 : i32 to index
      %get3A_54 = arith.constant 0 : index
      %get3A_55 = tpu.vector_load %arg9[%get3A_53, %get3A_54] {strides = array<i32>} : memref<200x16xf32, #tpu.memory_space<vmem>>, vector<16xf32>,
      %mul3A_56 = arith.mulf %get3A_55, %broadcast_in_dim3A_3 : vector<16xf32>
      %swap3A_57 = arith.index_cast %scan3A_52 : i32 to index
      %swap3A_58 = arith.constant 0 : index
      %swap3A_59 = tpu.vector_load %arg9[%swap3A_57, %swap3A_58] {strides = array<i32>} : memref<200x16xf32, #tpu.memory_space<vmem>>, vector<16xf32>,
      tpu.vector_store %arg9[%swap3A_57, %swap3A_58], %mul3A_56 {strides = array<i32>} : memref<200x16xf32, #tpu.memory_space<vmem>>, vector<16xf32>,
      %scan3A_60 = arith.constant 2 : i32
      %scan3A_61 = arith.addi %scan3A_45, %scan3A_60 : i32
      %get3A_62 = arith.index_cast %scan3A_61 : i32 to index
      %get3A_63 = arith.constant 0 : index
      %get3A_64 = tpu.vector_load %arg9[%get3A_62, %get3A_63] {strides = array<i32>} : memref<200x16xf32, #tpu.memory_space<vmem>>, vector<16xf32>,
      %mul3A_65 = arith.mulf %get3A_64, %broadcast_in_dim3A_3 : vector<16xf32>
      %swap3A_66 = arith.index_cast %scan3A_61 : i32 to index
      %swap3A_67 = arith.constant 0 : index
      %swap3A_68 = tpu.vector_load %arg9[%swap3A_66, %swap3A_67] {strides = array<i32>} : memref<200x16xf32, #tpu.memory_space<vmem>>, vector<16xf32>,
      tpu.vector_store %arg9[%swap3A_66, %swap3A_67], %mul3A_65 {strides = array<i32>} : memref<200x16xf32, #tpu.memory_space<vmem>>, vector<16xf32>,
      %scan3A_69 = arith.constant 3 : i32
      %scan3A_70 = arith.addi %scan3A_45, %scan3A_69 : i32
      %get3A_71 = arith.index_cast %scan3A_70 : i32 to index
      %get3A_72 = arith.constant 0 : index
      %get3A_73 = tpu.vector_load %arg9[%get3A_71, %get3A_72] {strides = array<i32>} : memref<200x16xf32, #tpu.memory_space<vmem>>, vector<16xf32>,
      %mul3A_74 = arith.mulf %get3A_73, %broadcast_in_dim3A_3 : vector<16xf32>
      %swap3A_75 = arith.index_cast %scan3A_70 : i32 to index
      %swap3A_76 = arith.constant 0 : index
      %swap3A_77 = tpu.vector_load %arg9[%swap3A_75, %swap3A_76] {strides = array<i32>} : memref<200x16xf32, #tpu.memory_space<vmem>>, vector<16xf32>,
      tpu.vector_store %arg9[%swap3A_75, %swap3A_76], %mul3A_74 {strides = array<i32>} : memref<200x16xf32, #tpu.memory_space<vmem>>, vector<16xf32>,
    }
    %scan3A_8 = arith.constant 200 : i32
    %iota3A = tpu.iota {dimensions = array<i32: 0>} : vector<16xi32>
    %scan3A_9 = arith.constant 0 : i32
    %scan3A_10 = arith.constant 0 : i32
    %scan3A_11 = arith.constant 32 : i32
    %scan3A_12 = arith.addi %scan3A_10, %scan3A_11 : i32
    %scan3A_13 = arith.constant 1 : i32
    scf.for %scan3A_45 = %scan3A_10 to %scan3A_12 step %scan3A_13  : i32 {
      %dma_start3A = arith.constant 0 : i32
      %dma_start3A_46 = arith.constant 0 : i32
      %dma_start3A_47 = tpu.memref_slice %arg7[%scan3A_45, %dma_start3A, %dma_start3A_46] : memref<32x104x16xf32, #tpu.memory_space<vmem>> -> memref<1x104x16xf32, #tpu.memory_space<vmem>>
      %dma_start3A_48 = tpu.memref_squeeze %dma_start3A_47 : memref<1x104x16xf32, #tpu.memory_space<vmem>> -> memref<104x16xf32, #tpu.memory_space<vmem>>
      %dma_start3A_49 = arith.constant 0 : i32
      %dma_start3A_50 = tpu.memref_slice %arg6[%scan3A_45, %dma_start3A_49] : memref<32x200xi32, #tpu.memory_space<vmem>> -> memref<1x104xi32, #tpu.memory_space<vmem>>
      %dma_start3A_51 = tpu.memref_squeeze %dma_start3A_50 : memref<1x104xi32, #tpu.memory_space<vmem>> -> memref<104xi32, #tpu.memory_space<vmem>>
      %dma_start3A_52 = arith.constant 0 : i32
      %dma_start3A_53 = arith.constant 0 : i32
      %dma_start3A_54 = tpu.memref_slice %arg3[%dma_start3A_52, %dma_start3A_53] : memref<1000000x16xf32, #tpu.memory_space<hbm>> -> memref<1000000x16xf32, #tpu.memory_space<hbm>>
      tpu.enqueue_indirect_dma source(%dma_start3A_54 : memref<1000000x16xf32, #tpu.memory_space<hbm>>) target(%dma_start3A_48 : memref<104x16xf32, #tpu.memory_space<vmem>>) offsets(%dma_start3A_51 : memref<104xi32, #tpu.memory_space<vmem>>) semaphore(%arg10 : memref<!tpu.dma_semaphore, #tpu.memory_space<semaphore_mem>>)
    }
    %scan3A_14 = arith.constant 32 : i32
    %scan3A_15 = arith.constant 0 : i32
    %scan3A_16 = arith.constant 0 : i32
    %scan3A_17 = arith.constant 32 : i32
    %scan3A_18 = arith.addi %scan3A_16, %scan3A_17 : i32
    %scan3A_19 = arith.constant 1 : i32
    scf.for %scan3A_45 = %scan3A_16 to %scan3A_18 step %scan3A_19  : i32 {
      %dma_wait3A = arith.constant 0 : i32
      %dma_wait3A_46 = arith.constant 0 : i32
      %dma_wait3A_47 = arith.constant 0 : i32
      %dma_wait3A_48 = arith.constant 0 : i32
      %dma_wait3A_49 = tpu.memref_slice %arg7[%dma_wait3A_46, %dma_wait3A_47, %dma_wait3A_48] : memref<32x104x16xf32, #tpu.memory_space<vmem>> -> memref<1x104x16xf32, #tpu.memory_space<vmem>>
      %dma_wait3A_50 = tpu.memref_squeeze %dma_wait3A_49 : memref<1x104x16xf32, #tpu.memory_space<vmem>> -> memref<104x16xf32, #tpu.memory_space<vmem>>
      %dma_wait3A_51 = arith.constant 0 : i32
      %dma_wait3A_52 = tpu.memref_slice %arg6[%dma_wait3A, %dma_wait3A_51] : memref<32x200xi32, #tpu.memory_space<vmem>> -> memref<1x104xi32, #tpu.memory_space<vmem>>
      %dma_wait3A_53 = tpu.memref_squeeze %dma_wait3A_52 : memref<1x104xi32, #tpu.memory_space<vmem>> -> memref<104xi32, #tpu.memory_space<vmem>>
      %dma_wait3A_54 = arith.constant 0 : i32
      %dma_wait3A_55 = arith.constant 0 : i32
      %dma_wait3A_56 = tpu.memref_slice %arg3[%dma_wait3A_54, %dma_wait3A_55] : memref<1000000x16xf32, #tpu.memory_space<hbm>> -> memref<1000000x16xf32, #tpu.memory_space<hbm>>
      tpu.wait_indirect_dma semaphore(%arg10 : memref<!tpu.dma_semaphore, #tpu.memory_space<semaphore_mem>>) src(%dma_wait3A_56 : memref<1000000x16xf32, #tpu.memory_space<hbm>>) dst(%dma_wait3A_50 : memref<104x16xf32, #tpu.memory_space<vmem>>)
    }
    %scan3A_20 = arith.constant 32 : i32
    %scan3A_21 = arith.constant 0 : i32
    %scan3A_22 = arith.constant 0 : i32
    %scan3A_23 = arith.constant 32 : i32
    %scan3A_24 = arith.addi %scan3A_22, %scan3A_23 : i32
    %scan3A_25 = arith.constant 1 : i32
    scf.for %scan3A_45 = %scan3A_22 to %scan3A_24 step %scan3A_25  : i32 {
      %parallel_loop3A = arith.constant 0 : i32
      %parallel_loop3A_46 = arith.constant 104 : i32
      %parallel_loop3A_47 = arith.constant 1 : i32
      scf.for %parallel_loop3A_48 = %parallel_loop3A to %parallel_loop3A_46 step %parallel_loop3A_47  : i32 {
        %parallel_loop3A_49 = arith.index_cast %scan3A_45 : i32 to index
        %parallel_loop3A_50 = arith.index_cast %parallel_loop3A_48 : i32 to index
        %parallel_loop3A_51 = arith.constant 0 : index
        %parallel_loop3A_52 = tpu.vector_load %arg7[%parallel_loop3A_49, %parallel_loop3A_50, %parallel_loop3A_51] {strides = array<i32>} : memref<32x104x16xf32, #tpu.memory_space<vmem>>, vector<16xf32>,
        %parallel_loop3A_53 = arith.mulf %parallel_loop3A_52, %broadcast_in_dim3A_3 : vector<16xf32>
        %parallel_loop3A_54 = arith.constant 0 : i32
        %parallel_loop3A_55 = arith.addi %parallel_loop3A_54, %parallel_loop3A_48 : i32
        %parallel_loop3A_56 = arith.index_cast %parallel_loop3A_55 : i32 to index
        %parallel_loop3A_57 = arith.constant 0 : index
        %parallel_loop3A_58 = tpu.vector_load %arg9[%parallel_loop3A_56, %parallel_loop3A_57] {strides = array<i32>} : memref<200x16xf32, #tpu.memory_space<vmem>>, vector<16xf32>,
        %parallel_loop3A_59 = arith.addf %parallel_loop3A_53, %parallel_loop3A_58 : vector<16xf32>
        %parallel_loop3A_60 = vector.broadcast %parallel_loop3A_48 : i32 to vector<16xi32>
        %parallel_loop3A_61 = vector.broadcast %scan3A_45 : i32 to vector<16xi32>
        tpu.vector_store_idx %arg8[%parallel_loop3A_60, %iota3A, %parallel_loop3A_61], %parallel_loop3A_59 : memref<104x16x33xf32, #tpu.memory_space<vmem>>[vector<16xi32>, vector<16xi32>, vector<16xi32>], vector<16xf32>,
      } {sc.loop_unroll_factor = 4 : i64, sc.parallel_access}
    }
    %scan3A_26 = arith.constant 32 : i32
    "tpu.region"() ({
      %run_scoped3A = tpu.sem_alloc : memref<!tpu.dma_semaphore, #tpu.memory_space<semaphore_mem>>
      %dma_start3A = arith.constant 0 : i32
      %dma_start3A_45 = arith.constant 0 : i32
      %dma_start3A_46 = arith.constant 0 : i32
      %dma_start3A_47 = tpu.memref_slice %arg8[%dma_start3A, %dma_start3A_45, %dma_start3A_46] : memref<104x16x33xf32, #tpu.memory_space<vmem>> -> memref<104x16x32xf32, #tpu.memory_space<vmem>>
      %dma_start3A_48 = arith.constant 0 : i32
      %dma_start3A_49 = arith.constant 0 : i32
      %dma_start3A_50 = tpu.memref_slice %arg5[%dma_start3A_48, %dma_start3A_49, %mul3A_2] : memref<200x16x1024xf32, #tpu.memory_space<hbm>> -> memref<104x16x32xf32, #tpu.memory_space<hbm>>
      %dma_start3A_51 = arith.constant 0 : i32
      %dma_start3A_52 = arith.constant 0 : i32
      %dma_start3A_53 = tpu.memref_slice %arg5[%dma_start3A_51, %dma_start3A_52, %mul3A_2] : memref<200x16x1024xf32, #tpu.memory_space<hbm>> -> memref<104x16x32xf32, #tpu.memory_space<hbm>>
      %dma_start3A_54 = arith.constant 0 : i32
      %dma_start3A_55 = arith.constant 0 : i32
      %dma_start3A_56 = arith.constant 0 : i32
      %dma_start3A_57 = tpu.memref_slice %arg8[%dma_start3A_54, %dma_start3A_55, %dma_start3A_56] : memref<104x16x33xf32, #tpu.memory_space<vmem>> -> memref<104x16x32xf32, #tpu.memory_space<vmem>>
      tpu.enqueue_dma source(%dma_start3A_57 : memref<104x16x32xf32, #tpu.memory_space<vmem>>) target(%dma_start3A_53 : memref<104x16x32xf32, #tpu.memory_space<hbm>>) target_semaphore(%run_scoped3A : memref<!tpu.dma_semaphore, #tpu.memory_space<semaphore_mem>>)
      %dma_wait3A = arith.constant 0 : i32
      %dma_wait3A_58 = arith.constant 0 : i32
      %dma_wait3A_59 = arith.constant 0 : i32
      %dma_wait3A_60 = tpu.memref_slice %arg8[%dma_wait3A, %dma_wait3A_58, %dma_wait3A_59] : memref<104x16x33xf32, #tpu.memory_space<vmem>> -> memref<104x16x32xf32, #tpu.memory_space<vmem>>
      %dma_wait3A_61 = arith.constant 0 : i32
      %dma_wait3A_62 = arith.constant 0 : i32
      %dma_wait3A_63 = tpu.memref_slice %arg5[%dma_wait3A_61, %dma_wait3A_62, %mul3A_2] : memref<200x16x1024xf32, #tpu.memory_space<hbm>> -> memref<104x16x32xf32, #tpu.memory_space<hbm>>
      %dma_wait3A_64 = arith.constant 0 : i32
      %dma_wait3A_65 = arith.constant 0 : i32
      %dma_wait3A_66 = tpu.memref_slice %arg5[%dma_wait3A_64, %dma_wait3A_65, %mul3A_2] : memref<200x16x1024xf32, #tpu.memory_space<hbm>> -> memref<104x16x32xf32, #tpu.memory_space<hbm>>
      %dma_wait3A_67 = arith.constant 0 : i32
      %dma_wait3A_68 = arith.constant 0 : i32
      %dma_wait3A_69 = arith.constant 0 : i32
      %dma_wait3A_70 = tpu.memref_slice %arg8[%dma_wait3A_67, %dma_wait3A_68, %dma_wait3A_69] : memref<104x16x33xf32, #tpu.memory_space<vmem>> -> memref<104x16x32xf32, #tpu.memory_space<vmem>>
      tpu.wait_dma2 semaphore(%run_scoped3A : memref<!tpu.dma_semaphore, #tpu.memory_space<semaphore_mem>>) src(%dma_wait3A_70 : memref<104x16x32xf32, #tpu.memory_space<vmem>>) dst(%dma_wait3A_66 : memref<104x16x32xf32, #tpu.memory_space<hbm>>)
      tpu.yield
    }) : () -> ()
    %scan3A_27 = arith.constant 0 : i32
    %scan3A_28 = arith.constant 0 : i32
    %scan3A_29 = arith.constant 32 : i32
    %scan3A_30 = arith.addi %scan3A_28, %scan3A_29 : i32
    %scan3A_31 = arith.constant 1 : i32
    scf.for %scan3A_45 = %scan3A_28 to %scan3A_30 step %scan3A_31  : i32 {
      %dma_start3A = arith.constant 0 : i32
      %dma_start3A_46 = arith.constant 0 : i32
      %dma_start3A_47 = tpu.memref_slice %arg7[%scan3A_45, %dma_start3A, %dma_start3A_46] : memref<32x104x16xf32, #tpu.memory_space<vmem>> -> memref<1x96x16xf32, #tpu.memory_space<vmem>>
      %dma_start3A_48 = tpu.memref_squeeze %dma_start3A_47 : memref<1x96x16xf32, #tpu.memory_space<vmem>> -> memref<96x16xf32, #tpu.memory_space<vmem>>
      %dma_start3A_49 = arith.constant 104 : i32
      %dma_start3A_50 = tpu.memref_slice %arg6[%scan3A_45, %dma_start3A_49] : memref<32x200xi32, #tpu.memory_space<vmem>> -> memref<1x96xi32, #tpu.memory_space<vmem>>
      %dma_start3A_51 = tpu.memref_squeeze %dma_start3A_50 : memref<1x96xi32, #tpu.memory_space<vmem>> -> memref<96xi32, #tpu.memory_space<vmem>>
      %dma_start3A_52 = arith.constant 0 : i32
      %dma_start3A_53 = arith.constant 0 : i32
      %dma_start3A_54 = tpu.memref_slice %arg3[%dma_start3A_52, %dma_start3A_53] : memref<1000000x16xf32, #tpu.memory_space<hbm>> -> memref<1000000x16xf32, #tpu.memory_space<hbm>>
      tpu.enqueue_indirect_dma source(%dma_start3A_54 : memref<1000000x16xf32, #tpu.memory_space<hbm>>) target(%dma_start3A_48 : memref<96x16xf32, #tpu.memory_space<vmem>>) offsets(%dma_start3A_51 : memref<96xi32, #tpu.memory_space<vmem>>) semaphore(%arg10 : memref<!tpu.dma_semaphore, #tpu.memory_space<semaphore_mem>>)
    }
    %scan3A_32 = arith.constant 32 : i32
    %scan3A_33 = arith.constant 0 : i32
    %scan3A_34 = arith.constant 0 : i32
    %scan3A_35 = arith.constant 32 : i32
    %scan3A_36 = arith.addi %scan3A_34, %scan3A_35 : i32
    %scan3A_37 = arith.constant 1 : i32
    scf.for %scan3A_45 = %scan3A_34 to %scan3A_36 step %scan3A_37  : i32 {
      %dma_wait3A = arith.constant 0 : i32
      %dma_wait3A_46 = arith.constant 0 : i32
      %dma_wait3A_47 = arith.constant 0 : i32
      %dma_wait3A_48 = arith.constant 0 : i32
      %dma_wait3A_49 = tpu.memref_slice %arg7[%dma_wait3A_46, %dma_wait3A_47, %dma_wait3A_48] : memref<32x104x16xf32, #tpu.memory_space<vmem>> -> memref<1x96x16xf32, #tpu.memory_space<vmem>>
      %dma_wait3A_50 = tpu.memref_squeeze %dma_wait3A_49 : memref<1x96x16xf32, #tpu.memory_space<vmem>> -> memref<96x16xf32, #tpu.memory_space<vmem>>
      %dma_wait3A_51 = arith.constant 104 : i32
      %dma_wait3A_52 = tpu.memref_slice %arg6[%dma_wait3A, %dma_wait3A_51] : memref<32x200xi32, #tpu.memory_space<vmem>> -> memref<1x96xi32, #tpu.memory_space<vmem>>
      %dma_wait3A_53 = tpu.memref_squeeze %dma_wait3A_52 : memref<1x96xi32, #tpu.memory_space<vmem>> -> memref<96xi32, #tpu.memory_space<vmem>>
      %dma_wait3A_54 = arith.constant 0 : i32
      %dma_wait3A_55 = arith.constant 0 : i32
      %dma_wait3A_56 = tpu.memref_slice %arg3[%dma_wait3A_54, %dma_wait3A_55] : memref<1000000x16xf32, #tpu.memory_space<hbm>> -> memref<1000000x16xf32, #tpu.memory_space<hbm>>
      tpu.wait_indirect_dma semaphore(%arg10 : memref<!tpu.dma_semaphore, #tpu.memory_space<semaphore_mem>>) src(%dma_wait3A_56 : memref<1000000x16xf32, #tpu.memory_space<hbm>>) dst(%dma_wait3A_50 : memref<96x16xf32, #tpu.memory_space<vmem>>)
    }
    %scan3A_38 = arith.constant 32 : i32
    %scan3A_39 = arith.constant 0 : i32
    %scan3A_40 = arith.constant 0 : i32
    %scan3A_41 = arith.constant 32 : i32
    %scan3A_42 = arith.addi %scan3A_40, %scan3A_41 : i32
    %scan3A_43 = arith.constant 1 : i32
    scf.for %scan3A_45 = %scan3A_40 to %scan3A_42 step %scan3A_43  : i32 {
      %parallel_loop3A = arith.constant 0 : i32
      %parallel_loop3A_46 = arith.constant 96 : i32
      %parallel_loop3A_47 = arith.constant 1 : i32
      scf.for %parallel_loop3A_48 = %parallel_loop3A to %parallel_loop3A_46 step %parallel_loop3A_47  : i32 {
        %parallel_loop3A_49 = arith.index_cast %scan3A_45 : i32 to index
        %parallel_loop3A_50 = arith.index_cast %parallel_loop3A_48 : i32 to index
        %parallel_loop3A_51 = arith.constant 0 : index
        %parallel_loop3A_52 = tpu.vector_load %arg7[%parallel_loop3A_49, %parallel_loop3A_50, %parallel_loop3A_51] {strides = array<i32>} : memref<32x104x16xf32, #tpu.memory_space<vmem>>, vector<16xf32>,
        %parallel_loop3A_53 = arith.mulf %parallel_loop3A_52, %broadcast_in_dim3A_3 : vector<16xf32>
        %parallel_loop3A_54 = arith.constant 104 : i32
        %parallel_loop3A_55 = arith.addi %parallel_loop3A_54, %parallel_loop3A_48 : i32
        %parallel_loop3A_56 = arith.index_cast %parallel_loop3A_55 : i32 to index
        %parallel_loop3A_57 = arith.constant 0 : index
        %parallel_loop3A_58 = tpu.vector_load %arg9[%parallel_loop3A_56, %parallel_loop3A_57] {strides = array<i32>} : memref<200x16xf32, #tpu.memory_space<vmem>>, vector<16xf32>,
        %parallel_loop3A_59 = arith.addf %parallel_loop3A_53, %parallel_loop3A_58 : vector<16xf32>
        %parallel_loop3A_60 = vector.broadcast %parallel_loop3A_48 : i32 to vector<16xi32>
        %parallel_loop3A_61 = vector.broadcast %scan3A_45 : i32 to vector<16xi32>
        tpu.vector_store_idx %arg8[%parallel_loop3A_60, %iota3A, %parallel_loop3A_61], %parallel_loop3A_59 : memref<104x16x33xf32, #tpu.memory_space<vmem>>[vector<16xi32>, vector<16xi32>, vector<16xi32>], vector<16xf32>,
      } {sc.loop_unroll_factor = 4 : i64, sc.parallel_access}
    }
    %scan3A_44 = arith.constant 32 : i32
    "tpu.region"() ({
      %run_scoped3A = tpu.sem_alloc : memref<!tpu.dma_semaphore, #tpu.memory_space<semaphore_mem>>
      %dma_start3A = arith.constant 0 : i32
      %dma_start3A_45 = arith.constant 0 : i32
      %dma_start3A_46 = arith.constant 0 : i32
      %dma_start3A_47 = tpu.memref_slice %arg8[%dma_start3A, %dma_start3A_45, %dma_start3A_46] : memref<104x16x33xf32, #tpu.memory_space<vmem>> -> memref<96x16x32xf32, #tpu.memory_space<vmem>>
      %dma_start3A_48 = arith.constant 104 : i32
      %dma_start3A_49 = arith.constant 0 : i32
      %dma_start3A_50 = tpu.memref_slice %arg5[%dma_start3A_48, %dma_start3A_49, %mul3A_2] : memref<200x16x1024xf32, #tpu.memory_space<hbm>> -> memref<96x16x32xf32, #tpu.memory_space<hbm>>
      %dma_start3A_51 = arith.constant 104 : i32
      %dma_start3A_52 = arith.constant 0 : i32
      %dma_start3A_53 = tpu.memref_slice %arg5[%dma_start3A_51, %dma_start3A_52, %mul3A_2] : memref<200x16x1024xf32, #tpu.memory_space<hbm>> -> memref<96x16x32xf32, #tpu.memory_space<hbm>>
      %dma_start3A_54 = arith.constant 0 : i32
      %dma_start3A_55 = arith.constant 0 : i32
      %dma_start3A_56 = arith.constant 0 : i32
      %dma_start3A_57 = tpu.memref_slice %arg8[%dma_start3A_54, %dma_start3A_55, %dma_start3A_56] : memref<104x16x33xf32, #tpu.memory_space<vmem>> -> memref<96x16x32xf32, #tpu.memory_space<vmem>>
      tpu.enqueue_dma source(%dma_start3A_57 : memref<96x16x32xf32, #tpu.memory_space<vmem>>) target(%dma_start3A_53 : memref<96x16x32xf32, #tpu.memory_space<hbm>>) target_semaphore(%run_scoped3A : memref<!tpu.dma_semaphore, #tpu.memory_space<semaphore_mem>>)
      %dma_wait3A = arith.constant 0 : i32
      %dma_wait3A_58 = arith.constant 0 : i32
      %dma_wait3A_59 = arith.constant 0 : i32
      %dma_wait3A_60 = tpu.memref_slice %arg8[%dma_wait3A, %dma_wait3A_58, %dma_wait3A_59] : memref<104x16x33xf32, #tpu.memory_space<vmem>> -> memref<96x16x32xf32, #tpu.memory_space<vmem>>
      %dma_wait3A_61 = arith.constant 104 : i32
      %dma_wait3A_62 = arith.constant 0 : i32
      %dma_wait3A_63 = tpu.memref_slice %arg5[%dma_wait3A_61, %dma_wait3A_62, %mul3A_2] : memref<200x16x1024xf32, #tpu.memory_space<hbm>> -> memref<96x16x32xf32, #tpu.memory_space<hbm>>
      %dma_wait3A_64 = arith.constant 104 : i32
      %dma_wait3A_65 = arith.constant 0 : i32
      %dma_wait3A_66 = tpu.memref_slice %arg5[%dma_wait3A_64, %dma_wait3A_65, %mul3A_2] : memref<200x16x1024xf32, #tpu.memory_space<hbm>> -> memref<96x16x32xf32, #tpu.memory_space<hbm>>
      %dma_wait3A_67 = arith.constant 0 : i32
      %dma_wait3A_68 = arith.constant 0 : i32
      %dma_wait3A_69 = arith.constant 0 : i32
      %dma_wait3A_70 = tpu.memref_slice %arg8[%dma_wait3A_67, %dma_wait3A_68, %dma_wait3A_69] : memref<104x16x33xf32, #tpu.memory_space<vmem>> -> memref<96x16x32xf32, #tpu.memory_space<vmem>>
      tpu.wait_dma2 semaphore(%run_scoped3A : memref<!tpu.dma_semaphore, #tpu.memory_space<semaphore_mem>>) src(%dma_wait3A_70 : memref<96x16x32xf32, #tpu.memory_space<vmem>>) dst(%dma_wait3A_66 : memref<96x16x32xf32, #tpu.memory_space<hbm>>)
      tpu.yield
    }) : () -> ()
    return
  }
}

#map = affine_map<(d0, d1) -> (0, 0)>
module attributes {stable_mosaic.version = 14 : i64} {
  func.func @_tbody(%arg0: i32, %arg1: i32, %arg2: memref<16x1000000xf32, #tpu.memory_space<hbm>>, %arg3: memref<64x16xf32, #tpu.memory_space<hbm>>, %arg4: memref<125000x128xf32, #tpu.memory_space<hbm>>, %arg5: memref<2x16x1537xf32, #tpu.memory_space<vmem>>, %arg6: memref<2x192x128xf32, #tpu.memory_space<vmem>>, %arg7: memref<64x16xf32, #tpu.memory_space<vmem>>, %arg8: memref<!tpu.dma_semaphore, #tpu.memory_space<semaphore_mem>>, %arg9: memref<!tpu.dma_semaphore, #tpu.memory_space<semaphore_mem>>) attributes {dimension_semantics = [#tpu.dimension_semantics<core_parallel>, #tpu.dimension_semantics<subcore_parallel>], iteration_bounds = array<i64: 2, 16>, scalar_prefetch = 0 : i64, scratch_operands = 5 : i64, tpu.core_type = #tpu.core_type<sc_vector_subcore>, window_params = [{transform_indices = #map}, {transform_indices = #map}, {transform_indices = #map}]} {
    %mul3A = arith.constant 2 : i32
    %mul3A_0 = arith.muli %arg1, %mul3A : i32
    %add3A = arith.addi %mul3A_0, %arg0 : i32
    %mul3A_1 = arith.constant 31232 : i32
    %mul3A_2 = arith.muli %add3A, %mul3A_1 : i32
    %add3A_3 = arith.constant 0 : i32
    %add3A_4 = arith.addi %mul3A_2, %add3A_3 : i32
    %multiple_of3A = tpu.assume_multiple %add3A_4, 128 : i32
    %dma_start3A = arith.constant 0 : i32
    %dma_start3A_5 = arith.constant 0 : i32
    %dma_start3A_6 = arith.constant 0 : i32
    %dma_start3A_7 = tpu.memref_slice %arg5[%dma_start3A, %dma_start3A_5, %dma_start3A_6] : memref<2x16x1537xf32, #tpu.memory_space<vmem>> -> memref<1x16x1536xf32, #tpu.memory_space<vmem>>
    %dma_start3A_8 = tpu.memref_squeeze %dma_start3A_7 : memref<1x16x1536xf32, #tpu.memory_space<vmem>> -> memref<16x1536xf32, #tpu.memory_space<vmem>>
    %dma_start3A_9 = arith.constant 0 : i32
    %dma_start3A_10 = tpu.memref_slice %arg2[%dma_start3A_9, %multiple_of3A] : memref<16x1000000xf32, #tpu.memory_space<hbm>> -> memref<16x1536xf32, #tpu.memory_space<hbm>>
    %dma_start3A_11 = arith.constant 0 : i32
    %dma_start3A_12 = arith.constant 0 : i32
    %dma_start3A_13 = tpu.memref_slice %arg5[%dma_start3A, %dma_start3A_11, %dma_start3A_12] : memref<2x16x1537xf32, #tpu.memory_space<vmem>> -> memref<1x16x1536xf32, #tpu.memory_space<vmem>>
    %dma_start3A_14 = tpu.memref_squeeze %dma_start3A_13 : memref<1x16x1536xf32, #tpu.memory_space<vmem>> -> memref<16x1536xf32, #tpu.memory_space<vmem>>
    %dma_start3A_15 = arith.constant 0 : i32
    %dma_start3A_16 = tpu.memref_slice %arg2[%dma_start3A_15, %multiple_of3A] : memref<16x1000000xf32, #tpu.memory_space<hbm>> -> memref<16x1536xf32, #tpu.memory_space<hbm>>
    tpu.enqueue_dma source(%dma_start3A_16 : memref<16x1536xf32, #tpu.memory_space<hbm>>) target(%dma_start3A_14 : memref<16x1536xf32, #tpu.memory_space<vmem>>) target_semaphore(%arg8 : memref<!tpu.dma_semaphore, #tpu.memory_space<semaphore_mem>>)
    %scan3A = arith.constant 0 : i32
    %scan3A_17 = arith.constant 0 : i32
    %scan3A_18 = arith.constant 20 : i32
    %scan3A_19 = arith.addi %scan3A_17, %scan3A_18 : i32
    %scan3A_20 = arith.constant 1 : i32
    scf.for %scan3A_140 = %scan3A_17 to %scan3A_19 step %scan3A_20  : i32 {
      %add3A_141 = arith.constant 1 : i32
      %add3A_142 = arith.addi %scan3A_140, %add3A_141 : i32
      %lt3A = arith.constant 20 : i32
      %lt3A_143 = arith.cmpi slt, %add3A_142, %lt3A : i32
      %convert_element_type3A_144 = arith.extui %lt3A_143 : i1 to i32
      %cond3A_145 = arith.constant 0 : i32
      %cond3A_146 = arith.cmpi ne, %convert_element_type3A_144, %cond3A_145 : i32
      scf.if %cond3A_146 {
        %add3A_259 = arith.constant 1 : i32
        %add3A_260 = arith.addi %scan3A_140, %add3A_259 : i32
        %mul3A_261 = arith.constant 1536 : i32
        %mul3A_262 = arith.muli %add3A_260, %mul3A_261 : i32
        %add3A_263 = arith.addi %mul3A_2, %mul3A_262 : i32
        %multiple_of3A_264 = tpu.assume_multiple %add3A_263, 128 : i32
        %jit3A_265 = arith.constant 2 : i32
        %eq3A_266 = arith.constant 0 : i32
        %eq3A_267 = arith.cmpi eq, %jit3A_265, %eq3A_266 : i32
        %jit3A_268 = arith.constant 1 : i32
        %select_n3A_269 = arith.select %eq3A_267, %jit3A_268, %jit3A_265 : i32
        %rem3A_270 = arith.remsi %add3A_260, %select_n3A_269 : i32
        %ne3A_271 = arith.constant 0 : i32
        %ne3A_272 = arith.cmpi ne, %rem3A_270, %ne3A_271 : i32
        %lt3A_273 = arith.constant 0 : i32
        %lt3A_274 = arith.cmpi slt, %rem3A_270, %lt3A_273 : i32
        %lt3A_275 = arith.constant 0 : i32
        %lt3A_276 = arith.cmpi slt, %select_n3A_269, %lt3A_275 : i32
        %ne3A_277 = arith.xori %lt3A_274, %lt3A_276 : i1
        %and3A_278 = arith.andi %ne3A_277, %ne3A_272 : i1
        %add3A_279 = arith.addi %rem3A_270, %select_n3A_269 : i32
        %select_n3A_280 = arith.select %and3A_278, %add3A_279, %rem3A_270 : i32
        %dma_start3A_281 = arith.constant 0 : i32
        %dma_start3A_282 = arith.constant 0 : i32
        %dma_start3A_283 = tpu.memref_slice %arg5[%select_n3A_280, %dma_start3A_281, %dma_start3A_282] : memref<2x16x1537xf32, #tpu.memory_space<vmem>> -> memref<1x16x1536xf32, #tpu.memory_space<vmem>>
        %dma_start3A_284 = tpu.memref_squeeze %dma_start3A_283 : memref<1x16x1536xf32, #tpu.memory_space<vmem>> -> memref<16x1536xf32, #tpu.memory_space<vmem>>
        %dma_start3A_285 = arith.constant 0 : i32
        %dma_start3A_286 = tpu.memref_slice %arg2[%dma_start3A_285, %multiple_of3A_264] : memref<16x1000000xf32, #tpu.memory_space<hbm>> -> memref<16x1536xf32, #tpu.memory_space<hbm>>
        %dma_start3A_287 = arith.constant 0 : i32
        %dma_start3A_288 = arith.constant 0 : i32
        %dma_start3A_289 = tpu.memref_slice %arg5[%select_n3A_280, %dma_start3A_287, %dma_start3A_288] : memref<2x16x1537xf32, #tpu.memory_space<vmem>> -> memref<1x16x1536xf32, #tpu.memory_space<vmem>>
        %dma_start3A_290 = tpu.memref_squeeze %dma_start3A_289 : memref<1x16x1536xf32, #tpu.memory_space<vmem>> -> memref<16x1536xf32, #tpu.memory_space<vmem>>
        %dma_start3A_291 = arith.constant 0 : i32
        %dma_start3A_292 = tpu.memref_slice %arg2[%dma_start3A_291, %multiple_of3A_264] : memref<16x1000000xf32, #tpu.memory_space<hbm>> -> memref<16x1536xf32, #tpu.memory_space<hbm>>
        tpu.enqueue_dma source(%dma_start3A_292 : memref<16x1536xf32, #tpu.memory_space<hbm>>) target(%dma_start3A_290 : memref<16x1536xf32, #tpu.memory_space<vmem>>) target_semaphore(%arg8 : memref<!tpu.dma_semaphore, #tpu.memory_space<semaphore_mem>>)
      } else {
      }
      %dma_wait3A_147 = arith.constant 0 : i32
      %dma_wait3A_148 = arith.constant 0 : i32
      %dma_wait3A_149 = arith.constant 0 : i32
      %dma_wait3A_150 = tpu.memref_slice %arg5[%dma_wait3A_147, %dma_wait3A_148, %dma_wait3A_149] : memref<2x16x1537xf32, #tpu.memory_space<vmem>> -> memref<1x16x1536xf32, #tpu.memory_space<vmem>>
      %dma_wait3A_151 = tpu.memref_squeeze %dma_wait3A_150 : memref<1x16x1536xf32, #tpu.memory_space<vmem>> -> memref<16x1536xf32, #tpu.memory_space<vmem>>
      %dma_wait3A_152 = arith.constant 0 : i32
      %dma_wait3A_153 = arith.constant 0 : i32
      %dma_wait3A_154 = tpu.memref_slice %arg2[%dma_wait3A_152, %dma_wait3A_153] : memref<16x1000000xf32, #tpu.memory_space<hbm>> -> memref<16x1536xf32, #tpu.memory_space<hbm>>
      %dma_wait3A_155 = arith.constant 0 : i32
      %dma_wait3A_156 = arith.constant 0 : i32
      %dma_wait3A_157 = tpu.memref_slice %arg5[%dma_wait3A_147, %dma_wait3A_155, %dma_wait3A_156] : memref<2x16x1537xf32, #tpu.memory_space<vmem>> -> memref<1x16x1536xf32, #tpu.memory_space<vmem>>
      %dma_wait3A_158 = tpu.memref_squeeze %dma_wait3A_157 : memref<1x16x1536xf32, #tpu.memory_space<vmem>> -> memref<16x1536xf32, #tpu.memory_space<vmem>>
      %dma_wait3A_159 = arith.constant 0 : i32
      %dma_wait3A_160 = arith.constant 0 : i32
      %dma_wait3A_161 = tpu.memref_slice %arg2[%dma_wait3A_159, %dma_wait3A_160] : memref<16x1000000xf32, #tpu.memory_space<hbm>> -> memref<16x1536xf32, #tpu.memory_space<hbm>>
      tpu.wait_dma2 semaphore(%arg8 : memref<!tpu.dma_semaphore, #tpu.memory_space<semaphore_mem>>) src(%dma_wait3A_161 : memref<16x1536xf32, #tpu.memory_space<hbm>>) dst(%dma_wait3A_158 : memref<16x1536xf32, #tpu.memory_space<vmem>>)
      %ge3A = arith.constant 2 : i32
      %ge3A_162 = arith.cmpi sge, %scan3A_140, %ge3A : i32
      %convert_element_type3A_163 = arith.extui %ge3A_162 : i1 to i32
      %cond3A_164 = arith.constant 0 : i32
      %cond3A_165 = arith.cmpi ne, %convert_element_type3A_163, %cond3A_164 : i32
      scf.if %cond3A_165 {
        %dma_wait3A_259 = arith.constant 0 : i32
        %dma_wait3A_260 = arith.constant 0 : i32
        %dma_wait3A_261 = arith.constant 0 : i32
        %dma_wait3A_262 = tpu.memref_slice %arg6[%dma_wait3A_259, %dma_wait3A_260, %dma_wait3A_261] : memref<2x192x128xf32, #tpu.memory_space<vmem>> -> memref<1x192x128xf32, #tpu.memory_space<vmem>>
        %dma_wait3A_263 = tpu.memref_squeeze %dma_wait3A_262 : memref<1x192x128xf32, #tpu.memory_space<vmem>> -> memref<192x128xf32, #tpu.memory_space<vmem>>
        %dma_wait3A_264 = arith.constant 0 : i32
        %dma_wait3A_265 = arith.constant 0 : i32
        %dma_wait3A_266 = tpu.memref_slice %arg4[%dma_wait3A_264, %dma_wait3A_265] : memref<125000x128xf32, #tpu.memory_space<hbm>> -> memref<192x128xf32, #tpu.memory_space<hbm>>
        %dma_wait3A_267 = arith.constant 0 : i32
        %dma_wait3A_268 = arith.constant 0 : i32
        %dma_wait3A_269 = tpu.memref_slice %arg4[%dma_wait3A_267, %dma_wait3A_268] : memref<125000x128xf32, #tpu.memory_space<hbm>> -> memref<192x128xf32, #tpu.memory_space<hbm>>
        %dma_wait3A_270 = arith.constant 0 : i32
        %dma_wait3A_271 = arith.constant 0 : i32
        %dma_wait3A_272 = tpu.memref_slice %arg6[%dma_wait3A_259, %dma_wait3A_270, %dma_wait3A_271] : memref<2x192x128xf32, #tpu.memory_space<vmem>> -> memref<1x192x128xf32, #tpu.memory_space<vmem>>
        %dma_wait3A_273 = tpu.memref_squeeze %dma_wait3A_272 : memref<1x192x128xf32, #tpu.memory_space<vmem>> -> memref<192x128xf32, #tpu.memory_space<vmem>>
        tpu.wait_dma2 semaphore(%arg9 : memref<!tpu.dma_semaphore, #tpu.memory_space<semaphore_mem>>) src(%dma_wait3A_273 : memref<192x128xf32, #tpu.memory_space<vmem>>) dst(%dma_wait3A_269 : memref<192x128xf32, #tpu.memory_space<hbm>>)
      } else {
      }
      %jit3A_166 = arith.constant 2 : i32
      %eq3A_167 = arith.constant 0 : i32
      %eq3A_168 = arith.cmpi eq, %jit3A_166, %eq3A_167 : i32
      %jit3A_169 = arith.constant 1 : i32
      %select_n3A_170 = arith.select %eq3A_168, %jit3A_169, %jit3A_166 : i32
      %rem3A_171 = arith.remsi %scan3A_140, %select_n3A_170 : i32
      %ne3A_172 = arith.constant 0 : i32
      %ne3A_173 = arith.cmpi ne, %rem3A_171, %ne3A_172 : i32
      %lt3A_174 = arith.constant 0 : i32
      %lt3A_175 = arith.cmpi slt, %rem3A_171, %lt3A_174 : i32
      %lt3A_176 = arith.constant 0 : i32
      %lt3A_177 = arith.cmpi slt, %select_n3A_170, %lt3A_176 : i32
      %ne3A_178 = arith.xori %lt3A_175, %lt3A_177 : i1
      %and3A_179 = arith.andi %ne3A_178, %ne3A_173 : i1
      %add3A_180 = arith.addi %rem3A_171, %select_n3A_170 : i32
      %select_n3A_181 = arith.select %and3A_179, %add3A_180, %rem3A_171 : i32
      %jit3A_182 = arith.constant 2 : i32
      %eq3A_183 = arith.constant 0 : i32
      %eq3A_184 = arith.cmpi eq, %jit3A_182, %eq3A_183 : i32
      %jit3A_185 = arith.constant 1 : i32
      %select_n3A_186 = arith.select %eq3A_184, %jit3A_185, %jit3A_182 : i32
      %rem3A_187 = arith.remsi %scan3A_140, %select_n3A_186 : i32
      %ne3A_188 = arith.constant 0 : i32
      %ne3A_189 = arith.cmpi ne, %rem3A_187, %ne3A_188 : i32
      %lt3A_190 = arith.constant 0 : i32
      %lt3A_191 = arith.cmpi slt, %rem3A_187, %lt3A_190 : i32
      %lt3A_192 = arith.constant 0 : i32
      %lt3A_193 = arith.cmpi slt, %select_n3A_186, %lt3A_192 : i32
      %ne3A_194 = arith.xori %lt3A_191, %lt3A_193 : i1
      %and3A_195 = arith.andi %ne3A_194, %ne3A_189 : i1
      %add3A_196 = arith.addi %rem3A_187, %select_n3A_186 : i32
      %select_n3A_197 = arith.select %and3A_195, %add3A_196, %rem3A_187 : i32
      %iota3A_198 = tpu.iota {dimensions = array<i32: 0>} : vector<16xi32>
      %parallel_loop3A_199 = arith.constant 0 : i32
      %parallel_loop3A_200 = arith.constant 192 : i32
      %parallel_loop3A_201 = arith.constant 1 : i32
      scf.for %parallel_loop3A_259 = %parallel_loop3A_199 to %parallel_loop3A_200 step %parallel_loop3A_201  : i32 {
        %parallel_loop3A_260 = arith.constant 8 : i32
        %parallel_loop3A_261 = arith.muli %parallel_loop3A_259, %parallel_loop3A_260 : i32
        %parallel_loop3A_262 = vector.broadcast %parallel_loop3A_261 : i32 to vector<16xi32>
        %parallel_loop3A_263 = arith.constant 0 : i32
        %parallel_loop3A_264 = vector.broadcast %parallel_loop3A_263 : i32 to vector<16xi32>
        %parallel_loop3A_265 = arith.addi %parallel_loop3A_262, %parallel_loop3A_264 : vector<16xi32>
        %parallel_loop3A_266 = arith.constant 0 : i32
        %parallel_loop3A_267 = arith.constant 0 : i32
        %parallel_loop3A_268 = tpu.memref_slice %arg5[%select_n3A_181, %parallel_loop3A_266, %parallel_loop3A_267] : memref<2x16x1537xf32, #tpu.memory_space<vmem>> -> memref<1x16x1537xf32, #tpu.memory_space<vmem>>
        %parallel_loop3A_269 = tpu.memref_squeeze %parallel_loop3A_268 : memref<1x16x1537xf32, #tpu.memory_space<vmem>> -> memref<16x1537xf32, #tpu.memory_space<vmem>>
        %parallel_loop3A_270 = tpu.vector_load_idx %parallel_loop3A_269[%iota3A_198, %parallel_loop3A_265] : memref<16x1537xf32, #tpu.memory_space<vmem>>[vector<16xi32>, vector<16xi32>], vector<16xf32>,
        %parallel_loop3A_271 = arith.constant 0 : i32
        %parallel_loop3A_272 = arith.constant 0 : i32
        %parallel_loop3A_273 = tpu.memref_slice %arg6[%select_n3A_197, %parallel_loop3A_271, %parallel_loop3A_272] : memref<2x192x128xf32, #tpu.memory_space<vmem>> -> memref<1x192x128xf32, #tpu.memory_space<vmem>>
        %parallel_loop3A_274 = tpu.memref_squeeze %parallel_loop3A_273 : memref<1x192x128xf32, #tpu.memory_space<vmem>> -> memref<192x128xf32, #tpu.memory_space<vmem>>
        %parallel_loop3A_275 = arith.index_cast %parallel_loop3A_259 : i32 to index
        %parallel_loop3A_276 = arith.constant 0 : index
        %parallel_loop3A_277 = tpu.vector_load %parallel_loop3A_274[%parallel_loop3A_275, %parallel_loop3A_276] {strides = array<i32>} : memref<192x128xf32, #tpu.memory_space<vmem>>, vector<16xf32>,
        tpu.vector_store %parallel_loop3A_274[%parallel_loop3A_275, %parallel_loop3A_276], %parallel_loop3A_270 {strides = array<i32>} : memref<192x128xf32, #tpu.memory_space<vmem>>, vector<16xf32>,
        %parallel_loop3A_278 = arith.constant 1 : i32
        %parallel_loop3A_279 = vector.broadcast %parallel_loop3A_278 : i32 to vector<16xi32>
        %parallel_loop3A_280 = arith.addi %parallel_loop3A_262, %parallel_loop3A_279 : vector<16xi32>
        %parallel_loop3A_281 = arith.constant 0 : i32
        %parallel_loop3A_282 = arith.constant 0 : i32
        %parallel_loop3A_283 = tpu.memref_slice %arg5[%select_n3A_181, %parallel_loop3A_281, %parallel_loop3A_282] : memref<2x16x1537xf32, #tpu.memory_space<vmem>> -> memref<1x16x1537xf32, #tpu.memory_space<vmem>>
        %parallel_loop3A_284 = tpu.memref_squeeze %parallel_loop3A_283 : memref<1x16x1537xf32, #tpu.memory_space<vmem>> -> memref<16x1537xf32, #tpu.memory_space<vmem>>
        %parallel_loop3A_285 = tpu.vector_load_idx %parallel_loop3A_284[%iota3A_198, %parallel_loop3A_280] : memref<16x1537xf32, #tpu.memory_space<vmem>>[vector<16xi32>, vector<16xi32>], vector<16xf32>,
        %parallel_loop3A_286 = arith.constant 0 : i32
        %parallel_loop3A_287 = arith.constant 0 : i32
        %parallel_loop3A_288 = tpu.memref_slice %arg6[%select_n3A_197, %parallel_loop3A_286, %parallel_loop3A_287] : memref<2x192x128xf32, #tpu.memory_space<vmem>> -> memref<1x192x128xf32, #tpu.memory_space<vmem>>
        %parallel_loop3A_289 = tpu.memref_squeeze %parallel_loop3A_288 : memref<1x192x128xf32, #tpu.memory_space<vmem>> -> memref<192x128xf32, #tpu.memory_space<vmem>>
        %parallel_loop3A_290 = arith.index_cast %parallel_loop3A_259 : i32 to index
        %parallel_loop3A_291 = arith.constant 16 : index
        %parallel_loop3A_292 = tpu.vector_load %parallel_loop3A_289[%parallel_loop3A_290, %parallel_loop3A_291] {strides = array<i32>} : memref<192x128xf32, #tpu.memory_space<vmem>>, vector<16xf32>,
        tpu.vector_store %parallel_loop3A_289[%parallel_loop3A_290, %parallel_loop3A_291], %parallel_loop3A_285 {strides = array<i32>} : memref<192x128xf32, #tpu.memory_space<vmem>>, vector<16xf32>,
        %parallel_loop3A_293 = arith.constant 2 : i32
        %parallel_loop3A_294 = vector.broadcast %parallel_loop3A_293 : i32 to vector<16xi32>
        %parallel_loop3A_295 = arith.addi %parallel_loop3A_262, %parallel_loop3A_294 : vector<16xi32>
        %parallel_loop3A_296 = arith.constant 0 : i32
        %parallel_loop3A_297 = arith.constant 0 : i32
        %parallel_loop3A_298 = tpu.memref_slice %arg5[%select_n3A_181, %parallel_loop3A_296, %parallel_loop3A_297] : memref<2x16x1537xf32, #tpu.memory_space<vmem>> -> memref<1x16x1537xf32, #tpu.memory_space<vmem>>
        %parallel_loop3A_299 = tpu.memref_squeeze %parallel_loop3A_298 : memref<1x16x1537xf32, #tpu.memory_space<vmem>> -> memref<16x1537xf32, #tpu.memory_space<vmem>>
        %parallel_loop3A_300 = tpu.vector_load_idx %parallel_loop3A_299[%iota3A_198, %parallel_loop3A_295] : memref<16x1537xf32, #tpu.memory_space<vmem>>[vector<16xi32>, vector<16xi32>], vector<16xf32>,
        %parallel_loop3A_301 = arith.constant 0 : i32
        %parallel_loop3A_302 = arith.constant 0 : i32
        %parallel_loop3A_303 = tpu.memref_slice %arg6[%select_n3A_197, %parallel_loop3A_301, %parallel_loop3A_302] : memref<2x192x128xf32, #tpu.memory_space<vmem>> -> memref<1x192x128xf32, #tpu.memory_space<vmem>>
        %parallel_loop3A_304 = tpu.memref_squeeze %parallel_loop3A_303 : memref<1x192x128xf32, #tpu.memory_space<vmem>> -> memref<192x128xf32, #tpu.memory_space<vmem>>
        %parallel_loop3A_305 = arith.index_cast %parallel_loop3A_259 : i32 to index
        %parallel_loop3A_306 = arith.constant 32 : index
        %parallel_loop3A_307 = tpu.vector_load %parallel_loop3A_304[%parallel_loop3A_305, %parallel_loop3A_306] {strides = array<i32>} : memref<192x128xf32, #tpu.memory_space<vmem>>, vector<16xf32>,
        tpu.vector_store %parallel_loop3A_304[%parallel_loop3A_305, %parallel_loop3A_306], %parallel_loop3A_300 {strides = array<i32>} : memref<192x128xf32, #tpu.memory_space<vmem>>, vector<16xf32>,
        %parallel_loop3A_308 = arith.constant 3 : i32
        %parallel_loop3A_309 = vector.broadcast %parallel_loop3A_308 : i32 to vector<16xi32>
        %parallel_loop3A_310 = arith.addi %parallel_loop3A_262, %parallel_loop3A_309 : vector<16xi32>
        %parallel_loop3A_311 = arith.constant 0 : i32
        %parallel_loop3A_312 = arith.constant 0 : i32
        %parallel_loop3A_313 = tpu.memref_slice %arg5[%select_n3A_181, %parallel_loop3A_311, %parallel_loop3A_312] : memref<2x16x1537xf32, #tpu.memory_space<vmem>> -> memref<1x16x1537xf32, #tpu.memory_space<vmem>>
        %parallel_loop3A_314 = tpu.memref_squeeze %parallel_loop3A_313 : memref<1x16x1537xf32, #tpu.memory_space<vmem>> -> memref<16x1537xf32, #tpu.memory_space<vmem>>
        %parallel_loop3A_315 = tpu.vector_load_idx %parallel_loop3A_314[%iota3A_198, %parallel_loop3A_310] : memref<16x1537xf32, #tpu.memory_space<vmem>>[vector<16xi32>, vector<16xi32>], vector<16xf32>,
        %parallel_loop3A_316 = arith.constant 0 : i32
        %parallel_loop3A_317 = arith.constant 0 : i32
        %parallel_loop3A_318 = tpu.memref_slice %arg6[%select_n3A_197, %parallel_loop3A_316, %parallel_loop3A_317] : memref<2x192x128xf32, #tpu.memory_space<vmem>> -> memref<1x192x128xf32, #tpu.memory_space<vmem>>
        %parallel_loop3A_319 = tpu.memref_squeeze %parallel_loop3A_318 : memref<1x192x128xf32, #tpu.memory_space<vmem>> -> memref<192x128xf32, #tpu.memory_space<vmem>>
        %parallel_loop3A_320 = arith.index_cast %parallel_loop3A_259 : i32 to index
        %parallel_loop3A_321 = arith.constant 48 : index
        %parallel_loop3A_322 = tpu.vector_load %parallel_loop3A_319[%parallel_loop3A_320, %parallel_loop3A_321] {strides = array<i32>} : memref<192x128xf32, #tpu.memory_space<vmem>>, vector<16xf32>,
        tpu.vector_store %parallel_loop3A_319[%parallel_loop3A_320, %parallel_loop3A_321], %parallel_loop3A_315 {strides = array<i32>} : memref<192x128xf32, #tpu.memory_space<vmem>>, vector<16xf32>,
        %parallel_loop3A_323 = arith.constant 4 : i32
        %parallel_loop3A_324 = vector.broadcast %parallel_loop3A_323 : i32 to vector<16xi32>
        %parallel_loop3A_325 = arith.addi %parallel_loop3A_262, %parallel_loop3A_324 : vector<16xi32>
        %parallel_loop3A_326 = arith.constant 0 : i32
        %parallel_loop3A_327 = arith.constant 0 : i32
        %parallel_loop3A_328 = tpu.memref_slice %arg5[%select_n3A_181, %parallel_loop3A_326, %parallel_loop3A_327] : memref<2x16x1537xf32, #tpu.memory_space<vmem>> -> memref<1x16x1537xf32, #tpu.memory_space<vmem>>
        %parallel_loop3A_329 = tpu.memref_squeeze %parallel_loop3A_328 : memref<1x16x1537xf32, #tpu.memory_space<vmem>> -> memref<16x1537xf32, #tpu.memory_space<vmem>>
        %parallel_loop3A_330 = tpu.vector_load_idx %parallel_loop3A_329[%iota3A_198, %parallel_loop3A_325] : memref<16x1537xf32, #tpu.memory_space<vmem>>[vector<16xi32>, vector<16xi32>], vector<16xf32>,
        %parallel_loop3A_331 = arith.constant 0 : i32
        %parallel_loop3A_332 = arith.constant 0 : i32
        %parallel_loop3A_333 = tpu.memref_slice %arg6[%select_n3A_197, %parallel_loop3A_331, %parallel_loop3A_332] : memref<2x192x128xf32, #tpu.memory_space<vmem>> -> memref<1x192x128xf32, #tpu.memory_space<vmem>>
        %parallel_loop3A_334 = tpu.memref_squeeze %parallel_loop3A_333 : memref<1x192x128xf32, #tpu.memory_space<vmem>> -> memref<192x128xf32, #tpu.memory_space<vmem>>
        %parallel_loop3A_335 = arith.index_cast %parallel_loop3A_259 : i32 to index
        %parallel_loop3A_336 = arith.constant 64 : index
        %parallel_loop3A_337 = tpu.vector_load %parallel_loop3A_334[%parallel_loop3A_335, %parallel_loop3A_336] {strides = array<i32>} : memref<192x128xf32, #tpu.memory_space<vmem>>, vector<16xf32>,
        tpu.vector_store %parallel_loop3A_334[%parallel_loop3A_335, %parallel_loop3A_336], %parallel_loop3A_330 {strides = array<i32>} : memref<192x128xf32, #tpu.memory_space<vmem>>, vector<16xf32>,
        %parallel_loop3A_338 = arith.constant 5 : i32
        %parallel_loop3A_339 = vector.broadcast %parallel_loop3A_338 : i32 to vector<16xi32>
        %parallel_loop3A_340 = arith.addi %parallel_loop3A_262, %parallel_loop3A_339 : vector<16xi32>
        %parallel_loop3A_341 = arith.constant 0 : i32
        %parallel_loop3A_342 = arith.constant 0 : i32
        %parallel_loop3A_343 = tpu.memref_slice %arg5[%select_n3A_181, %parallel_loop3A_341, %parallel_loop3A_342] : memref<2x16x1537xf32, #tpu.memory_space<vmem>> -> memref<1x16x1537xf32, #tpu.memory_space<vmem>>
        %parallel_loop3A_344 = tpu.memref_squeeze %parallel_loop3A_343 : memref<1x16x1537xf32, #tpu.memory_space<vmem>> -> memref<16x1537xf32, #tpu.memory_space<vmem>>
        %parallel_loop3A_345 = tpu.vector_load_idx %parallel_loop3A_344[%iota3A_198, %parallel_loop3A_340] : memref<16x1537xf32, #tpu.memory_space<vmem>>[vector<16xi32>, vector<16xi32>], vector<16xf32>,
        %parallel_loop3A_346 = arith.constant 0 : i32
        %parallel_loop3A_347 = arith.constant 0 : i32
        %parallel_loop3A_348 = tpu.memref_slice %arg6[%select_n3A_197, %parallel_loop3A_346, %parallel_loop3A_347] : memref<2x192x128xf32, #tpu.memory_space<vmem>> -> memref<1x192x128xf32, #tpu.memory_space<vmem>>
        %parallel_loop3A_349 = tpu.memref_squeeze %parallel_loop3A_348 : memref<1x192x128xf32, #tpu.memory_space<vmem>> -> memref<192x128xf32, #tpu.memory_space<vmem>>
        %parallel_loop3A_350 = arith.index_cast %parallel_loop3A_259 : i32 to index
        %parallel_loop3A_351 = arith.constant 80 : index
        %parallel_loop3A_352 = tpu.vector_load %parallel_loop3A_349[%parallel_loop3A_350, %parallel_loop3A_351] {strides = array<i32>} : memref<192x128xf32, #tpu.memory_space<vmem>>, vector<16xf32>,
        tpu.vector_store %parallel_loop3A_349[%parallel_loop3A_350, %parallel_loop3A_351], %parallel_loop3A_345 {strides = array<i32>} : memref<192x128xf32, #tpu.memory_space<vmem>>, vector<16xf32>,
        %parallel_loop3A_353 = arith.constant 6 : i32
        %parallel_loop3A_354 = vector.broadcast %parallel_loop3A_353 : i32 to vector<16xi32>
        %parallel_loop3A_355 = arith.addi %parallel_loop3A_262, %parallel_loop3A_354 : vector<16xi32>
        %parallel_loop3A_356 = arith.constant 0 : i32
        %parallel_loop3A_357 = arith.constant 0 : i32
        %parallel_loop3A_358 = tpu.memref_slice %arg5[%select_n3A_181, %parallel_loop3A_356, %parallel_loop3A_357] : memref<2x16x1537xf32, #tpu.memory_space<vmem>> -> memref<1x16x1537xf32, #tpu.memory_space<vmem>>
        %parallel_loop3A_359 = tpu.memref_squeeze %parallel_loop3A_358 : memref<1x16x1537xf32, #tpu.memory_space<vmem>> -> memref<16x1537xf32, #tpu.memory_space<vmem>>
        %parallel_loop3A_360 = tpu.vector_load_idx %parallel_loop3A_359[%iota3A_198, %parallel_loop3A_355] : memref<16x1537xf32, #tpu.memory_space<vmem>>[vector<16xi32>, vector<16xi32>], vector<16xf32>,
        %parallel_loop3A_361 = arith.constant 0 : i32
        %parallel_loop3A_362 = arith.constant 0 : i32
        %parallel_loop3A_363 = tpu.memref_slice %arg6[%select_n3A_197, %parallel_loop3A_361, %parallel_loop3A_362] : memref<2x192x128xf32, #tpu.memory_space<vmem>> -> memref<1x192x128xf32, #tpu.memory_space<vmem>>
        %parallel_loop3A_364 = tpu.memref_squeeze %parallel_loop3A_363 : memref<1x192x128xf32, #tpu.memory_space<vmem>> -> memref<192x128xf32, #tpu.memory_space<vmem>>
        %parallel_loop3A_365 = arith.index_cast %parallel_loop3A_259 : i32 to index
        %parallel_loop3A_366 = arith.constant 96 : index
        %parallel_loop3A_367 = tpu.vector_load %parallel_loop3A_364[%parallel_loop3A_365, %parallel_loop3A_366] {strides = array<i32>} : memref<192x128xf32, #tpu.memory_space<vmem>>, vector<16xf32>,
        tpu.vector_store %parallel_loop3A_364[%parallel_loop3A_365, %parallel_loop3A_366], %parallel_loop3A_360 {strides = array<i32>} : memref<192x128xf32, #tpu.memory_space<vmem>>, vector<16xf32>,
        %parallel_loop3A_368 = arith.constant 7 : i32
        %parallel_loop3A_369 = vector.broadcast %parallel_loop3A_368 : i32 to vector<16xi32>
        %parallel_loop3A_370 = arith.addi %parallel_loop3A_262, %parallel_loop3A_369 : vector<16xi32>
        %parallel_loop3A_371 = arith.constant 0 : i32
        %parallel_loop3A_372 = arith.constant 0 : i32
        %parallel_loop3A_373 = tpu.memref_slice %arg5[%select_n3A_181, %parallel_loop3A_371, %parallel_loop3A_372] : memref<2x16x1537xf32, #tpu.memory_space<vmem>> -> memref<1x16x1537xf32, #tpu.memory_space<vmem>>
        %parallel_loop3A_374 = tpu.memref_squeeze %parallel_loop3A_373 : memref<1x16x1537xf32, #tpu.memory_space<vmem>> -> memref<16x1537xf32, #tpu.memory_space<vmem>>
        %parallel_loop3A_375 = tpu.vector_load_idx %parallel_loop3A_374[%iota3A_198, %parallel_loop3A_370] : memref<16x1537xf32, #tpu.memory_space<vmem>>[vector<16xi32>, vector<16xi32>], vector<16xf32>,
        %parallel_loop3A_376 = arith.constant 0 : i32
        %parallel_loop3A_377 = arith.constant 0 : i32
        %parallel_loop3A_378 = tpu.memref_slice %arg6[%select_n3A_197, %parallel_loop3A_376, %parallel_loop3A_377] : memref<2x192x128xf32, #tpu.memory_space<vmem>> -> memref<1x192x128xf32, #tpu.memory_space<vmem>>
        %parallel_loop3A_379 = tpu.memref_squeeze %parallel_loop3A_378 : memref<1x192x128xf32, #tpu.memory_space<vmem>> -> memref<192x128xf32, #tpu.memory_space<vmem>>
        %parallel_loop3A_380 = arith.index_cast %parallel_loop3A_259 : i32 to index
        %parallel_loop3A_381 = arith.constant 112 : index
        %parallel_loop3A_382 = tpu.vector_load %parallel_loop3A_379[%parallel_loop3A_380, %parallel_loop3A_381] {strides = array<i32>} : memref<192x128xf32, #tpu.memory_space<vmem>>, vector<16xf32>,
        tpu.vector_store %parallel_loop3A_379[%parallel_loop3A_380, %parallel_loop3A_381], %parallel_loop3A_375 {strides = array<i32>} : memref<192x128xf32, #tpu.memory_space<vmem>>, vector<16xf32>,
      } {sc.loop_unroll_factor = 4 : i64, sc.parallel_access}
      %mul3A_202 = arith.constant 1536 : i32
      %mul3A_203 = arith.muli %scan3A_140, %mul3A_202 : i32
      %add3A_204 = arith.addi %mul3A_2, %mul3A_203 : i32
      %multiple_of3A_205 = tpu.assume_multiple %add3A_204, 128 : i32
      %jit3A_206 = arith.constant 2 : i32
      %eq3A_207 = arith.constant 0 : i32
      %eq3A_208 = arith.cmpi eq, %jit3A_206, %eq3A_207 : i32
      %jit3A_209 = arith.constant 1 : i32
      %select_n3A_210 = arith.select %eq3A_208, %jit3A_209, %jit3A_206 : i32
      %rem3A_211 = arith.remsi %scan3A_140, %select_n3A_210 : i32
      %ne3A_212 = arith.constant 0 : i32
      %ne3A_213 = arith.cmpi ne, %rem3A_211, %ne3A_212 : i32
      %lt3A_214 = arith.constant 0 : i32
      %lt3A_215 = arith.cmpi slt, %rem3A_211, %lt3A_214 : i32
      %lt3A_216 = arith.constant 0 : i32
      %lt3A_217 = arith.cmpi slt, %select_n3A_210, %lt3A_216 : i32
      %ne3A_218 = arith.xori %lt3A_215, %lt3A_217 : i1
      %and3A_219 = arith.andi %ne3A_218, %ne3A_213 : i1
      %add3A_220 = arith.addi %rem3A_211, %select_n3A_210 : i32
      %select_n3A_221 = arith.select %and3A_219, %add3A_220, %rem3A_211 : i32
      %jit3A_222 = arith.constant 8 : i32
      %div3A_223 = arith.divsi %multiple_of3A_205, %jit3A_222 : i32
      %sign3A_224 = arith.constant 0 : i32
      %sign3A_225 = arith.cmpi sgt, %multiple_of3A_205, %sign3A_224 : i32
      %sign3A_226 = arith.extui %sign3A_225 : i1 to i32
      %sign3A_227 = arith.constant 0 : i32
      %sign3A_228 = arith.cmpi slt, %multiple_of3A_205, %sign3A_227 : i32
      %sign3A_229 = arith.extui %sign3A_228 : i1 to i32
      %sign3A_230 = arith.subi %sign3A_226, %sign3A_229 : i32
      %sign3A_231 = arith.constant 0 : i32
      %sign3A_232 = arith.cmpi sgt, %jit3A_222, %sign3A_231 : i32
      %sign3A_233 = arith.extui %sign3A_232 : i1 to i32
      %sign3A_234 = arith.constant 0 : i32
      %sign3A_235 = arith.cmpi slt, %jit3A_222, %sign3A_234 : i32
      %sign3A_236 = arith.extui %sign3A_235 : i1 to i32
      %sign3A_237 = arith.subi %sign3A_233, %sign3A_236 : i32
      %ne3A_238 = arith.cmpi ne, %sign3A_230, %sign3A_237 : i32
      %rem3A_239 = arith.remsi %multiple_of3A_205, %jit3A_222 : i32
      %ne3A_240 = arith.constant 0 : i32
      %ne3A_241 = arith.cmpi ne, %rem3A_239, %ne3A_240 : i32
      %and3A_242 = arith.andi %ne3A_238, %ne3A_241 : i1
      %sub3A_243 = arith.constant 1 : i32
      %sub3A_244 = arith.subi %div3A_223, %sub3A_243 : i32
      %select_n3A_245 = arith.select %and3A_242, %sub3A_244, %div3A_223 : i32
      %multiple_of3A_246 = tpu.assume_multiple %select_n3A_245, 16 : i32
      %dma_start3A_247 = arith.constant 0 : i32
      %dma_start3A_248 = arith.constant 0 : i32
      %dma_start3A_249 = tpu.memref_slice %arg6[%select_n3A_221, %dma_start3A_247, %dma_start3A_248] : memref<2x192x128xf32, #tpu.memory_space<vmem>> -> memref<1x192x128xf32, #tpu.memory_space<vmem>>
      %dma_start3A_250 = tpu.memref_squeeze %dma_start3A_249 : memref<1x192x128xf32, #tpu.memory_space<vmem>> -> memref<192x128xf32, #tpu.memory_space<vmem>>
      %dma_start3A_251 = arith.constant 0 : i32
      %dma_start3A_252 = tpu.memref_slice %arg4[%multiple_of3A_246, %dma_start3A_251] : memref<125000x128xf32, #tpu.memory_space<hbm>> -> memref<192x128xf32, #tpu.memory_space<hbm>>
      %dma_start3A_253 = arith.constant 0 : i32
      %dma_start3A_254 = tpu.memref_slice %arg4[%multiple_of3A_246, %dma_start3A_253] : memref<125000x128xf32, #tpu.memory_space<hbm>> -> memref<192x128xf32, #tpu.memory_space<hbm>>
      %dma_start3A_255 = arith.constant 0 : i32
      %dma_start3A_256 = arith.constant 0 : i32
      %dma_start3A_257 = tpu.memref_slice %arg6[%select_n3A_221, %dma_start3A_255, %dma_start3A_256] : memref<2x192x128xf32, #tpu.memory_space<vmem>> -> memref<1x192x128xf32, #tpu.memory_space<vmem>>
      %dma_start3A_258 = tpu.memref_squeeze %dma_start3A_257 : memref<1x192x128xf32, #tpu.memory_space<vmem>> -> memref<192x128xf32, #tpu.memory_space<vmem>>
      tpu.enqueue_dma source(%dma_start3A_258 : memref<192x128xf32, #tpu.memory_space<vmem>>) target(%dma_start3A_254 : memref<192x128xf32, #tpu.memory_space<hbm>>) target_semaphore(%arg9 : memref<!tpu.dma_semaphore, #tpu.memory_space<semaphore_mem>>)
    }
    %scan3A_21 = arith.constant 20 : i32
    %dma_wait3A = arith.constant 0 : i32
    %dma_wait3A_22 = arith.constant 0 : i32
    %dma_wait3A_23 = arith.constant 0 : i32
    %dma_wait3A_24 = tpu.memref_slice %arg6[%dma_wait3A, %dma_wait3A_22, %dma_wait3A_23] : memref<2x192x128xf32, #tpu.memory_space<vmem>> -> memref<1x192x128xf32, #tpu.memory_space<vmem>>
    %dma_wait3A_25 = tpu.memref_squeeze %dma_wait3A_24 : memref<1x192x128xf32, #tpu.memory_space<vmem>> -> memref<192x128xf32, #tpu.memory_space<vmem>>
    %dma_wait3A_26 = arith.constant 0 : i32
    %dma_wait3A_27 = arith.constant 0 : i32
    %dma_wait3A_28 = tpu.memref_slice %arg4[%dma_wait3A_26, %dma_wait3A_27] : memref<125000x128xf32, #tpu.memory_space<hbm>> -> memref<192x128xf32, #tpu.memory_space<hbm>>
    %dma_wait3A_29 = arith.constant 0 : i32
    %dma_wait3A_30 = arith.constant 0 : i32
    %dma_wait3A_31 = tpu.memref_slice %arg4[%dma_wait3A_29, %dma_wait3A_30] : memref<125000x128xf32, #tpu.memory_space<hbm>> -> memref<192x128xf32, #tpu.memory_space<hbm>>
    %dma_wait3A_32 = arith.constant 0 : i32
    %dma_wait3A_33 = arith.constant 0 : i32
    %dma_wait3A_34 = tpu.memref_slice %arg6[%dma_wait3A, %dma_wait3A_32, %dma_wait3A_33] : memref<2x192x128xf32, #tpu.memory_space<vmem>> -> memref<1x192x128xf32, #tpu.memory_space<vmem>>
    %dma_wait3A_35 = tpu.memref_squeeze %dma_wait3A_34 : memref<1x192x128xf32, #tpu.memory_space<vmem>> -> memref<192x128xf32, #tpu.memory_space<vmem>>
    tpu.wait_dma2 semaphore(%arg9 : memref<!tpu.dma_semaphore, #tpu.memory_space<semaphore_mem>>) src(%dma_wait3A_35 : memref<192x128xf32, #tpu.memory_space<vmem>>) dst(%dma_wait3A_31 : memref<192x128xf32, #tpu.memory_space<hbm>>)
    %dma_wait3A_36 = arith.constant 0 : i32
    %dma_wait3A_37 = arith.constant 0 : i32
    %dma_wait3A_38 = arith.constant 0 : i32
    %dma_wait3A_39 = tpu.memref_slice %arg6[%dma_wait3A_36, %dma_wait3A_37, %dma_wait3A_38] : memref<2x192x128xf32, #tpu.memory_space<vmem>> -> memref<1x192x128xf32, #tpu.memory_space<vmem>>
    %dma_wait3A_40 = tpu.memref_squeeze %dma_wait3A_39 : memref<1x192x128xf32, #tpu.memory_space<vmem>> -> memref<192x128xf32, #tpu.memory_space<vmem>>
    %dma_wait3A_41 = arith.constant 0 : i32
    %dma_wait3A_42 = arith.constant 0 : i32
    %dma_wait3A_43 = tpu.memref_slice %arg4[%dma_wait3A_41, %dma_wait3A_42] : memref<125000x128xf32, #tpu.memory_space<hbm>> -> memref<192x128xf32, #tpu.memory_space<hbm>>
    %dma_wait3A_44 = arith.constant 0 : i32
    %dma_wait3A_45 = arith.constant 0 : i32
    %dma_wait3A_46 = tpu.memref_slice %arg4[%dma_wait3A_44, %dma_wait3A_45] : memref<125000x128xf32, #tpu.memory_space<hbm>> -> memref<192x128xf32, #tpu.memory_space<hbm>>
    %dma_wait3A_47 = arith.constant 0 : i32
    %dma_wait3A_48 = arith.constant 0 : i32
    %dma_wait3A_49 = tpu.memref_slice %arg6[%dma_wait3A_36, %dma_wait3A_47, %dma_wait3A_48] : memref<2x192x128xf32, #tpu.memory_space<vmem>> -> memref<1x192x128xf32, #tpu.memory_space<vmem>>
    %dma_wait3A_50 = tpu.memref_squeeze %dma_wait3A_49 : memref<1x192x128xf32, #tpu.memory_space<vmem>> -> memref<192x128xf32, #tpu.memory_space<vmem>>
    tpu.wait_dma2 semaphore(%arg9 : memref<!tpu.dma_semaphore, #tpu.memory_space<semaphore_mem>>) src(%dma_wait3A_50 : memref<192x128xf32, #tpu.memory_space<vmem>>) dst(%dma_wait3A_46 : memref<192x128xf32, #tpu.memory_space<hbm>>)
    %add3A_51 = arith.constant 30720 : i32
    %add3A_52 = arith.addi %mul3A_2, %add3A_51 : i32
    %multiple_of3A_53 = tpu.assume_multiple %add3A_52, 128 : i32
    %run_scoped3A = arith.constant 0 : i32
    "tpu.region"() ({
      %run_scoped3A_140 = tpu.sem_alloc : memref<!tpu.dma_semaphore, #tpu.memory_space<semaphore_mem>>
      %dma_start3A_141 = arith.constant 0 : i32
      %dma_start3A_142 = arith.constant 0 : i32
      %dma_start3A_143 = tpu.memref_slice %arg5[%run_scoped3A, %dma_start3A_141, %dma_start3A_142] : memref<2x16x1537xf32, #tpu.memory_space<vmem>> -> memref<1x16x1537xf32, #tpu.memory_space<vmem>>
      %dma_start3A_144 = tpu.memref_squeeze %dma_start3A_143 : memref<1x16x1537xf32, #tpu.memory_space<vmem>> -> memref<16x1537xf32, #tpu.memory_space<vmem>>
      %dma_start3A_145 = arith.constant 0 : i32
      %dma_start3A_146 = arith.constant 0 : i32
      %dma_start3A_147 = tpu.memref_slice %dma_start3A_144[%dma_start3A_145, %dma_start3A_146] : memref<16x1537xf32, #tpu.memory_space<vmem>> -> memref<16x512xf32, #tpu.memory_space<vmem>>
      %dma_start3A_148 = arith.constant 0 : i32
      %dma_start3A_149 = tpu.memref_slice %arg2[%dma_start3A_148, %multiple_of3A_53] : memref<16x1000000xf32, #tpu.memory_space<hbm>> -> memref<16x512xf32, #tpu.memory_space<hbm>>
      %dma_start3A_150 = arith.constant 0 : i32
      %dma_start3A_151 = arith.constant 0 : i32
      %dma_start3A_152 = tpu.memref_slice %arg5[%run_scoped3A, %dma_start3A_150, %dma_start3A_151] : memref<2x16x1537xf32, #tpu.memory_space<vmem>> -> memref<1x16x1537xf32, #tpu.memory_space<vmem>>
      %dma_start3A_153 = tpu.memref_squeeze %dma_start3A_152 : memref<1x16x1537xf32, #tpu.memory_space<vmem>> -> memref<16x1537xf32, #tpu.memory_space<vmem>>
      %dma_start3A_154 = arith.constant 0 : i32
      %dma_start3A_155 = arith.constant 0 : i32
      %dma_start3A_156 = tpu.memref_slice %dma_start3A_153[%dma_start3A_154, %dma_start3A_155] : memref<16x1537xf32, #tpu.memory_space<vmem>> -> memref<16x512xf32, #tpu.memory_space<vmem>>
      %dma_start3A_157 = arith.constant 0 : i32
      %dma_start3A_158 = tpu.memref_slice %arg2[%dma_start3A_157, %multiple_of3A_53] : memref<16x1000000xf32, #tpu.memory_space<hbm>> -> memref<16x512xf32, #tpu.memory_space<hbm>>
      tpu.enqueue_dma source(%dma_start3A_158 : memref<16x512xf32, #tpu.memory_space<hbm>>) target(%dma_start3A_156 : memref<16x512xf32, #tpu.memory_space<vmem>>) target_semaphore(%run_scoped3A_140 : memref<!tpu.dma_semaphore, #tpu.memory_space<semaphore_mem>>)
      %dma_wait3A_159 = arith.constant 0 : i32
      %dma_wait3A_160 = arith.constant 0 : i32
      %dma_wait3A_161 = tpu.memref_slice %arg5[%run_scoped3A, %dma_wait3A_159, %dma_wait3A_160] : memref<2x16x1537xf32, #tpu.memory_space<vmem>> -> memref<1x16x1537xf32, #tpu.memory_space<vmem>>
      %dma_wait3A_162 = tpu.memref_squeeze %dma_wait3A_161 : memref<1x16x1537xf32, #tpu.memory_space<vmem>> -> memref<16x1537xf32, #tpu.memory_space<vmem>>
      %dma_wait3A_163 = arith.constant 0 : i32
      %dma_wait3A_164 = arith.constant 0 : i32
      %dma_wait3A_165 = tpu.memref_slice %dma_wait3A_162[%dma_wait3A_163, %dma_wait3A_164] : memref<16x1537xf32, #tpu.memory_space<vmem>> -> memref<16x512xf32, #tpu.memory_space<vmem>>
      %dma_wait3A_166 = arith.constant 0 : i32
      %dma_wait3A_167 = tpu.memref_slice %arg2[%dma_wait3A_166, %multiple_of3A_53] : memref<16x1000000xf32, #tpu.memory_space<hbm>> -> memref<16x512xf32, #tpu.memory_space<hbm>>
      %dma_wait3A_168 = arith.constant 0 : i32
      %dma_wait3A_169 = arith.constant 0 : i32
      %dma_wait3A_170 = tpu.memref_slice %arg5[%run_scoped3A, %dma_wait3A_168, %dma_wait3A_169] : memref<2x16x1537xf32, #tpu.memory_space<vmem>> -> memref<1x16x1537xf32, #tpu.memory_space<vmem>>
      %dma_wait3A_171 = tpu.memref_squeeze %dma_wait3A_170 : memref<1x16x1537xf32, #tpu.memory_space<vmem>> -> memref<16x1537xf32, #tpu.memory_space<vmem>>
      %dma_wait3A_172 = arith.constant 0 : i32
      %dma_wait3A_173 = arith.constant 0 : i32
      %dma_wait3A_174 = tpu.memref_slice %dma_wait3A_171[%dma_wait3A_172, %dma_wait3A_173] : memref<16x1537xf32, #tpu.memory_space<vmem>> -> memref<16x512xf32, #tpu.memory_space<vmem>>
      %dma_wait3A_175 = arith.constant 0 : i32
      %dma_wait3A_176 = tpu.memref_slice %arg2[%dma_wait3A_175, %multiple_of3A_53] : memref<16x1000000xf32, #tpu.memory_space<hbm>> -> memref<16x512xf32, #tpu.memory_space<hbm>>
      tpu.wait_dma2 semaphore(%run_scoped3A_140 : memref<!tpu.dma_semaphore, #tpu.memory_space<semaphore_mem>>) src(%dma_wait3A_176 : memref<16x512xf32, #tpu.memory_space<hbm>>) dst(%dma_wait3A_174 : memref<16x512xf32, #tpu.memory_space<vmem>>)
      tpu.yield
    }) : () -> ()
    %iota3A = tpu.iota {dimensions = array<i32: 0>} : vector<16xi32>
    %parallel_loop3A = arith.constant 0 : i32
    %parallel_loop3A_54 = arith.constant 64 : i32
    %parallel_loop3A_55 = arith.constant 1 : i32
    %parallel_loop3A_56 = arith.constant 0 : i32
    %parallel_loop3A_57 = arith.constant 0 : i32
    scf.for %parallel_loop3A_140 = %parallel_loop3A to %parallel_loop3A_54 step %parallel_loop3A_55  : i32 {
      %parallel_loop3A_141 = arith.constant 8 : i32
      %parallel_loop3A_142 = arith.muli %parallel_loop3A_140, %parallel_loop3A_141 : i32
      %parallel_loop3A_143 = vector.broadcast %parallel_loop3A_142 : i32 to vector<16xi32>
      %parallel_loop3A_144 = arith.constant 0 : i32
      %parallel_loop3A_145 = vector.broadcast %parallel_loop3A_144 : i32 to vector<16xi32>
      %parallel_loop3A_146 = arith.addi %parallel_loop3A_143, %parallel_loop3A_145 : vector<16xi32>
      %parallel_loop3A_147 = arith.constant 0 : i32
      %parallel_loop3A_148 = arith.constant 0 : i32
      %parallel_loop3A_149 = tpu.memref_slice %arg5[%parallel_loop3A_56, %parallel_loop3A_147, %parallel_loop3A_148] : memref<2x16x1537xf32, #tpu.memory_space<vmem>> -> memref<1x16x1537xf32, #tpu.memory_space<vmem>>
      %parallel_loop3A_150 = tpu.memref_squeeze %parallel_loop3A_149 : memref<1x16x1537xf32, #tpu.memory_space<vmem>> -> memref<16x1537xf32, #tpu.memory_space<vmem>>
      %parallel_loop3A_151 = tpu.vector_load_idx %parallel_loop3A_150[%iota3A, %parallel_loop3A_146] : memref<16x1537xf32, #tpu.memory_space<vmem>>[vector<16xi32>, vector<16xi32>], vector<16xf32>,
      %parallel_loop3A_152 = arith.constant 0 : i32
      %parallel_loop3A_153 = arith.constant 0 : i32
      %parallel_loop3A_154 = tpu.memref_slice %arg6[%parallel_loop3A_57, %parallel_loop3A_152, %parallel_loop3A_153] : memref<2x192x128xf32, #tpu.memory_space<vmem>> -> memref<1x192x128xf32, #tpu.memory_space<vmem>>
      %parallel_loop3A_155 = tpu.memref_squeeze %parallel_loop3A_154 : memref<1x192x128xf32, #tpu.memory_space<vmem>> -> memref<192x128xf32, #tpu.memory_space<vmem>>
      %parallel_loop3A_156 = arith.index_cast %parallel_loop3A_140 : i32 to index
      %parallel_loop3A_157 = arith.constant 0 : index
      %parallel_loop3A_158 = tpu.vector_load %parallel_loop3A_155[%parallel_loop3A_156, %parallel_loop3A_157] {strides = array<i32>} : memref<192x128xf32, #tpu.memory_space<vmem>>, vector<16xf32>,
      tpu.vector_store %parallel_loop3A_155[%parallel_loop3A_156, %parallel_loop3A_157], %parallel_loop3A_151 {strides = array<i32>} : memref<192x128xf32, #tpu.memory_space<vmem>>, vector<16xf32>,
      %parallel_loop3A_159 = arith.constant 1 : i32
      %parallel_loop3A_160 = vector.broadcast %parallel_loop3A_159 : i32 to vector<16xi32>
      %parallel_loop3A_161 = arith.addi %parallel_loop3A_143, %parallel_loop3A_160 : vector<16xi32>
      %parallel_loop3A_162 = arith.constant 0 : i32
      %parallel_loop3A_163 = arith.constant 0 : i32
      %parallel_loop3A_164 = tpu.memref_slice %arg5[%parallel_loop3A_56, %parallel_loop3A_162, %parallel_loop3A_163] : memref<2x16x1537xf32, #tpu.memory_space<vmem>> -> memref<1x16x1537xf32, #tpu.memory_space<vmem>>
      %parallel_loop3A_165 = tpu.memref_squeeze %parallel_loop3A_164 : memref<1x16x1537xf32, #tpu.memory_space<vmem>> -> memref<16x1537xf32, #tpu.memory_space<vmem>>
      %parallel_loop3A_166 = tpu.vector_load_idx %parallel_loop3A_165[%iota3A, %parallel_loop3A_161] : memref<16x1537xf32, #tpu.memory_space<vmem>>[vector<16xi32>, vector<16xi32>], vector<16xf32>,
      %parallel_loop3A_167 = arith.constant 0 : i32
      %parallel_loop3A_168 = arith.constant 0 : i32
      %parallel_loop3A_169 = tpu.memref_slice %arg6[%parallel_loop3A_57, %parallel_loop3A_167, %parallel_loop3A_168] : memref<2x192x128xf32, #tpu.memory_space<vmem>> -> memref<1x192x128xf32, #tpu.memory_space<vmem>>
      %parallel_loop3A_170 = tpu.memref_squeeze %parallel_loop3A_169 : memref<1x192x128xf32, #tpu.memory_space<vmem>> -> memref<192x128xf32, #tpu.memory_space<vmem>>
      %parallel_loop3A_171 = arith.index_cast %parallel_loop3A_140 : i32 to index
      %parallel_loop3A_172 = arith.constant 16 : index
      %parallel_loop3A_173 = tpu.vector_load %parallel_loop3A_170[%parallel_loop3A_171, %parallel_loop3A_172] {strides = array<i32>} : memref<192x128xf32, #tpu.memory_space<vmem>>, vector<16xf32>,
      tpu.vector_store %parallel_loop3A_170[%parallel_loop3A_171, %parallel_loop3A_172], %parallel_loop3A_166 {strides = array<i32>} : memref<192x128xf32, #tpu.memory_space<vmem>>, vector<16xf32>,
      %parallel_loop3A_174 = arith.constant 2 : i32
      %parallel_loop3A_175 = vector.broadcast %parallel_loop3A_174 : i32 to vector<16xi32>
      %parallel_loop3A_176 = arith.addi %parallel_loop3A_143, %parallel_loop3A_175 : vector<16xi32>
      %parallel_loop3A_177 = arith.constant 0 : i32
      %parallel_loop3A_178 = arith.constant 0 : i32
      %parallel_loop3A_179 = tpu.memref_slice %arg5[%parallel_loop3A_56, %parallel_loop3A_177, %parallel_loop3A_178] : memref<2x16x1537xf32, #tpu.memory_space<vmem>> -> memref<1x16x1537xf32, #tpu.memory_space<vmem>>
      %parallel_loop3A_180 = tpu.memref_squeeze %parallel_loop3A_179 : memref<1x16x1537xf32, #tpu.memory_space<vmem>> -> memref<16x1537xf32, #tpu.memory_space<vmem>>
      %parallel_loop3A_181 = tpu.vector_load_idx %parallel_loop3A_180[%iota3A, %parallel_loop3A_176] : memref<16x1537xf32, #tpu.memory_space<vmem>>[vector<16xi32>, vector<16xi32>], vector<16xf32>,
      %parallel_loop3A_182 = arith.constant 0 : i32
      %parallel_loop3A_183 = arith.constant 0 : i32
      %parallel_loop3A_184 = tpu.memref_slice %arg6[%parallel_loop3A_57, %parallel_loop3A_182, %parallel_loop3A_183] : memref<2x192x128xf32, #tpu.memory_space<vmem>> -> memref<1x192x128xf32, #tpu.memory_space<vmem>>
      %parallel_loop3A_185 = tpu.memref_squeeze %parallel_loop3A_184 : memref<1x192x128xf32, #tpu.memory_space<vmem>> -> memref<192x128xf32, #tpu.memory_space<vmem>>
      %parallel_loop3A_186 = arith.index_cast %parallel_loop3A_140 : i32 to index
      %parallel_loop3A_187 = arith.constant 32 : index
      %parallel_loop3A_188 = tpu.vector_load %parallel_loop3A_185[%parallel_loop3A_186, %parallel_loop3A_187] {strides = array<i32>} : memref<192x128xf32, #tpu.memory_space<vmem>>, vector<16xf32>,
      tpu.vector_store %parallel_loop3A_185[%parallel_loop3A_186, %parallel_loop3A_187], %parallel_loop3A_181 {strides = array<i32>} : memref<192x128xf32, #tpu.memory_space<vmem>>, vector<16xf32>,
      %parallel_loop3A_189 = arith.constant 3 : i32
      %parallel_loop3A_190 = vector.broadcast %parallel_loop3A_189 : i32 to vector<16xi32>
      %parallel_loop3A_191 = arith.addi %parallel_loop3A_143, %parallel_loop3A_190 : vector<16xi32>
      %parallel_loop3A_192 = arith.constant 0 : i32
      %parallel_loop3A_193 = arith.constant 0 : i32
      %parallel_loop3A_194 = tpu.memref_slice %arg5[%parallel_loop3A_56, %parallel_loop3A_192, %parallel_loop3A_193] : memref<2x16x1537xf32, #tpu.memory_space<vmem>> -> memref<1x16x1537xf32, #tpu.memory_space<vmem>>
      %parallel_loop3A_195 = tpu.memref_squeeze %parallel_loop3A_194 : memref<1x16x1537xf32, #tpu.memory_space<vmem>> -> memref<16x1537xf32, #tpu.memory_space<vmem>>
      %parallel_loop3A_196 = tpu.vector_load_idx %parallel_loop3A_195[%iota3A, %parallel_loop3A_191] : memref<16x1537xf32, #tpu.memory_space<vmem>>[vector<16xi32>, vector<16xi32>], vector<16xf32>,
      %parallel_loop3A_197 = arith.constant 0 : i32
      %parallel_loop3A_198 = arith.constant 0 : i32
      %parallel_loop3A_199 = tpu.memref_slice %arg6[%parallel_loop3A_57, %parallel_loop3A_197, %parallel_loop3A_198] : memref<2x192x128xf32, #tpu.memory_space<vmem>> -> memref<1x192x128xf32, #tpu.memory_space<vmem>>
      %parallel_loop3A_200 = tpu.memref_squeeze %parallel_loop3A_199 : memref<1x192x128xf32, #tpu.memory_space<vmem>> -> memref<192x128xf32, #tpu.memory_space<vmem>>
      %parallel_loop3A_201 = arith.index_cast %parallel_loop3A_140 : i32 to index
      %parallel_loop3A_202 = arith.constant 48 : index
      %parallel_loop3A_203 = tpu.vector_load %parallel_loop3A_200[%parallel_loop3A_201, %parallel_loop3A_202] {strides = array<i32>} : memref<192x128xf32, #tpu.memory_space<vmem>>, vector<16xf32>,
      tpu.vector_store %parallel_loop3A_200[%parallel_loop3A_201, %parallel_loop3A_202], %parallel_loop3A_196 {strides = array<i32>} : memref<192x128xf32, #tpu.memory_space<vmem>>, vector<16xf32>,
      %parallel_loop3A_204 = arith.constant 4 : i32
      %parallel_loop3A_205 = vector.broadcast %parallel_loop3A_204 : i32 to vector<16xi32>
      %parallel_loop3A_206 = arith.addi %parallel_loop3A_143, %parallel_loop3A_205 : vector<16xi32>
      %parallel_loop3A_207 = arith.constant 0 : i32
      %parallel_loop3A_208 = arith.constant 0 : i32
      %parallel_loop3A_209 = tpu.memref_slice %arg5[%parallel_loop3A_56, %parallel_loop3A_207, %parallel_loop3A_208] : memref<2x16x1537xf32, #tpu.memory_space<vmem>> -> memref<1x16x1537xf32, #tpu.memory_space<vmem>>
      %parallel_loop3A_210 = tpu.memref_squeeze %parallel_loop3A_209 : memref<1x16x1537xf32, #tpu.memory_space<vmem>> -> memref<16x1537xf32, #tpu.memory_space<vmem>>
      %parallel_loop3A_211 = tpu.vector_load_idx %parallel_loop3A_210[%iota3A, %parallel_loop3A_206] : memref<16x1537xf32, #tpu.memory_space<vmem>>[vector<16xi32>, vector<16xi32>], vector<16xf32>,
      %parallel_loop3A_212 = arith.constant 0 : i32
      %parallel_loop3A_213 = arith.constant 0 : i32
      %parallel_loop3A_214 = tpu.memref_slice %arg6[%parallel_loop3A_57, %parallel_loop3A_212, %parallel_loop3A_213] : memref<2x192x128xf32, #tpu.memory_space<vmem>> -> memref<1x192x128xf32, #tpu.memory_space<vmem>>
      %parallel_loop3A_215 = tpu.memref_squeeze %parallel_loop3A_214 : memref<1x192x128xf32, #tpu.memory_space<vmem>> -> memref<192x128xf32, #tpu.memory_space<vmem>>
      %parallel_loop3A_216 = arith.index_cast %parallel_loop3A_140 : i32 to index
      %parallel_loop3A_217 = arith.constant 64 : index
      %parallel_loop3A_218 = tpu.vector_load %parallel_loop3A_215[%parallel_loop3A_216, %parallel_loop3A_217] {strides = array<i32>} : memref<192x128xf32, #tpu.memory_space<vmem>>, vector<16xf32>,
      tpu.vector_store %parallel_loop3A_215[%parallel_loop3A_216, %parallel_loop3A_217], %parallel_loop3A_211 {strides = array<i32>} : memref<192x128xf32, #tpu.memory_space<vmem>>, vector<16xf32>,
      %parallel_loop3A_219 = arith.constant 5 : i32
      %parallel_loop3A_220 = vector.broadcast %parallel_loop3A_219 : i32 to vector<16xi32>
      %parallel_loop3A_221 = arith.addi %parallel_loop3A_143, %parallel_loop3A_220 : vector<16xi32>
      %parallel_loop3A_222 = arith.constant 0 : i32
      %parallel_loop3A_223 = arith.constant 0 : i32
      %parallel_loop3A_224 = tpu.memref_slice %arg5[%parallel_loop3A_56, %parallel_loop3A_222, %parallel_loop3A_223] : memref<2x16x1537xf32, #tpu.memory_space<vmem>> -> memref<1x16x1537xf32, #tpu.memory_space<vmem>>
      %parallel_loop3A_225 = tpu.memref_squeeze %parallel_loop3A_224 : memref<1x16x1537xf32, #tpu.memory_space<vmem>> -> memref<16x1537xf32, #tpu.memory_space<vmem>>
      %parallel_loop3A_226 = tpu.vector_load_idx %parallel_loop3A_225[%iota3A, %parallel_loop3A_221] : memref<16x1537xf32, #tpu.memory_space<vmem>>[vector<16xi32>, vector<16xi32>], vector<16xf32>,
      %parallel_loop3A_227 = arith.constant 0 : i32
      %parallel_loop3A_228 = arith.constant 0 : i32
      %parallel_loop3A_229 = tpu.memref_slice %arg6[%parallel_loop3A_57, %parallel_loop3A_227, %parallel_loop3A_228] : memref<2x192x128xf32, #tpu.memory_space<vmem>> -> memref<1x192x128xf32, #tpu.memory_space<vmem>>
      %parallel_loop3A_230 = tpu.memref_squeeze %parallel_loop3A_229 : memref<1x192x128xf32, #tpu.memory_space<vmem>> -> memref<192x128xf32, #tpu.memory_space<vmem>>
      %parallel_loop3A_231 = arith.index_cast %parallel_loop3A_140 : i32 to index
      %parallel_loop3A_232 = arith.constant 80 : index
      %parallel_loop3A_233 = tpu.vector_load %parallel_loop3A_230[%parallel_loop3A_231, %parallel_loop3A_232] {strides = array<i32>} : memref<192x128xf32, #tpu.memory_space<vmem>>, vector<16xf32>,
      tpu.vector_store %parallel_loop3A_230[%parallel_loop3A_231, %parallel_loop3A_232], %parallel_loop3A_226 {strides = array<i32>} : memref<192x128xf32, #tpu.memory_space<vmem>>, vector<16xf32>,
      %parallel_loop3A_234 = arith.constant 6 : i32
      %parallel_loop3A_235 = vector.broadcast %parallel_loop3A_234 : i32 to vector<16xi32>
      %parallel_loop3A_236 = arith.addi %parallel_loop3A_143, %parallel_loop3A_235 : vector<16xi32>
      %parallel_loop3A_237 = arith.constant 0 : i32
      %parallel_loop3A_238 = arith.constant 0 : i32
      %parallel_loop3A_239 = tpu.memref_slice %arg5[%parallel_loop3A_56, %parallel_loop3A_237, %parallel_loop3A_238] : memref<2x16x1537xf32, #tpu.memory_space<vmem>> -> memref<1x16x1537xf32, #tpu.memory_space<vmem>>
      %parallel_loop3A_240 = tpu.memref_squeeze %parallel_loop3A_239 : memref<1x16x1537xf32, #tpu.memory_space<vmem>> -> memref<16x1537xf32, #tpu.memory_space<vmem>>
      %parallel_loop3A_241 = tpu.vector_load_idx %parallel_loop3A_240[%iota3A, %parallel_loop3A_236] : memref<16x1537xf32, #tpu.memory_space<vmem>>[vector<16xi32>, vector<16xi32>], vector<16xf32>,
      %parallel_loop3A_242 = arith.constant 0 : i32
      %parallel_loop3A_243 = arith.constant 0 : i32
      %parallel_loop3A_244 = tpu.memref_slice %arg6[%parallel_loop3A_57, %parallel_loop3A_242, %parallel_loop3A_243] : memref<2x192x128xf32, #tpu.memory_space<vmem>> -> memref<1x192x128xf32, #tpu.memory_space<vmem>>
      %parallel_loop3A_245 = tpu.memref_squeeze %parallel_loop3A_244 : memref<1x192x128xf32, #tpu.memory_space<vmem>> -> memref<192x128xf32, #tpu.memory_space<vmem>>
      %parallel_loop3A_246 = arith.index_cast %parallel_loop3A_140 : i32 to index
      %parallel_loop3A_247 = arith.constant 96 : index
      %parallel_loop3A_248 = tpu.vector_load %parallel_loop3A_245[%parallel_loop3A_246, %parallel_loop3A_247] {strides = array<i32>} : memref<192x128xf32, #tpu.memory_space<vmem>>, vector<16xf32>,
      tpu.vector_store %parallel_loop3A_245[%parallel_loop3A_246, %parallel_loop3A_247], %parallel_loop3A_241 {strides = array<i32>} : memref<192x128xf32, #tpu.memory_space<vmem>>, vector<16xf32>,
      %parallel_loop3A_249 = arith.constant 7 : i32
      %parallel_loop3A_250 = vector.broadcast %parallel_loop3A_249 : i32 to vector<16xi32>
      %parallel_loop3A_251 = arith.addi %parallel_loop3A_143, %parallel_loop3A_250 : vector<16xi32>
      %parallel_loop3A_252 = arith.constant 0 : i32
      %parallel_loop3A_253 = arith.constant 0 : i32
      %parallel_loop3A_254 = tpu.memref_slice %arg5[%parallel_loop3A_56, %parallel_loop3A_252, %parallel_loop3A_253] : memref<2x16x1537xf32, #tpu.memory_space<vmem>> -> memref<1x16x1537xf32, #tpu.memory_space<vmem>>
      %parallel_loop3A_255 = tpu.memref_squeeze %parallel_loop3A_254 : memref<1x16x1537xf32, #tpu.memory_space<vmem>> -> memref<16x1537xf32, #tpu.memory_space<vmem>>
      %parallel_loop3A_256 = tpu.vector_load_idx %parallel_loop3A_255[%iota3A, %parallel_loop3A_251] : memref<16x1537xf32, #tpu.memory_space<vmem>>[vector<16xi32>, vector<16xi32>], vector<16xf32>,
      %parallel_loop3A_257 = arith.constant 0 : i32
      %parallel_loop3A_258 = arith.constant 0 : i32
      %parallel_loop3A_259 = tpu.memref_slice %arg6[%parallel_loop3A_57, %parallel_loop3A_257, %parallel_loop3A_258] : memref<2x192x128xf32, #tpu.memory_space<vmem>> -> memref<1x192x128xf32, #tpu.memory_space<vmem>>
      %parallel_loop3A_260 = tpu.memref_squeeze %parallel_loop3A_259 : memref<1x192x128xf32, #tpu.memory_space<vmem>> -> memref<192x128xf32, #tpu.memory_space<vmem>>
      %parallel_loop3A_261 = arith.index_cast %parallel_loop3A_140 : i32 to index
      %parallel_loop3A_262 = arith.constant 112 : index
      %parallel_loop3A_263 = tpu.vector_load %parallel_loop3A_260[%parallel_loop3A_261, %parallel_loop3A_262] {strides = array<i32>} : memref<192x128xf32, #tpu.memory_space<vmem>>, vector<16xf32>,
      tpu.vector_store %parallel_loop3A_260[%parallel_loop3A_261, %parallel_loop3A_262], %parallel_loop3A_256 {strides = array<i32>} : memref<192x128xf32, #tpu.memory_space<vmem>>, vector<16xf32>,
    } {sc.loop_unroll_factor = 4 : i64, sc.parallel_access}
    %jit3A = arith.constant 8 : i32
    %div3A = arith.divsi %multiple_of3A_53, %jit3A : i32
    %sign3A = arith.constant 0 : i32
    %sign3A_58 = arith.cmpi sgt, %multiple_of3A_53, %sign3A : i32
    %sign3A_59 = arith.extui %sign3A_58 : i1 to i32
    %sign3A_60 = arith.constant 0 : i32
    %sign3A_61 = arith.cmpi slt, %multiple_of3A_53, %sign3A_60 : i32
    %sign3A_62 = arith.extui %sign3A_61 : i1 to i32
    %sign3A_63 = arith.subi %sign3A_59, %sign3A_62 : i32
    %sign3A_64 = arith.constant 0 : i32
    %sign3A_65 = arith.cmpi sgt, %jit3A, %sign3A_64 : i32
    %sign3A_66 = arith.extui %sign3A_65 : i1 to i32
    %sign3A_67 = arith.constant 0 : i32
    %sign3A_68 = arith.cmpi slt, %jit3A, %sign3A_67 : i32
    %sign3A_69 = arith.extui %sign3A_68 : i1 to i32
    %sign3A_70 = arith.subi %sign3A_66, %sign3A_69 : i32
    %ne3A = arith.cmpi ne, %sign3A_63, %sign3A_70 : i32
    %rem3A = arith.remsi %multiple_of3A_53, %jit3A : i32
    %ne3A_71 = arith.constant 0 : i32
    %ne3A_72 = arith.cmpi ne, %rem3A, %ne3A_71 : i32
    %and3A = arith.andi %ne3A, %ne3A_72 : i1
    %sub3A = arith.constant 1 : i32
    %sub3A_73 = arith.subi %div3A, %sub3A : i32
    %select_n3A = arith.select %and3A, %sub3A_73, %div3A : i32
    %multiple_of3A_74 = tpu.assume_multiple %select_n3A, 16 : i32
    %dma_start3A_75 = arith.constant 0 : i32
    %dma_start3A_76 = arith.constant 0 : i32
    %dma_start3A_77 = arith.constant 0 : i32
    %dma_start3A_78 = tpu.memref_slice %arg6[%dma_start3A_75, %dma_start3A_76, %dma_start3A_77] : memref<2x192x128xf32, #tpu.memory_space<vmem>> -> memref<1x192x128xf32, #tpu.memory_space<vmem>>
    %dma_start3A_79 = tpu.memref_squeeze %dma_start3A_78 : memref<1x192x128xf32, #tpu.memory_space<vmem>> -> memref<192x128xf32, #tpu.memory_space<vmem>>
    %dma_start3A_80 = arith.constant 0 : i32
    %dma_start3A_81 = arith.constant 0 : i32
    %dma_start3A_82 = tpu.memref_slice %dma_start3A_79[%dma_start3A_80, %dma_start3A_81] : memref<192x128xf32, #tpu.memory_space<vmem>> -> memref<64x128xf32, #tpu.memory_space<vmem>>
    %dma_start3A_83 = arith.constant 0 : i32
    %dma_start3A_84 = tpu.memref_slice %arg4[%multiple_of3A_74, %dma_start3A_83] : memref<125000x128xf32, #tpu.memory_space<hbm>> -> memref<64x128xf32, #tpu.memory_space<hbm>>
    %dma_start3A_85 = arith.constant 0 : i32
    %dma_start3A_86 = tpu.memref_slice %arg4[%multiple_of3A_74, %dma_start3A_85] : memref<125000x128xf32, #tpu.memory_space<hbm>> -> memref<64x128xf32, #tpu.memory_space<hbm>>
    %dma_start3A_87 = arith.constant 0 : i32
    %dma_start3A_88 = arith.constant 0 : i32
    %dma_start3A_89 = tpu.memref_slice %arg6[%dma_start3A_75, %dma_start3A_87, %dma_start3A_88] : memref<2x192x128xf32, #tpu.memory_space<vmem>> -> memref<1x192x128xf32, #tpu.memory_space<vmem>>
    %dma_start3A_90 = tpu.memref_squeeze %dma_start3A_89 : memref<1x192x128xf32, #tpu.memory_space<vmem>> -> memref<192x128xf32, #tpu.memory_space<vmem>>
    %dma_start3A_91 = arith.constant 0 : i32
    %dma_start3A_92 = arith.constant 0 : i32
    %dma_start3A_93 = tpu.memref_slice %dma_start3A_90[%dma_start3A_91, %dma_start3A_92] : memref<192x128xf32, #tpu.memory_space<vmem>> -> memref<64x128xf32, #tpu.memory_space<vmem>>
    tpu.enqueue_dma source(%dma_start3A_93 : memref<64x128xf32, #tpu.memory_space<vmem>>) target(%dma_start3A_86 : memref<64x128xf32, #tpu.memory_space<hbm>>) target_semaphore(%arg8 : memref<!tpu.dma_semaphore, #tpu.memory_space<semaphore_mem>>)
    %jit3A_94 = arith.constant 8 : i32
    %div3A_95 = arith.divsi %multiple_of3A_53, %jit3A_94 : i32
    %sign3A_96 = arith.constant 0 : i32
    %sign3A_97 = arith.cmpi sgt, %multiple_of3A_53, %sign3A_96 : i32
    %sign3A_98 = arith.extui %sign3A_97 : i1 to i32
    %sign3A_99 = arith.constant 0 : i32
    %sign3A_100 = arith.cmpi slt, %multiple_of3A_53, %sign3A_99 : i32
    %sign3A_101 = arith.extui %sign3A_100 : i1 to i32
    %sign3A_102 = arith.subi %sign3A_98, %sign3A_101 : i32
    %sign3A_103 = arith.constant 0 : i32
    %sign3A_104 = arith.cmpi sgt, %jit3A_94, %sign3A_103 : i32
    %sign3A_105 = arith.extui %sign3A_104 : i1 to i32
    %sign3A_106 = arith.constant 0 : i32
    %sign3A_107 = arith.cmpi slt, %jit3A_94, %sign3A_106 : i32
    %sign3A_108 = arith.extui %sign3A_107 : i1 to i32
    %sign3A_109 = arith.subi %sign3A_105, %sign3A_108 : i32
    %ne3A_110 = arith.cmpi ne, %sign3A_102, %sign3A_109 : i32
    %rem3A_111 = arith.remsi %multiple_of3A_53, %jit3A_94 : i32
    %ne3A_112 = arith.constant 0 : i32
    %ne3A_113 = arith.cmpi ne, %rem3A_111, %ne3A_112 : i32
    %and3A_114 = arith.andi %ne3A_110, %ne3A_113 : i1
    %sub3A_115 = arith.constant 1 : i32
    %sub3A_116 = arith.subi %div3A_95, %sub3A_115 : i32
    %select_n3A_117 = arith.select %and3A_114, %sub3A_116, %div3A_95 : i32
    %multiple_of3A_118 = tpu.assume_multiple %select_n3A_117, 16 : i32
    %dma_wait3A_119 = arith.constant 0 : i32
    %dma_wait3A_120 = arith.constant 0 : i32
    %dma_wait3A_121 = arith.constant 0 : i32
    %dma_wait3A_122 = tpu.memref_slice %arg6[%dma_wait3A_119, %dma_wait3A_120, %dma_wait3A_121] : memref<2x192x128xf32, #tpu.memory_space<vmem>> -> memref<1x192x128xf32, #tpu.memory_space<vmem>>
    %dma_wait3A_123 = tpu.memref_squeeze %dma_wait3A_122 : memref<1x192x128xf32, #tpu.memory_space<vmem>> -> memref<192x128xf32, #tpu.memory_space<vmem>>
    %dma_wait3A_124 = arith.constant 0 : i32
    %dma_wait3A_125 = arith.constant 0 : i32
    %dma_wait3A_126 = tpu.memref_slice %dma_wait3A_123[%dma_wait3A_124, %dma_wait3A_125] : memref<192x128xf32, #tpu.memory_space<vmem>> -> memref<64x128xf32, #tpu.memory_space<vmem>>
    %dma_wait3A_127 = arith.constant 0 : i32
    %dma_wait3A_128 = tpu.memref_slice %arg4[%multiple_of3A_118, %dma_wait3A_127] : memref<125000x128xf32, #tpu.memory_space<hbm>> -> memref<64x128xf32, #tpu.memory_space<hbm>>
    %dma_wait3A_129 = arith.constant 0 : i32
    %dma_wait3A_130 = tpu.memref_slice %arg4[%multiple_of3A_118, %dma_wait3A_129] : memref<125000x128xf32, #tpu.memory_space<hbm>> -> memref<64x128xf32, #tpu.memory_space<hbm>>
    %dma_wait3A_131 = arith.constant 0 : i32
    %dma_wait3A_132 = arith.constant 0 : i32
    %dma_wait3A_133 = tpu.memref_slice %arg6[%dma_wait3A_119, %dma_wait3A_131, %dma_wait3A_132] : memref<2x192x128xf32, #tpu.memory_space<vmem>> -> memref<1x192x128xf32, #tpu.memory_space<vmem>>
    %dma_wait3A_134 = tpu.memref_squeeze %dma_wait3A_133 : memref<1x192x128xf32, #tpu.memory_space<vmem>> -> memref<192x128xf32, #tpu.memory_space<vmem>>
    %dma_wait3A_135 = arith.constant 0 : i32
    %dma_wait3A_136 = arith.constant 0 : i32
    %dma_wait3A_137 = tpu.memref_slice %dma_wait3A_134[%dma_wait3A_135, %dma_wait3A_136] : memref<192x128xf32, #tpu.memory_space<vmem>> -> memref<64x128xf32, #tpu.memory_space<vmem>>
    tpu.wait_dma2 semaphore(%arg8 : memref<!tpu.dma_semaphore, #tpu.memory_space<semaphore_mem>>) src(%dma_wait3A_137 : memref<64x128xf32, #tpu.memory_space<vmem>>) dst(%dma_wait3A_130 : memref<64x128xf32, #tpu.memory_space<hbm>>)
    %eq3A = arith.constant 0 : i32
    %eq3A_138 = arith.cmpi eq, %add3A, %eq3A : i32
    %convert_element_type3A = arith.extui %eq3A_138 : i1 to i32
    %cond3A = arith.constant 0 : i32
    %cond3A_139 = arith.cmpi ne, %convert_element_type3A, %cond3A : i32
    scf.if %cond3A_139 {
      %multiple_of3A_140 = arith.constant 999424 : i32
      %multiple_of3A_141 = tpu.assume_multiple %multiple_of3A_140, 128 : i32
      %run_scoped3A_142 = arith.constant 0 : i32
      "tpu.region"() ({
        %run_scoped3A_245 = tpu.sem_alloc : memref<!tpu.dma_semaphore, #tpu.memory_space<semaphore_mem>>
        %dma_start3A_246 = arith.constant 0 : i32
        %dma_start3A_247 = arith.constant 0 : i32
        %dma_start3A_248 = tpu.memref_slice %arg5[%run_scoped3A_142, %dma_start3A_246, %dma_start3A_247] : memref<2x16x1537xf32, #tpu.memory_space<vmem>> -> memref<1x16x1537xf32, #tpu.memory_space<vmem>>
        %dma_start3A_249 = tpu.memref_squeeze %dma_start3A_248 : memref<1x16x1537xf32, #tpu.memory_space<vmem>> -> memref<16x1537xf32, #tpu.memory_space<vmem>>
        %dma_start3A_250 = arith.constant 0 : i32
        %dma_start3A_251 = arith.constant 0 : i32
        %dma_start3A_252 = tpu.memref_slice %dma_start3A_249[%dma_start3A_250, %dma_start3A_251] : memref<16x1537xf32, #tpu.memory_space<vmem>> -> memref<16x512xf32, #tpu.memory_space<vmem>>
        %dma_start3A_253 = arith.constant 0 : i32
        %dma_start3A_254 = tpu.memref_slice %arg2[%dma_start3A_253, %multiple_of3A_141] : memref<16x1000000xf32, #tpu.memory_space<hbm>> -> memref<16x512xf32, #tpu.memory_space<hbm>>
        %dma_start3A_255 = arith.constant 0 : i32
        %dma_start3A_256 = arith.constant 0 : i32
        %dma_start3A_257 = tpu.memref_slice %arg5[%run_scoped3A_142, %dma_start3A_255, %dma_start3A_256] : memref<2x16x1537xf32, #tpu.memory_space<vmem>> -> memref<1x16x1537xf32, #tpu.memory_space<vmem>>
        %dma_start3A_258 = tpu.memref_squeeze %dma_start3A_257 : memref<1x16x1537xf32, #tpu.memory_space<vmem>> -> memref<16x1537xf32, #tpu.memory_space<vmem>>
        %dma_start3A_259 = arith.constant 0 : i32
        %dma_start3A_260 = arith.constant 0 : i32
        %dma_start3A_261 = tpu.memref_slice %dma_start3A_258[%dma_start3A_259, %dma_start3A_260] : memref<16x1537xf32, #tpu.memory_space<vmem>> -> memref<16x512xf32, #tpu.memory_space<vmem>>
        %dma_start3A_262 = arith.constant 0 : i32
        %dma_start3A_263 = tpu.memref_slice %arg2[%dma_start3A_262, %multiple_of3A_141] : memref<16x1000000xf32, #tpu.memory_space<hbm>> -> memref<16x512xf32, #tpu.memory_space<hbm>>
        tpu.enqueue_dma source(%dma_start3A_263 : memref<16x512xf32, #tpu.memory_space<hbm>>) target(%dma_start3A_261 : memref<16x512xf32, #tpu.memory_space<vmem>>) target_semaphore(%run_scoped3A_245 : memref<!tpu.dma_semaphore, #tpu.memory_space<semaphore_mem>>)
        %dma_wait3A_264 = arith.constant 0 : i32
        %dma_wait3A_265 = arith.constant 0 : i32
        %dma_wait3A_266 = tpu.memref_slice %arg5[%run_scoped3A_142, %dma_wait3A_264, %dma_wait3A_265] : memref<2x16x1537xf32, #tpu.memory_space<vmem>> -> memref<1x16x1537xf32, #tpu.memory_space<vmem>>
        %dma_wait3A_267 = tpu.memref_squeeze %dma_wait3A_266 : memref<1x16x1537xf32, #tpu.memory_space<vmem>> -> memref<16x1537xf32, #tpu.memory_space<vmem>>
        %dma_wait3A_268 = arith.constant 0 : i32
        %dma_wait3A_269 = arith.constant 0 : i32
        %dma_wait3A_270 = tpu.memref_slice %dma_wait3A_267[%dma_wait3A_268, %dma_wait3A_269] : memref<16x1537xf32, #tpu.memory_space<vmem>> -> memref<16x512xf32, #tpu.memory_space<vmem>>
        %dma_wait3A_271 = arith.constant 0 : i32
        %dma_wait3A_272 = tpu.memref_slice %arg2[%dma_wait3A_271, %multiple_of3A_141] : memref<16x1000000xf32, #tpu.memory_space<hbm>> -> memref<16x512xf32, #tpu.memory_space<hbm>>
        %dma_wait3A_273 = arith.constant 0 : i32
        %dma_wait3A_274 = arith.constant 0 : i32
        %dma_wait3A_275 = tpu.memref_slice %arg5[%run_scoped3A_142, %dma_wait3A_273, %dma_wait3A_274] : memref<2x16x1537xf32, #tpu.memory_space<vmem>> -> memref<1x16x1537xf32, #tpu.memory_space<vmem>>
        %dma_wait3A_276 = tpu.memref_squeeze %dma_wait3A_275 : memref<1x16x1537xf32, #tpu.memory_space<vmem>> -> memref<16x1537xf32, #tpu.memory_space<vmem>>
        %dma_wait3A_277 = arith.constant 0 : i32
        %dma_wait3A_278 = arith.constant 0 : i32
        %dma_wait3A_279 = tpu.memref_slice %dma_wait3A_276[%dma_wait3A_277, %dma_wait3A_278] : memref<16x1537xf32, #tpu.memory_space<vmem>> -> memref<16x512xf32, #tpu.memory_space<vmem>>
        %dma_wait3A_280 = arith.constant 0 : i32
        %dma_wait3A_281 = tpu.memref_slice %arg2[%dma_wait3A_280, %multiple_of3A_141] : memref<16x1000000xf32, #tpu.memory_space<hbm>> -> memref<16x512xf32, #tpu.memory_space<hbm>>
        tpu.wait_dma2 semaphore(%run_scoped3A_245 : memref<!tpu.dma_semaphore, #tpu.memory_space<semaphore_mem>>) src(%dma_wait3A_281 : memref<16x512xf32, #tpu.memory_space<hbm>>) dst(%dma_wait3A_279 : memref<16x512xf32, #tpu.memory_space<vmem>>)
        tpu.yield
      }) : () -> ()
      %iota3A_143 = tpu.iota {dimensions = array<i32: 0>} : vector<16xi32>
      %parallel_loop3A_144 = arith.constant 0 : i32
      %parallel_loop3A_145 = arith.constant 64 : i32
      %parallel_loop3A_146 = arith.constant 1 : i32
      %parallel_loop3A_147 = arith.constant 0 : i32
      %parallel_loop3A_148 = arith.constant 0 : i32
      scf.for %parallel_loop3A_245 = %parallel_loop3A_144 to %parallel_loop3A_145 step %parallel_loop3A_146  : i32 {
        %parallel_loop3A_246 = arith.constant 8 : i32
        %parallel_loop3A_247 = arith.muli %parallel_loop3A_245, %parallel_loop3A_246 : i32
        %parallel_loop3A_248 = vector.broadcast %parallel_loop3A_247 : i32 to vector<16xi32>
        %parallel_loop3A_249 = arith.constant 0 : i32
        %parallel_loop3A_250 = vector.broadcast %parallel_loop3A_249 : i32 to vector<16xi32>
        %parallel_loop3A_251 = arith.addi %parallel_loop3A_248, %parallel_loop3A_250 : vector<16xi32>
        %parallel_loop3A_252 = arith.constant 0 : i32
        %parallel_loop3A_253 = arith.constant 0 : i32
        %parallel_loop3A_254 = tpu.memref_slice %arg5[%parallel_loop3A_147, %parallel_loop3A_252, %parallel_loop3A_253] : memref<2x16x1537xf32, #tpu.memory_space<vmem>> -> memref<1x16x1537xf32, #tpu.memory_space<vmem>>
        %parallel_loop3A_255 = tpu.memref_squeeze %parallel_loop3A_254 : memref<1x16x1537xf32, #tpu.memory_space<vmem>> -> memref<16x1537xf32, #tpu.memory_space<vmem>>
        %parallel_loop3A_256 = tpu.vector_load_idx %parallel_loop3A_255[%iota3A_143, %parallel_loop3A_251] : memref<16x1537xf32, #tpu.memory_space<vmem>>[vector<16xi32>, vector<16xi32>], vector<16xf32>,
        %parallel_loop3A_257 = arith.constant 0 : i32
        %parallel_loop3A_258 = arith.constant 0 : i32
        %parallel_loop3A_259 = tpu.memref_slice %arg6[%parallel_loop3A_148, %parallel_loop3A_257, %parallel_loop3A_258] : memref<2x192x128xf32, #tpu.memory_space<vmem>> -> memref<1x192x128xf32, #tpu.memory_space<vmem>>
        %parallel_loop3A_260 = tpu.memref_squeeze %parallel_loop3A_259 : memref<1x192x128xf32, #tpu.memory_space<vmem>> -> memref<192x128xf32, #tpu.memory_space<vmem>>
        %parallel_loop3A_261 = arith.index_cast %parallel_loop3A_245 : i32 to index
        %parallel_loop3A_262 = arith.constant 0 : index
        %parallel_loop3A_263 = tpu.vector_load %parallel_loop3A_260[%parallel_loop3A_261, %parallel_loop3A_262] {strides = array<i32>} : memref<192x128xf32, #tpu.memory_space<vmem>>, vector<16xf32>,
        tpu.vector_store %parallel_loop3A_260[%parallel_loop3A_261, %parallel_loop3A_262], %parallel_loop3A_256 {strides = array<i32>} : memref<192x128xf32, #tpu.memory_space<vmem>>, vector<16xf32>,
        %parallel_loop3A_264 = arith.constant 1 : i32
        %parallel_loop3A_265 = vector.broadcast %parallel_loop3A_264 : i32 to vector<16xi32>
        %parallel_loop3A_266 = arith.addi %parallel_loop3A_248, %parallel_loop3A_265 : vector<16xi32>
        %parallel_loop3A_267 = arith.constant 0 : i32
        %parallel_loop3A_268 = arith.constant 0 : i32
        %parallel_loop3A_269 = tpu.memref_slice %arg5[%parallel_loop3A_147, %parallel_loop3A_267, %parallel_loop3A_268] : memref<2x16x1537xf32, #tpu.memory_space<vmem>> -> memref<1x16x1537xf32, #tpu.memory_space<vmem>>
        %parallel_loop3A_270 = tpu.memref_squeeze %parallel_loop3A_269 : memref<1x16x1537xf32, #tpu.memory_space<vmem>> -> memref<16x1537xf32, #tpu.memory_space<vmem>>
        %parallel_loop3A_271 = tpu.vector_load_idx %parallel_loop3A_270[%iota3A_143, %parallel_loop3A_266] : memref<16x1537xf32, #tpu.memory_space<vmem>>[vector<16xi32>, vector<16xi32>], vector<16xf32>,
        %parallel_loop3A_272 = arith.constant 0 : i32
        %parallel_loop3A_273 = arith.constant 0 : i32
        %parallel_loop3A_274 = tpu.memref_slice %arg6[%parallel_loop3A_148, %parallel_loop3A_272, %parallel_loop3A_273] : memref<2x192x128xf32, #tpu.memory_space<vmem>> -> memref<1x192x128xf32, #tpu.memory_space<vmem>>
        %parallel_loop3A_275 = tpu.memref_squeeze %parallel_loop3A_274 : memref<1x192x128xf32, #tpu.memory_space<vmem>> -> memref<192x128xf32, #tpu.memory_space<vmem>>
        %parallel_loop3A_276 = arith.index_cast %parallel_loop3A_245 : i32 to index
        %parallel_loop3A_277 = arith.constant 16 : index
        %parallel_loop3A_278 = tpu.vector_load %parallel_loop3A_275[%parallel_loop3A_276, %parallel_loop3A_277] {strides = array<i32>} : memref<192x128xf32, #tpu.memory_space<vmem>>, vector<16xf32>,
        tpu.vector_store %parallel_loop3A_275[%parallel_loop3A_276, %parallel_loop3A_277], %parallel_loop3A_271 {strides = array<i32>} : memref<192x128xf32, #tpu.memory_space<vmem>>, vector<16xf32>,
        %parallel_loop3A_279 = arith.constant 2 : i32
        %parallel_loop3A_280 = vector.broadcast %parallel_loop3A_279 : i32 to vector<16xi32>
        %parallel_loop3A_281 = arith.addi %parallel_loop3A_248, %parallel_loop3A_280 : vector<16xi32>
        %parallel_loop3A_282 = arith.constant 0 : i32
        %parallel_loop3A_283 = arith.constant 0 : i32
        %parallel_loop3A_284 = tpu.memref_slice %arg5[%parallel_loop3A_147, %parallel_loop3A_282, %parallel_loop3A_283] : memref<2x16x1537xf32, #tpu.memory_space<vmem>> -> memref<1x16x1537xf32, #tpu.memory_space<vmem>>
        %parallel_loop3A_285 = tpu.memref_squeeze %parallel_loop3A_284 : memref<1x16x1537xf32, #tpu.memory_space<vmem>> -> memref<16x1537xf32, #tpu.memory_space<vmem>>
        %parallel_loop3A_286 = tpu.vector_load_idx %parallel_loop3A_285[%iota3A_143, %parallel_loop3A_281] : memref<16x1537xf32, #tpu.memory_space<vmem>>[vector<16xi32>, vector<16xi32>], vector<16xf32>,
        %parallel_loop3A_287 = arith.constant 0 : i32
        %parallel_loop3A_288 = arith.constant 0 : i32
        %parallel_loop3A_289 = tpu.memref_slice %arg6[%parallel_loop3A_148, %parallel_loop3A_287, %parallel_loop3A_288] : memref<2x192x128xf32, #tpu.memory_space<vmem>> -> memref<1x192x128xf32, #tpu.memory_space<vmem>>
        %parallel_loop3A_290 = tpu.memref_squeeze %parallel_loop3A_289 : memref<1x192x128xf32, #tpu.memory_space<vmem>> -> memref<192x128xf32, #tpu.memory_space<vmem>>
        %parallel_loop3A_291 = arith.index_cast %parallel_loop3A_245 : i32 to index
        %parallel_loop3A_292 = arith.constant 32 : index
        %parallel_loop3A_293 = tpu.vector_load %parallel_loop3A_290[%parallel_loop3A_291, %parallel_loop3A_292] {strides = array<i32>} : memref<192x128xf32, #tpu.memory_space<vmem>>, vector<16xf32>,
        tpu.vector_store %parallel_loop3A_290[%parallel_loop3A_291, %parallel_loop3A_292], %parallel_loop3A_286 {strides = array<i32>} : memref<192x128xf32, #tpu.memory_space<vmem>>, vector<16xf32>,
        %parallel_loop3A_294 = arith.constant 3 : i32
        %parallel_loop3A_295 = vector.broadcast %parallel_loop3A_294 : i32 to vector<16xi32>
        %parallel_loop3A_296 = arith.addi %parallel_loop3A_248, %parallel_loop3A_295 : vector<16xi32>
        %parallel_loop3A_297 = arith.constant 0 : i32
        %parallel_loop3A_298 = arith.constant 0 : i32
        %parallel_loop3A_299 = tpu.memref_slice %arg5[%parallel_loop3A_147, %parallel_loop3A_297, %parallel_loop3A_298] : memref<2x16x1537xf32, #tpu.memory_space<vmem>> -> memref<1x16x1537xf32, #tpu.memory_space<vmem>>
        %parallel_loop3A_300 = tpu.memref_squeeze %parallel_loop3A_299 : memref<1x16x1537xf32, #tpu.memory_space<vmem>> -> memref<16x1537xf32, #tpu.memory_space<vmem>>
        %parallel_loop3A_301 = tpu.vector_load_idx %parallel_loop3A_300[%iota3A_143, %parallel_loop3A_296] : memref<16x1537xf32, #tpu.memory_space<vmem>>[vector<16xi32>, vector<16xi32>], vector<16xf32>,
        %parallel_loop3A_302 = arith.constant 0 : i32
        %parallel_loop3A_303 = arith.constant 0 : i32
        %parallel_loop3A_304 = tpu.memref_slice %arg6[%parallel_loop3A_148, %parallel_loop3A_302, %parallel_loop3A_303] : memref<2x192x128xf32, #tpu.memory_space<vmem>> -> memref<1x192x128xf32, #tpu.memory_space<vmem>>
        %parallel_loop3A_305 = tpu.memref_squeeze %parallel_loop3A_304 : memref<1x192x128xf32, #tpu.memory_space<vmem>> -> memref<192x128xf32, #tpu.memory_space<vmem>>
        %parallel_loop3A_306 = arith.index_cast %parallel_loop3A_245 : i32 to index
        %parallel_loop3A_307 = arith.constant 48 : index
        %parallel_loop3A_308 = tpu.vector_load %parallel_loop3A_305[%parallel_loop3A_306, %parallel_loop3A_307] {strides = array<i32>} : memref<192x128xf32, #tpu.memory_space<vmem>>, vector<16xf32>,
        tpu.vector_store %parallel_loop3A_305[%parallel_loop3A_306, %parallel_loop3A_307], %parallel_loop3A_301 {strides = array<i32>} : memref<192x128xf32, #tpu.memory_space<vmem>>, vector<16xf32>,
        %parallel_loop3A_309 = arith.constant 4 : i32
        %parallel_loop3A_310 = vector.broadcast %parallel_loop3A_309 : i32 to vector<16xi32>
        %parallel_loop3A_311 = arith.addi %parallel_loop3A_248, %parallel_loop3A_310 : vector<16xi32>
        %parallel_loop3A_312 = arith.constant 0 : i32
        %parallel_loop3A_313 = arith.constant 0 : i32
        %parallel_loop3A_314 = tpu.memref_slice %arg5[%parallel_loop3A_147, %parallel_loop3A_312, %parallel_loop3A_313] : memref<2x16x1537xf32, #tpu.memory_space<vmem>> -> memref<1x16x1537xf32, #tpu.memory_space<vmem>>
        %parallel_loop3A_315 = tpu.memref_squeeze %parallel_loop3A_314 : memref<1x16x1537xf32, #tpu.memory_space<vmem>> -> memref<16x1537xf32, #tpu.memory_space<vmem>>
        %parallel_loop3A_316 = tpu.vector_load_idx %parallel_loop3A_315[%iota3A_143, %parallel_loop3A_311] : memref<16x1537xf32, #tpu.memory_space<vmem>>[vector<16xi32>, vector<16xi32>], vector<16xf32>,
        %parallel_loop3A_317 = arith.constant 0 : i32
        %parallel_loop3A_318 = arith.constant 0 : i32
        %parallel_loop3A_319 = tpu.memref_slice %arg6[%parallel_loop3A_148, %parallel_loop3A_317, %parallel_loop3A_318] : memref<2x192x128xf32, #tpu.memory_space<vmem>> -> memref<1x192x128xf32, #tpu.memory_space<vmem>>
        %parallel_loop3A_320 = tpu.memref_squeeze %parallel_loop3A_319 : memref<1x192x128xf32, #tpu.memory_space<vmem>> -> memref<192x128xf32, #tpu.memory_space<vmem>>
        %parallel_loop3A_321 = arith.index_cast %parallel_loop3A_245 : i32 to index
        %parallel_loop3A_322 = arith.constant 64 : index
        %parallel_loop3A_323 = tpu.vector_load %parallel_loop3A_320[%parallel_loop3A_321, %parallel_loop3A_322] {strides = array<i32>} : memref<192x128xf32, #tpu.memory_space<vmem>>, vector<16xf32>,
        tpu.vector_store %parallel_loop3A_320[%parallel_loop3A_321, %parallel_loop3A_322], %parallel_loop3A_316 {strides = array<i32>} : memref<192x128xf32, #tpu.memory_space<vmem>>, vector<16xf32>,
        %parallel_loop3A_324 = arith.constant 5 : i32
        %parallel_loop3A_325 = vector.broadcast %parallel_loop3A_324 : i32 to vector<16xi32>
        %parallel_loop3A_326 = arith.addi %parallel_loop3A_248, %parallel_loop3A_325 : vector<16xi32>
        %parallel_loop3A_327 = arith.constant 0 : i32
        %parallel_loop3A_328 = arith.constant 0 : i32
        %parallel_loop3A_329 = tpu.memref_slice %arg5[%parallel_loop3A_147, %parallel_loop3A_327, %parallel_loop3A_328] : memref<2x16x1537xf32, #tpu.memory_space<vmem>> -> memref<1x16x1537xf32, #tpu.memory_space<vmem>>
        %parallel_loop3A_330 = tpu.memref_squeeze %parallel_loop3A_329 : memref<1x16x1537xf32, #tpu.memory_space<vmem>> -> memref<16x1537xf32, #tpu.memory_space<vmem>>
        %parallel_loop3A_331 = tpu.vector_load_idx %parallel_loop3A_330[%iota3A_143, %parallel_loop3A_326] : memref<16x1537xf32, #tpu.memory_space<vmem>>[vector<16xi32>, vector<16xi32>], vector<16xf32>,
        %parallel_loop3A_332 = arith.constant 0 : i32
        %parallel_loop3A_333 = arith.constant 0 : i32
        %parallel_loop3A_334 = tpu.memref_slice %arg6[%parallel_loop3A_148, %parallel_loop3A_332, %parallel_loop3A_333] : memref<2x192x128xf32, #tpu.memory_space<vmem>> -> memref<1x192x128xf32, #tpu.memory_space<vmem>>
        %parallel_loop3A_335 = tpu.memref_squeeze %parallel_loop3A_334 : memref<1x192x128xf32, #tpu.memory_space<vmem>> -> memref<192x128xf32, #tpu.memory_space<vmem>>
        %parallel_loop3A_336 = arith.index_cast %parallel_loop3A_245 : i32 to index
        %parallel_loop3A_337 = arith.constant 80 : index
        %parallel_loop3A_338 = tpu.vector_load %parallel_loop3A_335[%parallel_loop3A_336, %parallel_loop3A_337] {strides = array<i32>} : memref<192x128xf32, #tpu.memory_space<vmem>>, vector<16xf32>,
        tpu.vector_store %parallel_loop3A_335[%parallel_loop3A_336, %parallel_loop3A_337], %parallel_loop3A_331 {strides = array<i32>} : memref<192x128xf32, #tpu.memory_space<vmem>>, vector<16xf32>,
        %parallel_loop3A_339 = arith.constant 6 : i32
        %parallel_loop3A_340 = vector.broadcast %parallel_loop3A_339 : i32 to vector<16xi32>
        %parallel_loop3A_341 = arith.addi %parallel_loop3A_248, %parallel_loop3A_340 : vector<16xi32>
        %parallel_loop3A_342 = arith.constant 0 : i32
        %parallel_loop3A_343 = arith.constant 0 : i32
        %parallel_loop3A_344 = tpu.memref_slice %arg5[%parallel_loop3A_147, %parallel_loop3A_342, %parallel_loop3A_343] : memref<2x16x1537xf32, #tpu.memory_space<vmem>> -> memref<1x16x1537xf32, #tpu.memory_space<vmem>>
        %parallel_loop3A_345 = tpu.memref_squeeze %parallel_loop3A_344 : memref<1x16x1537xf32, #tpu.memory_space<vmem>> -> memref<16x1537xf32, #tpu.memory_space<vmem>>
        %parallel_loop3A_346 = tpu.vector_load_idx %parallel_loop3A_345[%iota3A_143, %parallel_loop3A_341] : memref<16x1537xf32, #tpu.memory_space<vmem>>[vector<16xi32>, vector<16xi32>], vector<16xf32>,
        %parallel_loop3A_347 = arith.constant 0 : i32
        %parallel_loop3A_348 = arith.constant 0 : i32
        %parallel_loop3A_349 = tpu.memref_slice %arg6[%parallel_loop3A_148, %parallel_loop3A_347, %parallel_loop3A_348] : memref<2x192x128xf32, #tpu.memory_space<vmem>> -> memref<1x192x128xf32, #tpu.memory_space<vmem>>
        %parallel_loop3A_350 = tpu.memref_squeeze %parallel_loop3A_349 : memref<1x192x128xf32, #tpu.memory_space<vmem>> -> memref<192x128xf32, #tpu.memory_space<vmem>>
        %parallel_loop3A_351 = arith.index_cast %parallel_loop3A_245 : i32 to index
        %parallel_loop3A_352 = arith.constant 96 : index
        %parallel_loop3A_353 = tpu.vector_load %parallel_loop3A_350[%parallel_loop3A_351, %parallel_loop3A_352] {strides = array<i32>} : memref<192x128xf32, #tpu.memory_space<vmem>>, vector<16xf32>,
        tpu.vector_store %parallel_loop3A_350[%parallel_loop3A_351, %parallel_loop3A_352], %parallel_loop3A_346 {strides = array<i32>} : memref<192x128xf32, #tpu.memory_space<vmem>>, vector<16xf32>,
        %parallel_loop3A_354 = arith.constant 7 : i32
        %parallel_loop3A_355 = vector.broadcast %parallel_loop3A_354 : i32 to vector<16xi32>
        %parallel_loop3A_356 = arith.addi %parallel_loop3A_248, %parallel_loop3A_355 : vector<16xi32>
        %parallel_loop3A_357 = arith.constant 0 : i32
        %parallel_loop3A_358 = arith.constant 0 : i32
        %parallel_loop3A_359 = tpu.memref_slice %arg5[%parallel_loop3A_147, %parallel_loop3A_357, %parallel_loop3A_358] : memref<2x16x1537xf32, #tpu.memory_space<vmem>> -> memref<1x16x1537xf32, #tpu.memory_space<vmem>>
        %parallel_loop3A_360 = tpu.memref_squeeze %parallel_loop3A_359 : memref<1x16x1537xf32, #tpu.memory_space<vmem>> -> memref<16x1537xf32, #tpu.memory_space<vmem>>
        %parallel_loop3A_361 = tpu.vector_load_idx %parallel_loop3A_360[%iota3A_143, %parallel_loop3A_356] : memref<16x1537xf32, #tpu.memory_space<vmem>>[vector<16xi32>, vector<16xi32>], vector<16xf32>,
        %parallel_loop3A_362 = arith.constant 0 : i32
        %parallel_loop3A_363 = arith.constant 0 : i32
        %parallel_loop3A_364 = tpu.memref_slice %arg6[%parallel_loop3A_148, %parallel_loop3A_362, %parallel_loop3A_363] : memref<2x192x128xf32, #tpu.memory_space<vmem>> -> memref<1x192x128xf32, #tpu.memory_space<vmem>>
        %parallel_loop3A_365 = tpu.memref_squeeze %parallel_loop3A_364 : memref<1x192x128xf32, #tpu.memory_space<vmem>> -> memref<192x128xf32, #tpu.memory_space<vmem>>
        %parallel_loop3A_366 = arith.index_cast %parallel_loop3A_245 : i32 to index
        %parallel_loop3A_367 = arith.constant 112 : index
        %parallel_loop3A_368 = tpu.vector_load %parallel_loop3A_365[%parallel_loop3A_366, %parallel_loop3A_367] {strides = array<i32>} : memref<192x128xf32, #tpu.memory_space<vmem>>, vector<16xf32>,
        tpu.vector_store %parallel_loop3A_365[%parallel_loop3A_366, %parallel_loop3A_367], %parallel_loop3A_361 {strides = array<i32>} : memref<192x128xf32, #tpu.memory_space<vmem>>, vector<16xf32>,
      } {sc.loop_unroll_factor = 4 : i64, sc.parallel_access}
      %jit3A_149 = arith.constant 8 : i32
      %div3A_150 = arith.divsi %multiple_of3A_141, %jit3A_149 : i32
      %sign3A_151 = arith.constant 0 : i32
      %sign3A_152 = arith.cmpi sgt, %multiple_of3A_141, %sign3A_151 : i32
      %sign3A_153 = arith.extui %sign3A_152 : i1 to i32
      %sign3A_154 = arith.constant 0 : i32
      %sign3A_155 = arith.cmpi slt, %multiple_of3A_141, %sign3A_154 : i32
      %sign3A_156 = arith.extui %sign3A_155 : i1 to i32
      %sign3A_157 = arith.subi %sign3A_153, %sign3A_156 : i32
      %sign3A_158 = arith.constant 0 : i32
      %sign3A_159 = arith.cmpi sgt, %jit3A_149, %sign3A_158 : i32
      %sign3A_160 = arith.extui %sign3A_159 : i1 to i32
      %sign3A_161 = arith.constant 0 : i32
      %sign3A_162 = arith.cmpi slt, %jit3A_149, %sign3A_161 : i32
      %sign3A_163 = arith.extui %sign3A_162 : i1 to i32
      %sign3A_164 = arith.subi %sign3A_160, %sign3A_163 : i32
      %ne3A_165 = arith.cmpi ne, %sign3A_157, %sign3A_164 : i32
      %rem3A_166 = arith.remsi %multiple_of3A_141, %jit3A_149 : i32
      %ne3A_167 = arith.constant 0 : i32
      %ne3A_168 = arith.cmpi ne, %rem3A_166, %ne3A_167 : i32
      %and3A_169 = arith.andi %ne3A_165, %ne3A_168 : i1
      %sub3A_170 = arith.constant 1 : i32
      %sub3A_171 = arith.subi %div3A_150, %sub3A_170 : i32
      %select_n3A_172 = arith.select %and3A_169, %sub3A_171, %div3A_150 : i32
      %multiple_of3A_173 = tpu.assume_multiple %select_n3A_172, 16 : i32
      %dma_start3A_174 = arith.constant 0 : i32
      %dma_start3A_175 = arith.constant 0 : i32
      %dma_start3A_176 = arith.constant 0 : i32
      %dma_start3A_177 = tpu.memref_slice %arg6[%dma_start3A_174, %dma_start3A_175, %dma_start3A_176] : memref<2x192x128xf32, #tpu.memory_space<vmem>> -> memref<1x192x128xf32, #tpu.memory_space<vmem>>
      %dma_start3A_178 = tpu.memref_squeeze %dma_start3A_177 : memref<1x192x128xf32, #tpu.memory_space<vmem>> -> memref<192x128xf32, #tpu.memory_space<vmem>>
      %dma_start3A_179 = arith.constant 0 : i32
      %dma_start3A_180 = arith.constant 0 : i32
      %dma_start3A_181 = tpu.memref_slice %dma_start3A_178[%dma_start3A_179, %dma_start3A_180] : memref<192x128xf32, #tpu.memory_space<vmem>> -> memref<64x128xf32, #tpu.memory_space<vmem>>
      %dma_start3A_182 = arith.constant 0 : i32
      %dma_start3A_183 = tpu.memref_slice %arg4[%multiple_of3A_173, %dma_start3A_182] : memref<125000x128xf32, #tpu.memory_space<hbm>> -> memref<64x128xf32, #tpu.memory_space<hbm>>
      %dma_start3A_184 = arith.constant 0 : i32
      %dma_start3A_185 = tpu.memref_slice %arg4[%multiple_of3A_173, %dma_start3A_184] : memref<125000x128xf32, #tpu.memory_space<hbm>> -> memref<64x128xf32, #tpu.memory_space<hbm>>
      %dma_start3A_186 = arith.constant 0 : i32
      %dma_start3A_187 = arith.constant 0 : i32
      %dma_start3A_188 = tpu.memref_slice %arg6[%dma_start3A_174, %dma_start3A_186, %dma_start3A_187] : memref<2x192x128xf32, #tpu.memory_space<vmem>> -> memref<1x192x128xf32, #tpu.memory_space<vmem>>
      %dma_start3A_189 = tpu.memref_squeeze %dma_start3A_188 : memref<1x192x128xf32, #tpu.memory_space<vmem>> -> memref<192x128xf32, #tpu.memory_space<vmem>>
      %dma_start3A_190 = arith.constant 0 : i32
      %dma_start3A_191 = arith.constant 0 : i32
      %dma_start3A_192 = tpu.memref_slice %dma_start3A_189[%dma_start3A_190, %dma_start3A_191] : memref<192x128xf32, #tpu.memory_space<vmem>> -> memref<64x128xf32, #tpu.memory_space<vmem>>
      tpu.enqueue_dma source(%dma_start3A_192 : memref<64x128xf32, #tpu.memory_space<vmem>>) target(%dma_start3A_185 : memref<64x128xf32, #tpu.memory_space<hbm>>) target_semaphore(%arg8 : memref<!tpu.dma_semaphore, #tpu.memory_space<semaphore_mem>>)
      %jit3A_193 = arith.constant 8 : i32
      %div3A_194 = arith.divsi %multiple_of3A_141, %jit3A_193 : i32
      %sign3A_195 = arith.constant 0 : i32
      %sign3A_196 = arith.cmpi sgt, %multiple_of3A_141, %sign3A_195 : i32
      %sign3A_197 = arith.extui %sign3A_196 : i1 to i32
      %sign3A_198 = arith.constant 0 : i32
      %sign3A_199 = arith.cmpi slt, %multiple_of3A_141, %sign3A_198 : i32
      %sign3A_200 = arith.extui %sign3A_199 : i1 to i32
      %sign3A_201 = arith.subi %sign3A_197, %sign3A_200 : i32
      %sign3A_202 = arith.constant 0 : i32
      %sign3A_203 = arith.cmpi sgt, %jit3A_193, %sign3A_202 : i32
      %sign3A_204 = arith.extui %sign3A_203 : i1 to i32
      %sign3A_205 = arith.constant 0 : i32
      %sign3A_206 = arith.cmpi slt, %jit3A_193, %sign3A_205 : i32
      %sign3A_207 = arith.extui %sign3A_206 : i1 to i32
      %sign3A_208 = arith.subi %sign3A_204, %sign3A_207 : i32
      %ne3A_209 = arith.cmpi ne, %sign3A_201, %sign3A_208 : i32
      %rem3A_210 = arith.remsi %multiple_of3A_141, %jit3A_193 : i32
      %ne3A_211 = arith.constant 0 : i32
      %ne3A_212 = arith.cmpi ne, %rem3A_210, %ne3A_211 : i32
      %and3A_213 = arith.andi %ne3A_209, %ne3A_212 : i1
      %sub3A_214 = arith.constant 1 : i32
      %sub3A_215 = arith.subi %div3A_194, %sub3A_214 : i32
      %select_n3A_216 = arith.select %and3A_213, %sub3A_215, %div3A_194 : i32
      %multiple_of3A_217 = tpu.assume_multiple %select_n3A_216, 16 : i32
      %dma_wait3A_218 = arith.constant 0 : i32
      %dma_wait3A_219 = arith.constant 0 : i32
      %dma_wait3A_220 = arith.constant 0 : i32
      %dma_wait3A_221 = tpu.memref_slice %arg6[%dma_wait3A_218, %dma_wait3A_219, %dma_wait3A_220] : memref<2x192x128xf32, #tpu.memory_space<vmem>> -> memref<1x192x128xf32, #tpu.memory_space<vmem>>
      %dma_wait3A_222 = tpu.memref_squeeze %dma_wait3A_221 : memref<1x192x128xf32, #tpu.memory_space<vmem>> -> memref<192x128xf32, #tpu.memory_space<vmem>>
      %dma_wait3A_223 = arith.constant 0 : i32
      %dma_wait3A_224 = arith.constant 0 : i32
      %dma_wait3A_225 = tpu.memref_slice %dma_wait3A_222[%dma_wait3A_223, %dma_wait3A_224] : memref<192x128xf32, #tpu.memory_space<vmem>> -> memref<64x128xf32, #tpu.memory_space<vmem>>
      %dma_wait3A_226 = arith.constant 0 : i32
      %dma_wait3A_227 = tpu.memref_slice %arg4[%multiple_of3A_217, %dma_wait3A_226] : memref<125000x128xf32, #tpu.memory_space<hbm>> -> memref<64x128xf32, #tpu.memory_space<hbm>>
      %dma_wait3A_228 = arith.constant 0 : i32
      %dma_wait3A_229 = tpu.memref_slice %arg4[%multiple_of3A_217, %dma_wait3A_228] : memref<125000x128xf32, #tpu.memory_space<hbm>> -> memref<64x128xf32, #tpu.memory_space<hbm>>
      %dma_wait3A_230 = arith.constant 0 : i32
      %dma_wait3A_231 = arith.constant 0 : i32
      %dma_wait3A_232 = tpu.memref_slice %arg6[%dma_wait3A_218, %dma_wait3A_230, %dma_wait3A_231] : memref<2x192x128xf32, #tpu.memory_space<vmem>> -> memref<1x192x128xf32, #tpu.memory_space<vmem>>
      %dma_wait3A_233 = tpu.memref_squeeze %dma_wait3A_232 : memref<1x192x128xf32, #tpu.memory_space<vmem>> -> memref<192x128xf32, #tpu.memory_space<vmem>>
      %dma_wait3A_234 = arith.constant 0 : i32
      %dma_wait3A_235 = arith.constant 0 : i32
      %dma_wait3A_236 = tpu.memref_slice %dma_wait3A_233[%dma_wait3A_234, %dma_wait3A_235] : memref<192x128xf32, #tpu.memory_space<vmem>> -> memref<64x128xf32, #tpu.memory_space<vmem>>
      tpu.wait_dma2 semaphore(%arg8 : memref<!tpu.dma_semaphore, #tpu.memory_space<semaphore_mem>>) src(%dma_wait3A_236 : memref<64x128xf32, #tpu.memory_space<vmem>>) dst(%dma_wait3A_229 : memref<64x128xf32, #tpu.memory_space<hbm>>)
      "tpu.region"() ({
        %run_scoped3A_245 = tpu.sem_alloc : memref<!tpu.dma_semaphore, #tpu.memory_space<semaphore_mem>>
        tpu.enqueue_dma source(%arg3 : memref<64x16xf32, #tpu.memory_space<hbm>>) target(%arg7 : memref<64x16xf32, #tpu.memory_space<vmem>>) target_semaphore(%run_scoped3A_245 : memref<!tpu.dma_semaphore, #tpu.memory_space<semaphore_mem>>)
        tpu.wait_dma2 semaphore(%run_scoped3A_245 : memref<!tpu.dma_semaphore, #tpu.memory_space<semaphore_mem>>) src(%arg3 : memref<64x16xf32, #tpu.memory_space<hbm>>) dst(%arg7 : memref<64x16xf32, #tpu.memory_space<vmem>>)
        tpu.yield
      }) : () -> ()
      %iota3A_237 = tpu.iota {dimensions = array<i32: 0>} : vector<16xi32>
      %scan3A_238 = arith.constant 0 : i32
      %scan3A_239 = arith.constant 0 : i32
      %scan3A_240 = arith.constant 64 : i32
      %scan3A_241 = arith.addi %scan3A_239, %scan3A_240 : i32
      %scan3A_242 = arith.constant 8 : i32
      scf.for %scan3A_245 = %scan3A_239 to %scan3A_241 step %scan3A_242  : i32 {
        %get3A = arith.index_cast %scan3A_245 : i32 to index
        %get3A_246 = arith.constant 0 : index
        %get3A_247 = tpu.vector_load %arg7[%get3A, %get3A_246] {strides = array<i32>} : memref<64x16xf32, #tpu.memory_space<vmem>>, vector<16xf32>,
        %jit3A_248 = arith.constant 8 : i32
        %div3A_249 = arith.divsi %scan3A_245, %jit3A_248 : i32
        %sign3A_250 = arith.constant 0 : i32
        %sign3A_251 = arith.cmpi sgt, %scan3A_245, %sign3A_250 : i32
        %sign3A_252 = arith.extui %sign3A_251 : i1 to i32
        %sign3A_253 = arith.constant 0 : i32
        %sign3A_254 = arith.cmpi slt, %scan3A_245, %sign3A_253 : i32
        %sign3A_255 = arith.extui %sign3A_254 : i1 to i32
        %sign3A_256 = arith.subi %sign3A_252, %sign3A_255 : i32
        %sign3A_257 = arith.constant 0 : i32
        %sign3A_258 = arith.cmpi sgt, %jit3A_248, %sign3A_257 : i32
        %sign3A_259 = arith.extui %sign3A_258 : i1 to i32
        %sign3A_260 = arith.constant 0 : i32
        %sign3A_261 = arith.cmpi slt, %jit3A_248, %sign3A_260 : i32
        %sign3A_262 = arith.extui %sign3A_261 : i1 to i32
        %sign3A_263 = arith.subi %sign3A_259, %sign3A_262 : i32
        %ne3A_264 = arith.cmpi ne, %sign3A_256, %sign3A_263 : i32
        %rem3A_265 = arith.remsi %scan3A_245, %jit3A_248 : i32
        %ne3A_266 = arith.constant 0 : i32
        %ne3A_267 = arith.cmpi ne, %rem3A_265, %ne3A_266 : i32
        %and3A_268 = arith.andi %ne3A_264, %ne3A_267 : i1
        %sub3A_269 = arith.constant 1 : i32
        %sub3A_270 = arith.subi %div3A_249, %sub3A_269 : i32
        %select_n3A_271 = arith.select %and3A_268, %sub3A_270, %div3A_249 : i32
        %broadcast_in_dim3A = vector.broadcast %select_n3A_271 : i32 to vector<16xi32>
        %jit3A_272 = arith.constant 8 : i32
        %eq3A_273 = arith.constant 0 : i32
        %eq3A_274 = arith.cmpi eq, %jit3A_272, %eq3A_273 : i32
        %jit3A_275 = arith.constant 1 : i32
        %select_n3A_276 = arith.select %eq3A_274, %jit3A_275, %jit3A_272 : i32
        %rem3A_277 = arith.remsi %scan3A_245, %select_n3A_276 : i32
        %ne3A_278 = arith.constant 0 : i32
        %ne3A_279 = arith.cmpi ne, %rem3A_277, %ne3A_278 : i32
        %lt3A = arith.constant 0 : i32
        %lt3A_280 = arith.cmpi slt, %rem3A_277, %lt3A : i32
        %lt3A_281 = arith.constant 0 : i32
        %lt3A_282 = arith.cmpi slt, %select_n3A_276, %lt3A_281 : i32
        %ne3A_283 = arith.xori %lt3A_280, %lt3A_282 : i1
        %and3A_284 = arith.andi %ne3A_283, %ne3A_279 : i1
        %add3A_285 = arith.addi %rem3A_277, %select_n3A_276 : i32
        %select_n3A_286 = arith.select %and3A_284, %add3A_285, %rem3A_277 : i32
        %mul3A_287 = arith.constant 16 : i32
        %mul3A_288 = arith.muli %select_n3A_286, %mul3A_287 : i32
        %add3A_289 = vector.broadcast %mul3A_288 : i32 to vector<16xi32>
        %add3A_290 = arith.addi %add3A_289, %iota3A_237 : vector<16xi32>
        %scatter3A = arith.constant 0 : i32
        %scatter3A_291 = arith.constant 0 : i32
        %scatter3A_292 = arith.constant 0 : i32
        %scatter3A_293 = tpu.memref_slice %arg6[%scatter3A, %scatter3A_291, %scatter3A_292] : memref<2x192x128xf32, #tpu.memory_space<vmem>> -> memref<1x192x128xf32, #tpu.memory_space<vmem>>
        %scatter3A_294 = tpu.memref_squeeze %scatter3A_293 : memref<1x192x128xf32, #tpu.memory_space<vmem>> -> memref<192x128xf32, #tpu.memory_space<vmem>>
        tpu.vector_store_idx %scatter3A_294[%broadcast_in_dim3A, %add3A_290], %get3A_247 : memref<192x128xf32, #tpu.memory_space<vmem>>[vector<16xi32>, vector<16xi32>], vector<16xf32>,
        %scan3A_295 = arith.constant 1 : i32
        %scan3A_296 = arith.addi %scan3A_245, %scan3A_295 : i32
        %get3A_297 = arith.index_cast %scan3A_296 : i32 to index
        %get3A_298 = arith.constant 0 : index
        %get3A_299 = tpu.vector_load %arg7[%get3A_297, %get3A_298] {strides = array<i32>} : memref<64x16xf32, #tpu.memory_space<vmem>>, vector<16xf32>,
        %jit3A_300 = arith.constant 8 : i32
        %div3A_301 = arith.divsi %scan3A_296, %jit3A_300 : i32
        %sign3A_302 = arith.constant 0 : i32
        %sign3A_303 = arith.cmpi sgt, %scan3A_296, %sign3A_302 : i32
        %sign3A_304 = arith.extui %sign3A_303 : i1 to i32
        %sign3A_305 = arith.constant 0 : i32
        %sign3A_306 = arith.cmpi slt, %scan3A_296, %sign3A_305 : i32
        %sign3A_307 = arith.extui %sign3A_306 : i1 to i32
        %sign3A_308 = arith.subi %sign3A_304, %sign3A_307 : i32
        %sign3A_309 = arith.constant 0 : i32
        %sign3A_310 = arith.cmpi sgt, %jit3A_300, %sign3A_309 : i32
        %sign3A_311 = arith.extui %sign3A_310 : i1 to i32
        %sign3A_312 = arith.constant 0 : i32
        %sign3A_313 = arith.cmpi slt, %jit3A_300, %sign3A_312 : i32
        %sign3A_314 = arith.extui %sign3A_313 : i1 to i32
        %sign3A_315 = arith.subi %sign3A_311, %sign3A_314 : i32
        %ne3A_316 = arith.cmpi ne, %sign3A_308, %sign3A_315 : i32
        %rem3A_317 = arith.remsi %scan3A_296, %jit3A_300 : i32
        %ne3A_318 = arith.constant 0 : i32
        %ne3A_319 = arith.cmpi ne, %rem3A_317, %ne3A_318 : i32
        %and3A_320 = arith.andi %ne3A_316, %ne3A_319 : i1
        %sub3A_321 = arith.constant 1 : i32
        %sub3A_322 = arith.subi %div3A_301, %sub3A_321 : i32
        %select_n3A_323 = arith.select %and3A_320, %sub3A_322, %div3A_301 : i32
        %broadcast_in_dim3A_324 = vector.broadcast %select_n3A_323 : i32 to vector<16xi32>
        %jit3A_325 = arith.constant 8 : i32
        %eq3A_326 = arith.constant 0 : i32
        %eq3A_327 = arith.cmpi eq, %jit3A_325, %eq3A_326 : i32
        %jit3A_328 = arith.constant 1 : i32
        %select_n3A_329 = arith.select %eq3A_327, %jit3A_328, %jit3A_325 : i32
        %rem3A_330 = arith.remsi %scan3A_296, %select_n3A_329 : i32
        %ne3A_331 = arith.constant 0 : i32
        %ne3A_332 = arith.cmpi ne, %rem3A_330, %ne3A_331 : i32
        %lt3A_333 = arith.constant 0 : i32
        %lt3A_334 = arith.cmpi slt, %rem3A_330, %lt3A_333 : i32
        %lt3A_335 = arith.constant 0 : i32
        %lt3A_336 = arith.cmpi slt, %select_n3A_329, %lt3A_335 : i32
        %ne3A_337 = arith.xori %lt3A_334, %lt3A_336 : i1
        %and3A_338 = arith.andi %ne3A_337, %ne3A_332 : i1
        %add3A_339 = arith.addi %rem3A_330, %select_n3A_329 : i32
        %select_n3A_340 = arith.select %and3A_338, %add3A_339, %rem3A_330 : i32
        %mul3A_341 = arith.constant 16 : i32
        %mul3A_342 = arith.muli %select_n3A_340, %mul3A_341 : i32
        %add3A_343 = vector.broadcast %mul3A_342 : i32 to vector<16xi32>
        %add3A_344 = arith.addi %add3A_343, %iota3A_237 : vector<16xi32>
        %scatter3A_345 = arith.constant 0 : i32
        %scatter3A_346 = arith.constant 0 : i32
        %scatter3A_347 = arith.constant 0 : i32
        %scatter3A_348 = tpu.memref_slice %arg6[%scatter3A_345, %scatter3A_346, %scatter3A_347] : memref<2x192x128xf32, #tpu.memory_space<vmem>> -> memref<1x192x128xf32, #tpu.memory_space<vmem>>
        %scatter3A_349 = tpu.memref_squeeze %scatter3A_348 : memref<1x192x128xf32, #tpu.memory_space<vmem>> -> memref<192x128xf32, #tpu.memory_space<vmem>>
        tpu.vector_store_idx %scatter3A_349[%broadcast_in_dim3A_324, %add3A_344], %get3A_299 : memref<192x128xf32, #tpu.memory_space<vmem>>[vector<16xi32>, vector<16xi32>], vector<16xf32>,
        %scan3A_350 = arith.constant 2 : i32
        %scan3A_351 = arith.addi %scan3A_245, %scan3A_350 : i32
        %get3A_352 = arith.index_cast %scan3A_351 : i32 to index
        %get3A_353 = arith.constant 0 : index
        %get3A_354 = tpu.vector_load %arg7[%get3A_352, %get3A_353] {strides = array<i32>} : memref<64x16xf32, #tpu.memory_space<vmem>>, vector<16xf32>,
        %jit3A_355 = arith.constant 8 : i32
        %div3A_356 = arith.divsi %scan3A_351, %jit3A_355 : i32
        %sign3A_357 = arith.constant 0 : i32
        %sign3A_358 = arith.cmpi sgt, %scan3A_351, %sign3A_357 : i32
        %sign3A_359 = arith.extui %sign3A_358 : i1 to i32
        %sign3A_360 = arith.constant 0 : i32
        %sign3A_361 = arith.cmpi slt, %scan3A_351, %sign3A_360 : i32
        %sign3A_362 = arith.extui %sign3A_361 : i1 to i32
        %sign3A_363 = arith.subi %sign3A_359, %sign3A_362 : i32
        %sign3A_364 = arith.constant 0 : i32
        %sign3A_365 = arith.cmpi sgt, %jit3A_355, %sign3A_364 : i32
        %sign3A_366 = arith.extui %sign3A_365 : i1 to i32
        %sign3A_367 = arith.constant 0 : i32
        %sign3A_368 = arith.cmpi slt, %jit3A_355, %sign3A_367 : i32
        %sign3A_369 = arith.extui %sign3A_368 : i1 to i32
        %sign3A_370 = arith.subi %sign3A_366, %sign3A_369 : i32
        %ne3A_371 = arith.cmpi ne, %sign3A_363, %sign3A_370 : i32
        %rem3A_372 = arith.remsi %scan3A_351, %jit3A_355 : i32
        %ne3A_373 = arith.constant 0 : i32
        %ne3A_374 = arith.cmpi ne, %rem3A_372, %ne3A_373 : i32
        %and3A_375 = arith.andi %ne3A_371, %ne3A_374 : i1
        %sub3A_376 = arith.constant 1 : i32
        %sub3A_377 = arith.subi %div3A_356, %sub3A_376 : i32
        %select_n3A_378 = arith.select %and3A_375, %sub3A_377, %div3A_356 : i32
        %broadcast_in_dim3A_379 = vector.broadcast %select_n3A_378 : i32 to vector<16xi32>
        %jit3A_380 = arith.constant 8 : i32
        %eq3A_381 = arith.constant 0 : i32
        %eq3A_382 = arith.cmpi eq, %jit3A_380, %eq3A_381 : i32
        %jit3A_383 = arith.constant 1 : i32
        %select_n3A_384 = arith.select %eq3A_382, %jit3A_383, %jit3A_380 : i32
        %rem3A_385 = arith.remsi %scan3A_351, %select_n3A_384 : i32
        %ne3A_386 = arith.constant 0 : i32
        %ne3A_387 = arith.cmpi ne, %rem3A_385, %ne3A_386 : i32
        %lt3A_388 = arith.constant 0 : i32
        %lt3A_389 = arith.cmpi slt, %rem3A_385, %lt3A_388 : i32
        %lt3A_390 = arith.constant 0 : i32
        %lt3A_391 = arith.cmpi slt, %select_n3A_384, %lt3A_390 : i32
        %ne3A_392 = arith.xori %lt3A_389, %lt3A_391 : i1
        %and3A_393 = arith.andi %ne3A_392, %ne3A_387 : i1
        %add3A_394 = arith.addi %rem3A_385, %select_n3A_384 : i32
        %select_n3A_395 = arith.select %and3A_393, %add3A_394, %rem3A_385 : i32
        %mul3A_396 = arith.constant 16 : i32
        %mul3A_397 = arith.muli %select_n3A_395, %mul3A_396 : i32
        %add3A_398 = vector.broadcast %mul3A_397 : i32 to vector<16xi32>
        %add3A_399 = arith.addi %add3A_398, %iota3A_237 : vector<16xi32>
        %scatter3A_400 = arith.constant 0 : i32
        %scatter3A_401 = arith.constant 0 : i32
        %scatter3A_402 = arith.constant 0 : i32
        %scatter3A_403 = tpu.memref_slice %arg6[%scatter3A_400, %scatter3A_401, %scatter3A_402] : memref<2x192x128xf32, #tpu.memory_space<vmem>> -> memref<1x192x128xf32, #tpu.memory_space<vmem>>
        %scatter3A_404 = tpu.memref_squeeze %scatter3A_403 : memref<1x192x128xf32, #tpu.memory_space<vmem>> -> memref<192x128xf32, #tpu.memory_space<vmem>>
        tpu.vector_store_idx %scatter3A_404[%broadcast_in_dim3A_379, %add3A_399], %get3A_354 : memref<192x128xf32, #tpu.memory_space<vmem>>[vector<16xi32>, vector<16xi32>], vector<16xf32>,
        %scan3A_405 = arith.constant 3 : i32
        %scan3A_406 = arith.addi %scan3A_245, %scan3A_405 : i32
        %get3A_407 = arith.index_cast %scan3A_406 : i32 to index
        %get3A_408 = arith.constant 0 : index
        %get3A_409 = tpu.vector_load %arg7[%get3A_407, %get3A_408] {strides = array<i32>} : memref<64x16xf32, #tpu.memory_space<vmem>>, vector<16xf32>,
        %jit3A_410 = arith.constant 8 : i32
        %div3A_411 = arith.divsi %scan3A_406, %jit3A_410 : i32
        %sign3A_412 = arith.constant 0 : i32
        %sign3A_413 = arith.cmpi sgt, %scan3A_406, %sign3A_412 : i32
        %sign3A_414 = arith.extui %sign3A_413 : i1 to i32
        %sign3A_415 = arith.constant 0 : i32
        %sign3A_416 = arith.cmpi slt, %scan3A_406, %sign3A_415 : i32
        %sign3A_417 = arith.extui %sign3A_416 : i1 to i32
        %sign3A_418 = arith.subi %sign3A_414, %sign3A_417 : i32
        %sign3A_419 = arith.constant 0 : i32
        %sign3A_420 = arith.cmpi sgt, %jit3A_410, %sign3A_419 : i32
        %sign3A_421 = arith.extui %sign3A_420 : i1 to i32
        %sign3A_422 = arith.constant 0 : i32
        %sign3A_423 = arith.cmpi slt, %jit3A_410, %sign3A_422 : i32
        %sign3A_424 = arith.extui %sign3A_423 : i1 to i32
        %sign3A_425 = arith.subi %sign3A_421, %sign3A_424 : i32
        %ne3A_426 = arith.cmpi ne, %sign3A_418, %sign3A_425 : i32
        %rem3A_427 = arith.remsi %scan3A_406, %jit3A_410 : i32
        %ne3A_428 = arith.constant 0 : i32
        %ne3A_429 = arith.cmpi ne, %rem3A_427, %ne3A_428 : i32
        %and3A_430 = arith.andi %ne3A_426, %ne3A_429 : i1
        %sub3A_431 = arith.constant 1 : i32
        %sub3A_432 = arith.subi %div3A_411, %sub3A_431 : i32
        %select_n3A_433 = arith.select %and3A_430, %sub3A_432, %div3A_411 : i32
        %broadcast_in_dim3A_434 = vector.broadcast %select_n3A_433 : i32 to vector<16xi32>
        %jit3A_435 = arith.constant 8 : i32
        %eq3A_436 = arith.constant 0 : i32
        %eq3A_437 = arith.cmpi eq, %jit3A_435, %eq3A_436 : i32
        %jit3A_438 = arith.constant 1 : i32
        %select_n3A_439 = arith.select %eq3A_437, %jit3A_438, %jit3A_435 : i32
        %rem3A_440 = arith.remsi %scan3A_406, %select_n3A_439 : i32
        %ne3A_441 = arith.constant 0 : i32
        %ne3A_442 = arith.cmpi ne, %rem3A_440, %ne3A_441 : i32
        %lt3A_443 = arith.constant 0 : i32
        %lt3A_444 = arith.cmpi slt, %rem3A_440, %lt3A_443 : i32
        %lt3A_445 = arith.constant 0 : i32
        %lt3A_446 = arith.cmpi slt, %select_n3A_439, %lt3A_445 : i32
        %ne3A_447 = arith.xori %lt3A_444, %lt3A_446 : i1
        %and3A_448 = arith.andi %ne3A_447, %ne3A_442 : i1
        %add3A_449 = arith.addi %rem3A_440, %select_n3A_439 : i32
        %select_n3A_450 = arith.select %and3A_448, %add3A_449, %rem3A_440 : i32
        %mul3A_451 = arith.constant 16 : i32
        %mul3A_452 = arith.muli %select_n3A_450, %mul3A_451 : i32
        %add3A_453 = vector.broadcast %mul3A_452 : i32 to vector<16xi32>
        %add3A_454 = arith.addi %add3A_453, %iota3A_237 : vector<16xi32>
        %scatter3A_455 = arith.constant 0 : i32
        %scatter3A_456 = arith.constant 0 : i32
        %scatter3A_457 = arith.constant 0 : i32
        %scatter3A_458 = tpu.memref_slice %arg6[%scatter3A_455, %scatter3A_456, %scatter3A_457] : memref<2x192x128xf32, #tpu.memory_space<vmem>> -> memref<1x192x128xf32, #tpu.memory_space<vmem>>
        %scatter3A_459 = tpu.memref_squeeze %scatter3A_458 : memref<1x192x128xf32, #tpu.memory_space<vmem>> -> memref<192x128xf32, #tpu.memory_space<vmem>>
        tpu.vector_store_idx %scatter3A_459[%broadcast_in_dim3A_434, %add3A_454], %get3A_409 : memref<192x128xf32, #tpu.memory_space<vmem>>[vector<16xi32>, vector<16xi32>], vector<16xf32>,
        %scan3A_460 = arith.constant 4 : i32
        %scan3A_461 = arith.addi %scan3A_245, %scan3A_460 : i32
        %get3A_462 = arith.index_cast %scan3A_461 : i32 to index
        %get3A_463 = arith.constant 0 : index
        %get3A_464 = tpu.vector_load %arg7[%get3A_462, %get3A_463] {strides = array<i32>} : memref<64x16xf32, #tpu.memory_space<vmem>>, vector<16xf32>,
        %jit3A_465 = arith.constant 8 : i32
        %div3A_466 = arith.divsi %scan3A_461, %jit3A_465 : i32
        %sign3A_467 = arith.constant 0 : i32
        %sign3A_468 = arith.cmpi sgt, %scan3A_461, %sign3A_467 : i32
        %sign3A_469 = arith.extui %sign3A_468 : i1 to i32
        %sign3A_470 = arith.constant 0 : i32
        %sign3A_471 = arith.cmpi slt, %scan3A_461, %sign3A_470 : i32
        %sign3A_472 = arith.extui %sign3A_471 : i1 to i32
        %sign3A_473 = arith.subi %sign3A_469, %sign3A_472 : i32
        %sign3A_474 = arith.constant 0 : i32
        %sign3A_475 = arith.cmpi sgt, %jit3A_465, %sign3A_474 : i32
        %sign3A_476 = arith.extui %sign3A_475 : i1 to i32
        %sign3A_477 = arith.constant 0 : i32
        %sign3A_478 = arith.cmpi slt, %jit3A_465, %sign3A_477 : i32
        %sign3A_479 = arith.extui %sign3A_478 : i1 to i32
        %sign3A_480 = arith.subi %sign3A_476, %sign3A_479 : i32
        %ne3A_481 = arith.cmpi ne, %sign3A_473, %sign3A_480 : i32
        %rem3A_482 = arith.remsi %scan3A_461, %jit3A_465 : i32
        %ne3A_483 = arith.constant 0 : i32
        %ne3A_484 = arith.cmpi ne, %rem3A_482, %ne3A_483 : i32
        %and3A_485 = arith.andi %ne3A_481, %ne3A_484 : i1
        %sub3A_486 = arith.constant 1 : i32
        %sub3A_487 = arith.subi %div3A_466, %sub3A_486 : i32
        %select_n3A_488 = arith.select %and3A_485, %sub3A_487, %div3A_466 : i32
        %broadcast_in_dim3A_489 = vector.broadcast %select_n3A_488 : i32 to vector<16xi32>
        %jit3A_490 = arith.constant 8 : i32
        %eq3A_491 = arith.constant 0 : i32
        %eq3A_492 = arith.cmpi eq, %jit3A_490, %eq3A_491 : i32
        %jit3A_493 = arith.constant 1 : i32
        %select_n3A_494 = arith.select %eq3A_492, %jit3A_493, %jit3A_490 : i32
        %rem3A_495 = arith.remsi %scan3A_461, %select_n3A_494 : i32
        %ne3A_496 = arith.constant 0 : i32
        %ne3A_497 = arith.cmpi ne, %rem3A_495, %ne3A_496 : i32
        %lt3A_498 = arith.constant 0 : i32
        %lt3A_499 = arith.cmpi slt, %rem3A_495, %lt3A_498 : i32
        %lt3A_500 = arith.constant 0 : i32
        %lt3A_501 = arith.cmpi slt, %select_n3A_494, %lt3A_500 : i32
        %ne3A_502 = arith.xori %lt3A_499, %lt3A_501 : i1
        %and3A_503 = arith.andi %ne3A_502, %ne3A_497 : i1
        %add3A_504 = arith.addi %rem3A_495, %select_n3A_494 : i32
        %select_n3A_505 = arith.select %and3A_503, %add3A_504, %rem3A_495 : i32
        %mul3A_506 = arith.constant 16 : i32
        %mul3A_507 = arith.muli %select_n3A_505, %mul3A_506 : i32
        %add3A_508 = vector.broadcast %mul3A_507 : i32 to vector<16xi32>
        %add3A_509 = arith.addi %add3A_508, %iota3A_237 : vector<16xi32>
        %scatter3A_510 = arith.constant 0 : i32
        %scatter3A_511 = arith.constant 0 : i32
        %scatter3A_512 = arith.constant 0 : i32
        %scatter3A_513 = tpu.memref_slice %arg6[%scatter3A_510, %scatter3A_511, %scatter3A_512] : memref<2x192x128xf32, #tpu.memory_space<vmem>> -> memref<1x192x128xf32, #tpu.memory_space<vmem>>
        %scatter3A_514 = tpu.memref_squeeze %scatter3A_513 : memref<1x192x128xf32, #tpu.memory_space<vmem>> -> memref<192x128xf32, #tpu.memory_space<vmem>>
        tpu.vector_store_idx %scatter3A_514[%broadcast_in_dim3A_489, %add3A_509], %get3A_464 : memref<192x128xf32, #tpu.memory_space<vmem>>[vector<16xi32>, vector<16xi32>], vector<16xf32>,
        %scan3A_515 = arith.constant 5 : i32
        %scan3A_516 = arith.addi %scan3A_245, %scan3A_515 : i32
        %get3A_517 = arith.index_cast %scan3A_516 : i32 to index
        %get3A_518 = arith.constant 0 : index
        %get3A_519 = tpu.vector_load %arg7[%get3A_517, %get3A_518] {strides = array<i32>} : memref<64x16xf32, #tpu.memory_space<vmem>>, vector<16xf32>,
        %jit3A_520 = arith.constant 8 : i32
        %div3A_521 = arith.divsi %scan3A_516, %jit3A_520 : i32
        %sign3A_522 = arith.constant 0 : i32
        %sign3A_523 = arith.cmpi sgt, %scan3A_516, %sign3A_522 : i32
        %sign3A_524 = arith.extui %sign3A_523 : i1 to i32
        %sign3A_525 = arith.constant 0 : i32
        %sign3A_526 = arith.cmpi slt, %scan3A_516, %sign3A_525 : i32
        %sign3A_527 = arith.extui %sign3A_526 : i1 to i32
        %sign3A_528 = arith.subi %sign3A_524, %sign3A_527 : i32
        %sign3A_529 = arith.constant 0 : i32
        %sign3A_530 = arith.cmpi sgt, %jit3A_520, %sign3A_529 : i32
        %sign3A_531 = arith.extui %sign3A_530 : i1 to i32
        %sign3A_532 = arith.constant 0 : i32
        %sign3A_533 = arith.cmpi slt, %jit3A_520, %sign3A_532 : i32
        %sign3A_534 = arith.extui %sign3A_533 : i1 to i32
        %sign3A_535 = arith.subi %sign3A_531, %sign3A_534 : i32
        %ne3A_536 = arith.cmpi ne, %sign3A_528, %sign3A_535 : i32
        %rem3A_537 = arith.remsi %scan3A_516, %jit3A_520 : i32
        %ne3A_538 = arith.constant 0 : i32
        %ne3A_539 = arith.cmpi ne, %rem3A_537, %ne3A_538 : i32
        %and3A_540 = arith.andi %ne3A_536, %ne3A_539 : i1
        %sub3A_541 = arith.constant 1 : i32
        %sub3A_542 = arith.subi %div3A_521, %sub3A_541 : i32
        %select_n3A_543 = arith.select %and3A_540, %sub3A_542, %div3A_521 : i32
        %broadcast_in_dim3A_544 = vector.broadcast %select_n3A_543 : i32 to vector<16xi32>
        %jit3A_545 = arith.constant 8 : i32
        %eq3A_546 = arith.constant 0 : i32
        %eq3A_547 = arith.cmpi eq, %jit3A_545, %eq3A_546 : i32
        %jit3A_548 = arith.constant 1 : i32
        %select_n3A_549 = arith.select %eq3A_547, %jit3A_548, %jit3A_545 : i32
        %rem3A_550 = arith.remsi %scan3A_516, %select_n3A_549 : i32
        %ne3A_551 = arith.constant 0 : i32
        %ne3A_552 = arith.cmpi ne, %rem3A_550, %ne3A_551 : i32
        %lt3A_553 = arith.constant 0 : i32
        %lt3A_554 = arith.cmpi slt, %rem3A_550, %lt3A_553 : i32
        %lt3A_555 = arith.constant 0 : i32
        %lt3A_556 = arith.cmpi slt, %select_n3A_549, %lt3A_555 : i32
        %ne3A_557 = arith.xori %lt3A_554, %lt3A_556 : i1
        %and3A_558 = arith.andi %ne3A_557, %ne3A_552 : i1
        %add3A_559 = arith.addi %rem3A_550, %select_n3A_549 : i32
        %select_n3A_560 = arith.select %and3A_558, %add3A_559, %rem3A_550 : i32
        %mul3A_561 = arith.constant 16 : i32
        %mul3A_562 = arith.muli %select_n3A_560, %mul3A_561 : i32
        %add3A_563 = vector.broadcast %mul3A_562 : i32 to vector<16xi32>
        %add3A_564 = arith.addi %add3A_563, %iota3A_237 : vector<16xi32>
        %scatter3A_565 = arith.constant 0 : i32
        %scatter3A_566 = arith.constant 0 : i32
        %scatter3A_567 = arith.constant 0 : i32
        %scatter3A_568 = tpu.memref_slice %arg6[%scatter3A_565, %scatter3A_566, %scatter3A_567] : memref<2x192x128xf32, #tpu.memory_space<vmem>> -> memref<1x192x128xf32, #tpu.memory_space<vmem>>
        %scatter3A_569 = tpu.memref_squeeze %scatter3A_568 : memref<1x192x128xf32, #tpu.memory_space<vmem>> -> memref<192x128xf32, #tpu.memory_space<vmem>>
        tpu.vector_store_idx %scatter3A_569[%broadcast_in_dim3A_544, %add3A_564], %get3A_519 : memref<192x128xf32, #tpu.memory_space<vmem>>[vector<16xi32>, vector<16xi32>], vector<16xf32>,
        %scan3A_570 = arith.constant 6 : i32
        %scan3A_571 = arith.addi %scan3A_245, %scan3A_570 : i32
        %get3A_572 = arith.index_cast %scan3A_571 : i32 to index
        %get3A_573 = arith.constant 0 : index
        %get3A_574 = tpu.vector_load %arg7[%get3A_572, %get3A_573] {strides = array<i32>} : memref<64x16xf32, #tpu.memory_space<vmem>>, vector<16xf32>,
        %jit3A_575 = arith.constant 8 : i32
        %div3A_576 = arith.divsi %scan3A_571, %jit3A_575 : i32
        %sign3A_577 = arith.constant 0 : i32
        %sign3A_578 = arith.cmpi sgt, %scan3A_571, %sign3A_577 : i32
        %sign3A_579 = arith.extui %sign3A_578 : i1 to i32
        %sign3A_580 = arith.constant 0 : i32
        %sign3A_581 = arith.cmpi slt, %scan3A_571, %sign3A_580 : i32
        %sign3A_582 = arith.extui %sign3A_581 : i1 to i32
        %sign3A_583 = arith.subi %sign3A_579, %sign3A_582 : i32
        %sign3A_584 = arith.constant 0 : i32
        %sign3A_585 = arith.cmpi sgt, %jit3A_575, %sign3A_584 : i32
        %sign3A_586 = arith.extui %sign3A_585 : i1 to i32
        %sign3A_587 = arith.constant 0 : i32
        %sign3A_588 = arith.cmpi slt, %jit3A_575, %sign3A_587 : i32
        %sign3A_589 = arith.extui %sign3A_588 : i1 to i32
        %sign3A_590 = arith.subi %sign3A_586, %sign3A_589 : i32
        %ne3A_591 = arith.cmpi ne, %sign3A_583, %sign3A_590 : i32
        %rem3A_592 = arith.remsi %scan3A_571, %jit3A_575 : i32
        %ne3A_593 = arith.constant 0 : i32
        %ne3A_594 = arith.cmpi ne, %rem3A_592, %ne3A_593 : i32
        %and3A_595 = arith.andi %ne3A_591, %ne3A_594 : i1
        %sub3A_596 = arith.constant 1 : i32
        %sub3A_597 = arith.subi %div3A_576, %sub3A_596 : i32
        %select_n3A_598 = arith.select %and3A_595, %sub3A_597, %div3A_576 : i32
        %broadcast_in_dim3A_599 = vector.broadcast %select_n3A_598 : i32 to vector<16xi32>
        %jit3A_600 = arith.constant 8 : i32
        %eq3A_601 = arith.constant 0 : i32
        %eq3A_602 = arith.cmpi eq, %jit3A_600, %eq3A_601 : i32
        %jit3A_603 = arith.constant 1 : i32
        %select_n3A_604 = arith.select %eq3A_602, %jit3A_603, %jit3A_600 : i32
        %rem3A_605 = arith.remsi %scan3A_571, %select_n3A_604 : i32
        %ne3A_606 = arith.constant 0 : i32
        %ne3A_607 = arith.cmpi ne, %rem3A_605, %ne3A_606 : i32
        %lt3A_608 = arith.constant 0 : i32
        %lt3A_609 = arith.cmpi slt, %rem3A_605, %lt3A_608 : i32
        %lt3A_610 = arith.constant 0 : i32
        %lt3A_611 = arith.cmpi slt, %select_n3A_604, %lt3A_610 : i32
        %ne3A_612 = arith.xori %lt3A_609, %lt3A_611 : i1
        %and3A_613 = arith.andi %ne3A_612, %ne3A_607 : i1
        %add3A_614 = arith.addi %rem3A_605, %select_n3A_604 : i32
        %select_n3A_615 = arith.select %and3A_613, %add3A_614, %rem3A_605 : i32
        %mul3A_616 = arith.constant 16 : i32
        %mul3A_617 = arith.muli %select_n3A_615, %mul3A_616 : i32
        %add3A_618 = vector.broadcast %mul3A_617 : i32 to vector<16xi32>
        %add3A_619 = arith.addi %add3A_618, %iota3A_237 : vector<16xi32>
        %scatter3A_620 = arith.constant 0 : i32
        %scatter3A_621 = arith.constant 0 : i32
        %scatter3A_622 = arith.constant 0 : i32
        %scatter3A_623 = tpu.memref_slice %arg6[%scatter3A_620, %scatter3A_621, %scatter3A_622] : memref<2x192x128xf32, #tpu.memory_space<vmem>> -> memref<1x192x128xf32, #tpu.memory_space<vmem>>
        %scatter3A_624 = tpu.memref_squeeze %scatter3A_623 : memref<1x192x128xf32, #tpu.memory_space<vmem>> -> memref<192x128xf32, #tpu.memory_space<vmem>>
        tpu.vector_store_idx %scatter3A_624[%broadcast_in_dim3A_599, %add3A_619], %get3A_574 : memref<192x128xf32, #tpu.memory_space<vmem>>[vector<16xi32>, vector<16xi32>], vector<16xf32>,
        %scan3A_625 = arith.constant 7 : i32
        %scan3A_626 = arith.addi %scan3A_245, %scan3A_625 : i32
        %get3A_627 = arith.index_cast %scan3A_626 : i32 to index
        %get3A_628 = arith.constant 0 : index
        %get3A_629 = tpu.vector_load %arg7[%get3A_627, %get3A_628] {strides = array<i32>} : memref<64x16xf32, #tpu.memory_space<vmem>>, vector<16xf32>,
        %jit3A_630 = arith.constant 8 : i32
        %div3A_631 = arith.divsi %scan3A_626, %jit3A_630 : i32
        %sign3A_632 = arith.constant 0 : i32
        %sign3A_633 = arith.cmpi sgt, %scan3A_626, %sign3A_632 : i32
        %sign3A_634 = arith.extui %sign3A_633 : i1 to i32
        %sign3A_635 = arith.constant 0 : i32
        %sign3A_636 = arith.cmpi slt, %scan3A_626, %sign3A_635 : i32
        %sign3A_637 = arith.extui %sign3A_636 : i1 to i32
        %sign3A_638 = arith.subi %sign3A_634, %sign3A_637 : i32
        %sign3A_639 = arith.constant 0 : i32
        %sign3A_640 = arith.cmpi sgt, %jit3A_630, %sign3A_639 : i32
        %sign3A_641 = arith.extui %sign3A_640 : i1 to i32
        %sign3A_642 = arith.constant 0 : i32
        %sign3A_643 = arith.cmpi slt, %jit3A_630, %sign3A_642 : i32
        %sign3A_644 = arith.extui %sign3A_643 : i1 to i32
        %sign3A_645 = arith.subi %sign3A_641, %sign3A_644 : i32
        %ne3A_646 = arith.cmpi ne, %sign3A_638, %sign3A_645 : i32
        %rem3A_647 = arith.remsi %scan3A_626, %jit3A_630 : i32
        %ne3A_648 = arith.constant 0 : i32
        %ne3A_649 = arith.cmpi ne, %rem3A_647, %ne3A_648 : i32
        %and3A_650 = arith.andi %ne3A_646, %ne3A_649 : i1
        %sub3A_651 = arith.constant 1 : i32
        %sub3A_652 = arith.subi %div3A_631, %sub3A_651 : i32
        %select_n3A_653 = arith.select %and3A_650, %sub3A_652, %div3A_631 : i32
        %broadcast_in_dim3A_654 = vector.broadcast %select_n3A_653 : i32 to vector<16xi32>
        %jit3A_655 = arith.constant 8 : i32
        %eq3A_656 = arith.constant 0 : i32
        %eq3A_657 = arith.cmpi eq, %jit3A_655, %eq3A_656 : i32
        %jit3A_658 = arith.constant 1 : i32
        %select_n3A_659 = arith.select %eq3A_657, %jit3A_658, %jit3A_655 : i32
        %rem3A_660 = arith.remsi %scan3A_626, %select_n3A_659 : i32
        %ne3A_661 = arith.constant 0 : i32
        %ne3A_662 = arith.cmpi ne, %rem3A_660, %ne3A_661 : i32
        %lt3A_663 = arith.constant 0 : i32
        %lt3A_664 = arith.cmpi slt, %rem3A_660, %lt3A_663 : i32
        %lt3A_665 = arith.constant 0 : i32
        %lt3A_666 = arith.cmpi slt, %select_n3A_659, %lt3A_665 : i32
        %ne3A_667 = arith.xori %lt3A_664, %lt3A_666 : i1
        %and3A_668 = arith.andi %ne3A_667, %ne3A_662 : i1
        %add3A_669 = arith.addi %rem3A_660, %select_n3A_659 : i32
        %select_n3A_670 = arith.select %and3A_668, %add3A_669, %rem3A_660 : i32
        %mul3A_671 = arith.constant 16 : i32
        %mul3A_672 = arith.muli %select_n3A_670, %mul3A_671 : i32
        %add3A_673 = vector.broadcast %mul3A_672 : i32 to vector<16xi32>
        %add3A_674 = arith.addi %add3A_673, %iota3A_237 : vector<16xi32>
        %scatter3A_675 = arith.constant 0 : i32
        %scatter3A_676 = arith.constant 0 : i32
        %scatter3A_677 = arith.constant 0 : i32
        %scatter3A_678 = tpu.memref_slice %arg6[%scatter3A_675, %scatter3A_676, %scatter3A_677] : memref<2x192x128xf32, #tpu.memory_space<vmem>> -> memref<1x192x128xf32, #tpu.memory_space<vmem>>
        %scatter3A_679 = tpu.memref_squeeze %scatter3A_678 : memref<1x192x128xf32, #tpu.memory_space<vmem>> -> memref<192x128xf32, #tpu.memory_space<vmem>>
        tpu.vector_store_idx %scatter3A_679[%broadcast_in_dim3A_654, %add3A_674], %get3A_629 : memref<192x128xf32, #tpu.memory_space<vmem>>[vector<16xi32>, vector<16xi32>], vector<16xf32>,
      }
      %scan3A_243 = arith.constant 64 : i32
      %run_scoped3A_244 = arith.constant 0 : i32
      "tpu.region"() ({
        %run_scoped3A_245 = tpu.sem_alloc : memref<!tpu.dma_semaphore, #tpu.memory_space<semaphore_mem>>
        %dma_start3A_246 = arith.constant 0 : i32
        %dma_start3A_247 = arith.constant 0 : i32
        %dma_start3A_248 = tpu.memref_slice %arg6[%run_scoped3A_244, %dma_start3A_246, %dma_start3A_247] : memref<2x192x128xf32, #tpu.memory_space<vmem>> -> memref<1x8x128xf32, #tpu.memory_space<vmem>>
        %dma_start3A_249 = tpu.memref_squeeze %dma_start3A_248 : memref<1x8x128xf32, #tpu.memory_space<vmem>> -> memref<8x128xf32, #tpu.memory_space<vmem>>
        %dma_start3A_250 = arith.constant 124992 : i32
        %dma_start3A_251 = arith.constant 0 : i32
        %dma_start3A_252 = tpu.memref_slice %arg4[%dma_start3A_250, %dma_start3A_251] : memref<125000x128xf32, #tpu.memory_space<hbm>> -> memref<8x128xf32, #tpu.memory_space<hbm>>
        %dma_start3A_253 = arith.constant 124992 : i32
        %dma_start3A_254 = arith.constant 0 : i32
        %dma_start3A_255 = tpu.memref_slice %arg4[%dma_start3A_253, %dma_start3A_254] : memref<125000x128xf32, #tpu.memory_space<hbm>> -> memref<8x128xf32, #tpu.memory_space<hbm>>
        %dma_start3A_256 = arith.constant 0 : i32
        %dma_start3A_257 = arith.constant 0 : i32
        %dma_start3A_258 = tpu.memref_slice %arg6[%run_scoped3A_244, %dma_start3A_256, %dma_start3A_257] : memref<2x192x128xf32, #tpu.memory_space<vmem>> -> memref<1x8x128xf32, #tpu.memory_space<vmem>>
        %dma_start3A_259 = tpu.memref_squeeze %dma_start3A_258 : memref<1x8x128xf32, #tpu.memory_space<vmem>> -> memref<8x128xf32, #tpu.memory_space<vmem>>
        tpu.enqueue_dma source(%dma_start3A_259 : memref<8x128xf32, #tpu.memory_space<vmem>>) target(%dma_start3A_255 : memref<8x128xf32, #tpu.memory_space<hbm>>) target_semaphore(%run_scoped3A_245 : memref<!tpu.dma_semaphore, #tpu.memory_space<semaphore_mem>>)
        %dma_wait3A_260 = arith.constant 0 : i32
        %dma_wait3A_261 = arith.constant 0 : i32
        %dma_wait3A_262 = tpu.memref_slice %arg6[%run_scoped3A_244, %dma_wait3A_260, %dma_wait3A_261] : memref<2x192x128xf32, #tpu.memory_space<vmem>> -> memref<1x8x128xf32, #tpu.memory_space<vmem>>
        %dma_wait3A_263 = tpu.memref_squeeze %dma_wait3A_262 : memref<1x8x128xf32, #tpu.memory_space<vmem>> -> memref<8x128xf32, #tpu.memory_space<vmem>>
        %dma_wait3A_264 = arith.constant 124992 : i32
        %dma_wait3A_265 = arith.constant 0 : i32
        %dma_wait3A_266 = tpu.memref_slice %arg4[%dma_wait3A_264, %dma_wait3A_265] : memref<125000x128xf32, #tpu.memory_space<hbm>> -> memref<8x128xf32, #tpu.memory_space<hbm>>
        %dma_wait3A_267 = arith.constant 124992 : i32
        %dma_wait3A_268 = arith.constant 0 : i32
        %dma_wait3A_269 = tpu.memref_slice %arg4[%dma_wait3A_267, %dma_wait3A_268] : memref<125000x128xf32, #tpu.memory_space<hbm>> -> memref<8x128xf32, #tpu.memory_space<hbm>>
        %dma_wait3A_270 = arith.constant 0 : i32
        %dma_wait3A_271 = arith.constant 0 : i32
        %dma_wait3A_272 = tpu.memref_slice %arg6[%run_scoped3A_244, %dma_wait3A_270, %dma_wait3A_271] : memref<2x192x128xf32, #tpu.memory_space<vmem>> -> memref<1x8x128xf32, #tpu.memory_space<vmem>>
        %dma_wait3A_273 = tpu.memref_squeeze %dma_wait3A_272 : memref<1x8x128xf32, #tpu.memory_space<vmem>> -> memref<8x128xf32, #tpu.memory_space<vmem>>
        tpu.wait_dma2 semaphore(%run_scoped3A_245 : memref<!tpu.dma_semaphore, #tpu.memory_space<semaphore_mem>>) src(%dma_wait3A_273 : memref<8x128xf32, #tpu.memory_space<vmem>>) dst(%dma_wait3A_269 : memref<8x128xf32, #tpu.memory_space<hbm>>)
        tpu.yield
      }) : () -> ()
    } else {
    }
    return
  }
}

</mosaic_0001>

<sc_bundles>
// kernel: _embed.4.cloned.1.call-start
scs
__scs_entry_jumppad:
0x0: {  	(pc) =	sbr.rel $0x88, $3  }
0x1: {  	(tag) =	ssettag $0x0;
	lr =	simm.s32 $0x1  }
0x2: {  	[smem:$0x3F9E] =	sst lr;
	_ =	strace $0xD0000000  }
0x3: {  	_ = 	snop  }
0x4: {  	_ = 	snop  }
0x5: {  	_ = 	snop  }
0x6: {  	_ = 	snop  }
0x7: {  	_ = 	snop  }
__scs_overlays_trampoline_lowered:
0x8: {  	[smem:$0x3FAD] =	sst s0  }
0x9: {  	[smem:$0x3FAE] =	sst s1  }
0xa: {  	[smem:$0x3FAF] =	sst s2  }
0xb: {  	[smem:$0x3FB0] =	sst s3  }
0xc: {  	[smem:$0x3FB1] =	sst s4  }
0xd: {  	[smem:$0x3FB2] =	sst s5  }
0xe: {  	[smem:$0x3FB3] =	sst s6  }
0xf: {  	[smem:$0x3FB4] =	sst s7  }
0x10: {  	[smem:$0x3FB5] =	sst s8  }
0x11: {  	[smem:$0x3FB6] =	sst s9;
	s0 =	simm.s32 @!p0 $0x0  }
0x12: {  	s1 =	sld [smem:$0x3F9C];
	s0 =	simm.s32 @p0 $0x1  }
0x13: {  	[smem:$0x3FB7] =	sst s0;
	s0 =	simm.s32 @!p1 $0x0  }
0x14: {  	s2 =	sld [smem:$0x3F9B];
	s0 =	simm.s32 @p1 $0x1  }
0x15: {  	[smem:$0x3FB8] =	sst s0;
	s0 =	simm.s32 @!p2 $0x0  }
0x16: {  	s3 =	sld [smem:$0x3FDB];
	s0 =	simm.s32 @p2 $0x1  }
0x17: {  	s4 =	simm.s32 $0x1BF5;
	[smem:$0x3FBA] =	sst s0  }
0x18: {  	s0 =	sld [smem:$0x3F9D];
	_ =	swait.ge [sflag:s4], $0x0  }
0x19: {  	s7 =	sld [smem:$0x3F9E]  }
0x1a: {  	s8 =	sadd.s32 $0xFFFFE003, lr  }
0x1b: {  	s9 =	sadd.s32 $0xFFFFFEF7, lr;
	s5 =	simm.s32 $0xFFFFFFFF;
	p2 =	slt.u32 s8, $0xFFFFF086  }
0x1c: {  	p1 =	slt.u32 s9, $0xF7A;
	s5 =	simm.s32 @!p2 $0x0  }
0x1d: {  	s5 =	simm.s32 @p1 $0x1;
	p0 =	seq.s32 s7, s2  }
0x1e: {  	s7 =	smul.u32 @!p0 $0xF7A, s2;
	p2 =	seq.s32 @!p0 s5, $0x0  }
0x1f: {  	s9 =	smul.u32 $0xF7A, s1;
	s8 =	simm.s32 @!p0 $0x1BF5;
	p2 =	por !p2, p0  }
0x20: {  	[sflag:s8] =	ssyncset.s32 @!p0 $0xFFFFF086;
	s6 =	sadd.s32 @!p0 s3, s7;
	s7 =	simm.s32 @!p0 $0x108  }
0x21: {  	s3 =	sadd.s32 s3, s9;
	s6 =	sadd.s32 @!p0 $0x88, s6;
	s7 =	simm.s32 @p2 $0x1082  }
0x22: {  	[simem:s7], [sflag:s8] =	dma.local @!p0 [hbm:s6], $0xF7A  }
0x23: {  	s9 =	sor.u32 $0xD0000000, s2;
	s6 =	simm.s32 $0x108;
	_ =	swait.ge @!p0 [sflag:s8], $0x0  }
0x24: {  	s3 =	sadd.s32 $0x88, s3;
	s6 =	simm.s32 @!p1 $0x1082;
	[sflag:s4] =	ssyncset.s32 $0xFFFFF086  }
0x25: {  	[simem:s6], [sflag:s4] =	dma.local [hbm:s3], $0xF7A  }
0x26: {  	[smem:$0x3F9E] =	sst s1;
	(tag) =	ssettag s2;
	_ =	strace s9  }
0x27: {  	s1 =	sld [smem:$0x3FAE]  }
0x28: {  	s2 =	sld [smem:$0x3FAF]  }
0x29: {  	s4 =	sld [smem:$0x3FB1]  }
0x2a: {  	p0 =	seq.s32 s5, $0x0;
	s5 =	sld [smem:$0x3FB2]  }
0x2b: {  	s6 =	sld [smem:$0x3FB3]  }
0x2c: {  	s7 =	sld [smem:$0x3FB4]  }
0x2d: {  	s3 =	simm.s32 $0x108;
	s8 =	sld [smem:$0x3FB5]  }
0x2e: {  	s3 =	simm.s32 @!p0 $0x1082;
	s9 =	sld [smem:$0x3FB6]  }
0x2f: {  	lr =	sadd.s32 s0, s3;
	s0 =	sld [smem:$0x3FAD]  }
0x30: {  	s3 =	sld [smem:$0x3FB0]  }
0x31: {  	[smem:$0x3FB9] =	sst s10  }
0x32: {  	s10 =	sld [smem:$0x3FB7];
	_ =	sdelay $0x3  }
0x33: {  	p0 =	seq.s32 s10, $0x1;
	s10 =	sld [smem:$0x3FB9];
	_ =	sdelay $0x3  }
0x34: {  	[smem:$0x3FB9] =	sst s10  }
0x35: {  	s10 =	sld [smem:$0x3FB8];
	_ =	sdelay $0x3  }
0x36: {  	p1 =	seq.s32 s10, $0x1;
	s10 =	sld [smem:$0x3FB9];
	_ =	sdelay $0x3  }
0x37: {  	[smem:$0x3FB9] =	sst s10  }
0x38: {  	s10 =	sld [smem:$0x3FBA]  }
0x39: {  	_ = 	snop;
	(pc) =	sbr.ind lr, $3  }
0x3a: {  	_ = 	snop  }
0x3b: {  	_ = 	snop  }
0x3c: {  	p2 =	seq.s32 s10, $0x1;
	s10 =	sld [smem:$0x3FB9]  }
0x3d: {  	_ =	shalt  }
0x3e: {  	_ =	shalt  }
0x3f: {  	_ =	shalt  }
0x40: {  	_ =	shalt  }
0x41: {  	_ =	shalt  }
0x42: {  	_ =	shalt  }
0x43: {  	_ =	shalt  }
0x44: {  	_ =	shalt  }
0x45: {  	_ =	shalt  }
0x46: {  	_ =	shalt  }
0x47: {  	_ =	shalt  }
0x48: {  	_ =	shalt  }
0x49: {  	_ =	shalt  }
0x4a: {  	_ =	shalt  }
0x4b: {  	_ =	shalt  }
0x4c: {  	_ =	shalt  }
0x4d: {  	_ =	shalt  }
0x4e: {  	_ =	shalt  }
0x4f: {  	_ =	shalt  }
0x50: {  	_ =	shalt  }
0x51: {  	_ =	shalt  }
0x52: {  	_ =	shalt  }
0x53: {  	_ =	shalt  }
0x54: {  	_ =	shalt  }
0x55: {  	_ =	shalt  }
0x56: {  	_ =	shalt  }
0x57: {  	_ =	shalt  }
0x58: {  	_ =	shalt  }
0x59: {  	_ =	shalt  }
0x5a: {  	_ =	shalt  }
0x5b: {  	_ =	shalt  }
0x5c: {  	_ =	shalt  }
0x5d: {  	_ =	shalt  }
0x5e: {  	_ =	shalt  }
0x5f: {  	_ =	shalt  }
0x60: {  	_ =	shalt  }
0x61: {  	_ =	shalt  }
0x62: {  	_ =	shalt  }
0x63: {  	_ =	shalt  }
0x64: {  	_ =	shalt  }
0x65: {  	_ =	shalt  }
0x66: {  	_ =	shalt  }
0x67: {  	_ =	shalt  }
0x68: {  	_ =	shalt  }
0x69: {  	_ =	shalt  }
0x6a: {  	_ =	shalt  }
0x6b: {  	_ =	shalt  }
0x6c: {  	_ =	shalt  }
0x6d: {  	_ =	shalt  }
0x6e: {  	_ =	shalt  }
0x6f: {  	_ =	shalt  }
0x70: {  	_ =	shalt  }
0x71: {  	_ =	shalt  }
0x72: {  	_ =	shalt  }
0x73: {  	_ =	shalt  }
0x74: {  	_ =	shalt  }
0x75: {  	_ =	shalt  }
0x76: {  	_ =	shalt  }
0x77: {  	_ =	shalt  }
0x78: {  	_ =	shalt  }
0x79: {  	_ =	shalt  }
0x7a: {  	_ =	shalt  }
0x7b: {  	_ =	shalt  }
0x7c: {  	_ =	shalt  }
0x7d: {  	_ =	shalt  }
0x7e: {  	_ =	shalt  }
0x7f: {  	_ =	shalt  }
0x80: {  	_ =	shalt  }
0x81: {  	_ =	shalt  }
0x82: {  	_ =	shalt  }
0x83: {  	_ =	shalt  }
0x84: {  	_ =	shalt  }
0x85: {  	_ =	shalt  }
0x86: {  	_ =	shalt  }
0x87: {  	_ =	shalt  }
.Lfunc_end0:
.L_simem_size_0:
called_computation_lowered:
.L_overlay_start_0:
0x88: {  	s2 =	sld [smem:$0x3FD9]  }
0x89: {  	s3 =	sld [smem:$0x3FFE];
	_ =	sdelay $0x1  }
0x8a: {  	s1 =	srdreg.scid  }
0x8b: {  	s0 =	sand.u32 $0x1, s1  }
0x8c: {  	s17 =	sshll.u32 s0, $0xA;
	s2 =	sadd.s32 s3, s2  }
0x8d: {  	s2 =	sadd.s32 s2, s17  }
0x8e: {  	[smem:$0x3FC5] =	sst s2  }
0x8f: {  	_ = 	snop  }
0x90: {  	s2 =	sld [smem:$0x3FC8];
	(tm) =	ssettm $0x1  }
0x91: {  	s18 =	sld [smem:$0x3FFB];
	_ =	sdelay $0x3  }
0x92: {  	_ =	strace s18  }
0x93: {  	s3 =	sld [smem:$0x3FFC];
	_ =	sdelay $0x3  }
0x94: {  	_ =	strace s3  }
0x95: {  	s3 =	sld [smem:$0x3FFD];
	_ =	sdelay $0x3  }
0x96: {  	_ =	strace s3  }
0x97: {  	_ =	strace $0x8FFFFFFF  }
0x98: {  	s19 =	sld [smem:$0x3FDB];
	_ =	sdelay $0x1  }
0x99: {  	s4 =	simm.s32 $_scs_section_size  }
0x9a: {  	s5 =	simm.s32 $_size__tile_overlayer_lowered;
	s6 =	simm.s32 $_tile_overlayer_lowered  }
0x9b: {  	s22 =	simm.s32 $0x1BFF;
	s21 =	sshll.u32 s6, $0x1;
	s3 =	sadd.s32 s4, s19  }
0x9c: {  	s7 =	simm.s32 $0x0;
	s20 =	sshll.u32 s5, $0x1;
	s5 =	sadd.s32 s21, s3  }
0x9d: {  	[timem:s7], [sflag:s22] =	dma.local [hbm:s5], s20  }
0x9e: {  	_ =	swait.ge [sflag:s22], s20  }
0x9f: {  	s4 =	ssub.s32 $0x0, s20;
	[sflag:s22] =	ssyncset.done $0x0  }
0xa0: {  	[sflag:s22] =	ssyncadd.s32 s4;
	_ =	sdelay $0x1  }
0xa1: {  	s23 =	simm.s32 $0x1B8B  }
0xa2: {  	_ =	swait.ge [sflag:s23], $0x1  }
0xa3: {  	[sflag:s23] =	ssyncset.done $0x0  }
0xa4: {  	s25 =	simm.s32 $0x1B8E;
	s24 =	sld [smem:$0x3FFE];
	[sflag:s23] =	ssyncadd.s32 $0xFFFFFFFF  }
0xa5: {  	s26 =	simm.s32 $execute0_lowered;
	[smem:$0x3FD2] =	sst s25  }
0xa6: {  	s5 =	sshll.u32 s26, $0x1;
	_ =	strace $0x80000046;
	[dreg:$0x1] =	wrdreg $0xFFFFFFFF  }
0xa7: {  	s28 =	simm.s32 $_size_execute0_lowered;
	s3 =	sadd.s32 s3, s5;
	[dreg:$0x0] =	wrdreg $0x0  }
0xa8: {  	s5 =	sshll.u32 s28, $0x1;
	[dreg:$0x2] =	wrdreg s3  }
0xa9: {  	[dreg:$0x3] =	wrdreg s5  }
0xaa: {  	[dreg:$0x4] =	wrdreg $0xC0  }
0xab: {  	_ =	task [dreg:s7], $0x5FFFF  }
0xac: {  	[dreg:$0x1] =	wrdreg $0xFFFFFFFF  }
0xad: {  	[dreg:$0x0] =	wrdreg $0x60  }
0xae: {  	[dreg:$0x2] =	wrdreg s2  }
0xaf: {  	[dreg:$0x3] =	wrdreg s24  }
0xb0: {  	[dreg:$0x4] =	wrdreg $0x9  }
0xb1: {  	_ =	task.clear_ibuf [dreg:s7], $0x5FFFF;
	_ =	strace $0x90000046  }
0xb2: {  	s29 =	simm.s32 $0x9;
	_ =	strace $0x80000048  }
0xb3: {  	_ =	swait.ge [sflag:s29], $0x1  }
0xb4: {  	[sflag:s29] =	ssyncadd.s32 $0xFFFFFFFF  }
0xb5: {  	_ =	strace $0x90000048  }
0xb6: {  	_ =	sfence  }
0xb7: {  	s30 =	sld [smem:$0x0];
	_ =	sdelay $0x2  }
0xb8: {  	s31 =	sshll.u32 s1, $0xD;
	s1 =	sshrl.u32 s1, $0x2  }
0xb9: {  	s3 =	sand.u32 $0x4000, s31;
	s1 =	sadd.s32 s1, s30  }
0xba: {  	s0 =	sor.u32 s3, s0;
	s1 =	sshll.u32 s1, $0x11  }
0xbb: {  	s0 =	sor.u32 s1, s0  }
0xbc: {  	s0 =	sadd.s32 $0x8F2B, s0  }
0xbd: {  	[sflag:s0] =	ssyncadd.remote.s32 $0x1  }
0xbe: {  	_ =	sfence.sel $0xFFFF  }
0xbf: {  	[dreg:$0x0] =	wrdreg $0xFFFFFFFF;
	(pc) =	sbr.abs _section_cstart, $3  }
0xc0: {  	[dreg:$0x1] =	wrdreg $0xFFFFFFFF  }
0xc1: {  	_ =	task.clear_ibuf [dreg:s7], $0x2FFFF;
	_ =	strace $0x9FFFFFFF  }
0xc2: {  	(tm) =	ssettm $0x7FFFFFFF  }
0xc3: {  	_ =	shalt  }
tec
execute0_lowered:
.L_overlay_start_1:
0x0: {  	(tag) =	ssettag $0x1  }
0x1: {  	v0 =	vimm.s32 $0x3780  }
0x2: {  	vm14 =	vcmask $0x300;
	vm11 =	vcmask $0x704;
	v1 =	vimm.s32 $0x3783  }
0x3: {  	vm12 =	vcmask $0xB08;
	vm13 =	vcmask $0xF0C;
	vm10 =	vcmask $0x1310  }
0x4: {  	vm9 =	vcmask $0x1714;
	vm8 =	vcmask $0x1B18;
	vm7 =	vcmask $0x1F1C  }
0x5: {  	vm6 =	vcmask $0x2320;
	vm5 =	vcmask $0x2724;
	vm4 =	vcmask $0x2B28  }
0x6: {  	vm3 =	vcmask $0x2F2C;
	vm2 =	vcmask $0x3330;
	vm1 =	vcmask $0x3734  }
0x7: {  	vm0 =	vcmask $0x3B38;
	v2 =	vimm.s32 $0x3781;
	v3 =	vimm.s32 $0x3782  }
0x8: {  	v4 =	vimm.s32 $0x3784;
	v5 =	vimm.s32 $0x3785;
	v6 =	vimm.s32 $0x3786  }
0x9: {  	v7 =	vimm.s32 $0x3787;
	v0 =	vsel vm14, $0x0, v0;
	v1 =	vsel vm14, $0x3, v1  }
0xa: {  	v2 =	vsel vm14, $0x1, v2;
	v3 =	vsel vm14, $0x2, v3;
	v4 =	vsel vm14, $0x4, v4  }
0xb: {  	v5 =	vsel vm14, $0x5, v5;
	v6 =	vsel vm14, $0x6, v6;
	v7 =	vsel vm14, $0x7, v7  }
0xc: {  	v0 =	vsel vm11, $0x80, v0;
	v1 =	vsel vm11, $0x83, v1;
	v2 =	vsel vm11, $0x81, v2  }
0xd: {  	v3 =	vsel vm11, $0x82, v3;
	v4 =	vsel vm11, $0x84, v4;
	v5 =	vsel vm11, $0x85, v5  }
0xe: {  	v6 =	vsel vm11, $0x86, v6;
	v7 =	vsel vm11, $0x87, v7;
	v0 =	vsel vm12, $0x100, v0  }
0xf: {  	v1 =	vsel vm12, $0x103, v1;
	v2 =	vsel vm12, $0x101, v2;
	v3 =	vsel vm12, $0x102, v3  }
0x10: {  	v4 =	vsel vm12, $0x104, v4;
	v5 =	vsel vm12, $0x105, v5;
	v6 =	vsel vm12, $0x106, v6  }
0x11: {  	v7 =	vsel vm12, $0x107, v7;
	v0 =	vsel vm13, $0x180, v0;
	v1 =	vsel vm13, $0x183, v1  }
0x12: {  	v2 =	vsel vm13, $0x181, v2;
	v3 =	vsel vm13, $0x182, v3;
	v4 =	vsel vm13, $0x184, v4  }
0x13: {  	v5 =	vsel vm13, $0x185, v5;
	v6 =	vsel vm13, $0x186, v6;
	v7 =	vsel vm13, $0x187, v7  }
0x14: {  	v0 =	vsel vm10, $0x200, v0;
	v1 =	vsel vm10, $0x203, v1;
	v2 =	vsel vm10, $0x201, v2  }
0x15: {  	v3 =	vsel vm10, $0x202, v3;
	v4 =	vsel vm10, $0x204, v4;
	v5 =	vsel vm10, $0x205, v5  }
0x16: {  	v6 =	vsel vm10, $0x206, v6;
	v7 =	vsel vm10, $0x207, v7;
	v0 =	vsel vm9, $0x280, v0  }
0x17: {  	v1 =	vsel vm9, $0x283, v1;
	v2 =	vsel vm9, $0x281, v2;
	v3 =	vsel vm9, $0x282, v3  }
0x18: {  	v4 =	vsel vm9, $0x284, v4;
	v5 =	vsel vm9, $0x285, v5;
	v6 =	vsel vm9, $0x286, v6  }
0x19: {  	v7 =	vsel vm9, $0x287, v7;
	v0 =	vsel vm8, $0x300, v0;
	v1 =	vsel vm8, $0x303, v1  }
0x1a: {  	v2 =	vsel vm8, $0x301, v2;
	v3 =	vsel vm8, $0x302, v3;
	v4 =	vsel vm8, $0x304, v4  }
0x1b: {  	v5 =	vsel vm8, $0x305, v5;
	v6 =	vsel vm8, $0x306, v6;
	v7 =	vsel vm8, $0x307, v7  }
0x1c: {  	v0 =	vsel vm7, $0x380, v0;
	v1 =	vsel vm7, $0x383, v1;
	v2 =	vsel vm7, $0x381, v2  }
0x1d: {  	v3 =	vsel vm7, $0x382, v3;
	v4 =	vsel vm7, $0x384, v4;
	v5 =	vsel vm7, $0x385, v5  }
0x1e: {  	v6 =	vsel vm7, $0x386, v6;
	v7 =	vsel vm7, $0x387, v7;
	v0 =	vsel vm6, $0x3400, v0  }
0x1f: {  	v1 =	vsel vm6, $0x3403, v1;
	v2 =	vsel vm6, $0x3401, v2;
	v3 =	vsel vm6, $0x3402, v3  }
0x20: {  	v4 =	vsel vm6, $0x3404, v4;
	v5 =	vsel vm6, $0x3405, v5;
	v6 =	vsel vm6, $0x3406, v6  }
0x21: {  	v7 =	vsel vm6, $0x3407, v7;
	v0 =	vsel vm5, $0x3480, v0;
	v1 =	vsel vm5, $0x3483, v1  }
0x22: {  	v2 =	vsel vm5, $0x3481, v2;
	v3 =	vsel vm5, $0x3482, v3;
	v4 =	vsel vm5, $0x3484, v4  }
0x23: {  	v5 =	vsel vm5, $0x3485, v5;
	v6 =	vsel vm5, $0x3486, v6;
	v7 =	vsel vm5, $0x3487, v7  }
0x24: {  	v0 =	vsel vm4, $0x3500, v0;
	v1 =	vsel vm4, $0x3503, v1;
	v2 =	vsel vm4, $0x3501, v2  }
0x25: {  	v3 =	vsel vm4, $0x3502, v3;
	v4 =	vsel vm4, $0x3504, v4;
	v5 =	vsel vm4, $0x3505, v5  }
0x26: {  	v6 =	vsel vm4, $0x3506, v6;
	v7 =	vsel vm4, $0x3507, v7;
	v0 =	vsel vm3, $0x3580, v0  }
0x27: {  	v1 =	vsel vm3, $0x3583, v1;
	v2 =	vsel vm3, $0x3581, v2;
	v3 =	vsel vm3, $0x3582, v3  }
0x28: {  	s9 =	rddreg [dreg:$0x0];
	s1 =	srdreg.scid;
	v4 =	vsel vm3, $0x3584, v4;
	v5 =	vsel vm3, $0x3585, v5;
	v6 =	vsel vm3, $0x3586, v6  }
0x29: {  	s0 =	stileid.u32;
	s11 =	rddreg [dreg:$0x1];
	s2 =	simm.s32 $0x0;
	v7 =	vsel vm3, $0x3587, v7;
	v0 =	vsel vm2, $0x3600, v0;
	v1 =	vsel vm2, $0x3603, v1  }
0x2a: {  	s14 =	simm.s32 $0x3400;
	s15 =	simm.s32 $0x1;
	s16 =	simm.s32 $0x2;
	v2 =	vsel vm2, $0x3601, v2;
	v3 =	vsel vm2, $0x3602, v3;
	v4 =	vsel vm2, $0x3604, v4  }
0x2b: {  	s17 =	simm.s32 $0x3;
	s19 =	simm.s32 $0x19000;
	s20 =	simm.s32 $0x0;
	v5 =	vsel vm2, $0x3605, v5;
	v6 =	vsel vm2, $0x3606, v6;
	v7 =	vsel vm2, $0x3607, v7  }
0x2c: {  	s5 =	sand.u32 $0x1, s1;
	s3 =	sshll.u32 s0, $0x1;
	[smem:$0x7FF] =	sst s2;
	v0 =	vsel vm1, $0x3680, v0;
	v1 =	vsel vm1, $0x3683, v1;
	v2 =	vsel vm1, $0x3681, v2  }
0x2d: {  	s4 =	sadd.s32 $0xC00, s11;
	s18 =	sor.u32 s5, s3;
	_ =	strace $0x80000047;
	v3 =	vsel vm1, $0x3682, v3;
	v4 =	vsel vm1, $0x3684, v4;
	v5 =	vsel vm1, $0x3685, v5  }
0x2e: {  	s6 =	ssub.s32 $0x2, s5;
	s5 =	sadd.s32 $0x1000, s11;
	s3 =	smul.u32 $0x7A00, s18;
	v8 =	vsel vm1, $0x3686, v6;
	v9 =	vsel vm1, $0x3687, v7;
	v6 =	vlaneseq.u32  }
.Ltmp0:
0x2f: {  	s7 =	sshrl.u32 s6, $0x1;
	p0 =	sne.s32 s18, $0x0;
	v0 =	vsel vm0, $0x3700, v0;
	v1 =	vsel vm0, $0x3703, v1;
	v2 =	vsel vm0, $0x3701, v2;
	(pc) =	sbr.rel .LBB2_1-.Ltmp0, $4  }
0x30: {  	s18 =	simm.s32 $0xD000;
	s12 =	ssub.s32 s6, s7;
	s8 =	sadd.s32 $0x7800, s3;
	v3 =	vsel vm0, $0x3702, v3;
	v4 =	vsel vm0, $0x3704, v4;
	v5 =	vsel vm0, $0x3705, v5  }
0x31: {  	s6 =	sadd.s32 s9, s3;
	s12 =	smax.u32 s12, $0x1;
	s10 =	sshll.u32 s8, $0x1;
	v7 =	vsel vm0, $0x3706, v8;
	v8 =	vsel vm0, $0x3707, v9;
	v9 =	vor.u32 $0x10, v6  }
0x32: {  	s7 =	sadd.s32 s9, s8;
	s9 =	sadd.s32 $0xF4000, s9;
	s13 =	sadd.s32 $0xF4280, s6;
	v10 =	vor.u32 $0x20, v6;
	v11 =	vor.u32 $0x30, v6;
	v12 =	vor.u32 $0x40, v6  }
0x33: {  	s8 =	sadd.s32 s5, s10;
	s10 =	sadd.s32 $0x1E9000, s11;
	s11 =	sadd.s32 $0x1E9400, s11;
	v13 =	vor.u32 $0x50, v6;
	v14 =	vor.u32 $0x60, v6;
	v15 =	vor.u32 $0x70, v6  }
.LBB2_13:
0x34: {  	s20 =	sadd.s32 $0x1, s20  }
0x35: {  	p1 =	sne.s32 s20, s12  }
.Ltmp1:
0x36: {  	_ = 	snop;
	(pc) =	sbr.rel @!p1 .LBB2_14-.Ltmp1, $1  }
0x37: {  	_ =	sdelay $0x3  }
.LBB2_1:
0x38: {  	[tilespmem:s2], [sflag:$0x1] =	stream.linear.gather [hbm4b:s6+s2], $0x3000, $0x38;
	[tilespmem:$0x1B000] =	vst v63  }
0x39: {  	p1 =	por $0x0, $0x0;
	s22 =	simm.s32 $0x0  }
0x3a: {  	[tilespmem:s14], [sflag:$0x1] =	stream.linear.gather [hbm4b:s13+s2], $0x3000, $0x38;
	[tilespmem:$0x1B000] =	vst v63  }
.LBB2_2:
0x3b: {  	s21 =	sadd.s32 $0x1, s22;
	p2 =	seq.s32 s22, $0x13  }
0x3c: {  	s26 =	simm.s32 $0x0;
	s28 =	simm.s32 $0x8;
	s23 =	sand.u32 @!p2 $0x1, s21  }
0x3d: {  	s29 =	simm.s32 $0x18;
	p3 =	seq.s32 @!p2 s23, $0x1;
	s23 =	smul.u32 @!p2 $0x600, s21  }
0x3e: {  	s0 =	simm.s32 $0x10;
	s24 =	simm.s32 @!p2 $0x6800;
	p3 =	por !p3, p2  }
0x3f: {  	s25 =	simm.s32 @!p2 $0x0;
	s24 =	simm.s32 @p3 $0x0;
	s23 =	sadd.s32 @!p2 s23, s6  }
0x40: {  	v16 =	vmov s26;
	v17 =	vmov s28;
	v18 =	vmov s29;
	[tilespmem:s24], [sflag:$0x1] =	stream.linear.gather @!p2 [hbm4b:s23+s25], $0x3000, $0x38;
	[tilespmem:$0x1B000] =	vst v63  }
0x41: {  	v19 =	vmov s0;
	v20 =	vshll.u32 v17, $0x3;
	v21 =	vshll.u32 v18, $0x3;
	s23 =	sadd.s32 @!p2 $0xF4280, s23;
	s24 =	sadd.s32 @!p2 $0x3400, s24  }
0x42: {  	v17 =	vand.u32 $0x68, v17;
	v22 =	vshll.u32 v19, $0x3;
	v20 =	vand.u32 $0x3C00, v20;
	[tilespmem:s24], [sflag:$0x1] =	stream.linear.gather @!p2 [hbm4b:s23+s25], $0x3000, $0x38;
	[tilespmem:$0x1B000] =	vst v63  }
0x43: {  	v19 =	vand.u32 $0x70, v19;
	v23 =	vor.u32 v17, v20;
	v17 =	vand.u32 $0x3C00, v22;
	_ =	swait.ge [sflag:s15], $0x6000  }
0x44: {  	v20 =	vand.u32 $0x3C00, v21;
	v21 =	vadd.s32 v0, v23;
	v22 =	vor.u32 v19, v17;
	p2 =	slt.u32 s22, $0x2;
	[sflag:s15] =	ssyncset.done $0x0  }
0x45: {  	v18 =	vand.u32 $0x78, v18;
	v17 =	vshll.u32 v16, $0x3;
	v19 =	vadd.s32 v0, v22;
	s25 =	sand.u32 $0x1, s22;
	s23 =	simm.s32 @!p2 $0x2;
	[sflag:s15] =	ssyncadd.s32 $0xFFFFA000  }
0x46: {  	v16 =	vand.u32 $0x60, v16;
	v20 =	vor.u32 v18, v20;
	v17 =	vand.u32 $0x3C00, v17;
	s1 =	smul.u32 $0x1A000, s25;
	_ =	swait.ge @!p2 [sflag:s23], $0x6000  }
0x47: {  	v16 =	vor.u32 v16, v17;
	v17 =	vadd.s32 v0, v20;
	[sflag:s23] =	ssyncset.done @!p2 $0x0  }
0x48: {  	s26 =	simm.s32 $0x1;
	v24 =	vadd.s32 v0, v16;
	[sflag:s23] =	ssyncadd.s32 @!p2 $0xFFFFA000;
	s23 =	sshrl.u32 s1, $0x2  }
0x49: {  	s26 =	simm.s32 @!p1 $0x0;
	v18 =	vld.idx.msk [tilespmem:v21+s23+$0x0], $0xffff  }
0x4a: {  	s31 =	smul.u32 $0x18000, s26;
	v21 =	vadd.s32 v2, v23;
	v19 =	vld.idx.msk [tilespmem:v19+s23+$0x0], $0xffff  }
0x4b: {  	v25 =	vadd.s32 v2, v22  }
0x4c: {  	s24 =	sshrl.u32 s31, $0x2;
	v17 =	vld.idx.msk [tilespmem:v17+s23+$0x0], $0xffff  }
0x4d: {  	v27 =	vadd.s32 v2, v20;
	s24 =	sadd.s32 $0xD100, s24;
	v26 =	vld.idx.msk [tilespmem:v24+s23+$0x0], $0xffff  }
0x4e: {  	[tilespmem:s24+$0xFFFFFF80] =	vst v18;
	v18 =	vor.u32 $0x1, v24  }
0x4f: {  	[tilespmem:s24+$0x0] =	vst v19;
	v21 =	vld.idx.msk [tilespmem:v21+s23+$0x0], $0xffff  }
0x50: {  	v19 =	vld.idx.msk [tilespmem:v25+s23+$0x0], $0xffff;
	v25 =	vadd.s32 v3, v23  }
0x51: {  	[tilespmem:s24+$0x80] =	vst v17;
	v17 =	vadd.s32 v3, v22  }
0x52: {  	[tilespmem:s24+$0xFFFFFF00] =	vst v26;
	v26 =	vld.idx.msk [tilespmem:v27+s23+$0x0], $0xffff  }
0x53: {  	v27 =	vadd.s32 v3, v20;
	v18 =	vld.idx.msk [tilespmem:v18+s23+$0x0], $0xffff  }
0x54: {  	[tilespmem:s24+$0xFFFFFF90] =	vst v21  }
0x55: {  	s0 =	simm.s32 $0x28;
	v21 =	vor.u32 $0x2, v24;
	[tilespmem:s24+$0x10] =	vst v19;
	v19 =	vld.idx.msk [tilespmem:v25+s23+$0x0], $0xffff  }
0x56: {  	v28 =	vmov s0;
	v17 =	vld.idx.msk [tilespmem:v17+s23+$0x0], $0xffff;
	v25 =	vadd.s32 v1, v23  }
0x57: {  	v29 =	vadd.s32 v1, v16;
	v16 =	vshll.u32 v28, $0x3;
	[tilespmem:s24+$0x90] =	vst v26;
	v26 =	vadd.s32 v1, v22  }
0x58: {  	v28 =	vand.u32 $0x68, v28;
	v16 =	vand.u32 $0x3C00, v16;
	[tilespmem:s24+$0xFFFFFF10] =	vst v18;
	v18 =	vld.idx.msk [tilespmem:v27+s23+$0x0], $0xffff  }
0x59: {  	s28 =	simm.s32 $0x30;
	v16 =	vor.u32 v28, v16;
	s1 =	simm.s32 $0x20;
	v27 =	vadd.s32 v1, v20  }
0x5a: {  	v31 =	vmov s28;
	v32 =	vadd.s32 v0, v16;
	v30 =	vmov s1;
	v21 =	vld.idx.msk [tilespmem:v21+s23+$0x0], $0xffff;
	[tilespmem:s24+$0xFFFFFFA0] =	vst v19  }
0x5b: {  	v33 =	vshll.u32 v31, $0x3;
	v19 =	vshll.u32 v30, $0x3;
	[tilespmem:s24+$0x20] =	vst v17;
	v25 =	vld.idx.msk [tilespmem:v25+s23+$0x0], $0xffff  }
0x5c: {  	s31 =	simm.s32 $0x38;
	v17 =	vand.u32 $0x60, v30;
	v30 =	vadd.s32 v4, v23;
	v19 =	vand.u32 $0x3C00, v19;
	v26 =	vld.idx.msk [tilespmem:v26+s23+$0x0], $0xffff  }
0x5d: {  	v34 =	vadd.s32 v4, v22;
	v28 =	vmov s31;
	v35 =	vor.u32 v17, v19;
	[tilespmem:s24+$0xA0] =	vst v18  }
0x5e: {  	v17 =	vand.u32 $0x70, v31;
	v18 =	vand.u32 $0x3C00, v33;
	v19 =	vadd.s32 v0, v35;
	v27 =	vld.idx.msk [tilespmem:v27+s23+$0x0], $0xffff  }
0x5f: {  	v32 =	vld.idx.msk [tilespmem:v32+s23+$0x0], $0xffff;
	v31 =	vadd.s32 v4, v20;
	[tilespmem:s24+$0xFFFFFF20] =	vst v21;
	v21 =	vshll.u32 v28, $0x3;
	v17 =	vor.u32 v17, v18  }
0x60: {  	v29 =	vld.idx.msk [tilespmem:v29+s23+$0x0], $0xffff;
	v18 =	vand.u32 $0x3C00, v21;
	v21 =	vand.u32 $0x78, v28;
	v28 =	vadd.s32 v0, v17;
	[tilespmem:s24+$0xFFFFFFB0] =	vst v25  }
0x61: {  	v18 =	vor.u32 v21, v18;
	v21 =	vor.u32 $0x4, v24;
	[tilespmem:s24+$0x30] =	vst v26;
	v25 =	vld.idx.msk [tilespmem:v30+s23+$0x0], $0xffff  }
0x62: {  	v26 =	vadd.s32 v0, v18;
	v30 =	vld.idx.msk [tilespmem:v34+s23+$0x0], $0xffff  }
0x63: {  	v58 =	vadd.s32 v2, v16;
	v57 =	vld.idx.msk [tilespmem:v19+s23+$0x0], $0xffff;
	[tilespmem:s24+$0xB0] =	vst v27  }
0x64: {  	v27 =	vadd.s32 v5, v23;
	v31 =	vld.idx.msk [tilespmem:v31+s23+$0x0], $0xffff  }
0x65: {  	s26 =	sadd.s32 $0x200, s24;
	v61 =	vor.u32 $0x1, v19;
	v28 =	vld.idx.msk [tilespmem:v28+s23+$0x0], $0xffff;
	[tilespmem:s24+$0xFFFFFF30] =	vst v29  }
0x66: {  	[tilespmem:s26+$0xFFFFFF80] =	vst v32;
	v29 =	vadd.s32 v5, v22;
	v21 =	vld.idx.msk [tilespmem:v21+s23+$0x0], $0xffff  }
0x67: {  	v59 =	vadd.s32 v5, v20;
	v26 =	vld.idx.msk [tilespmem:v26+s23+$0x0], $0xffff;
	[tilespmem:s24+$0xFFFFFFC0] =	vst v25  }
0x68: {  	v36 =	vadd.s32 v2, v17;
	v25 =	vld.idx.msk [tilespmem:v58+s23+$0x0], $0xffff;
	[tilespmem:s24+$0x40] =	vst v30  }
0x69: {  	v60 =	vor.u32 $0x5, v24;
	[tilespmem:s26+$0xFFFFFF00] =	vst v57;
	v27 =	vld.idx.msk [tilespmem:v27+s23+$0x0], $0xffff  }
0x6a: {  	v30 =	vadd.s32 v2, v18;
	v33 =	vld.idx.msk [tilespmem:v61+s23+$0x0], $0xffff;
	[tilespmem:s24+$0xC0] =	vst v31  }
0x6b: {  	v41 =	vadd.s32 v3, v16;
	v37 =	vld.idx.msk [tilespmem:v29+s23+$0x0], $0xffff;
	[tilespmem:s26+$0x0] =	vst v28  }
0x6c: {  	v28 =	vadd.s32 v7, v23;
	v31 =	vld.idx.msk [tilespmem:v59+s23+$0x0], $0xffff;
	[tilespmem:s24+$0xFFFFFF40] =	vst v21  }
0x6d: {  	v63 =	vadd.s32 v7, v22;
	v62 =	vld.idx.msk [tilespmem:v36+s23+$0x0], $0xffff;
	[tilespmem:s26+$0x80] =	vst v26  }
0x6e: {  	v38 =	vadd.s32 v7, v20;
	v26 =	vld.idx.msk [tilespmem:v60+s23+$0x0], $0xffff;
	[tilespmem:s26+$0xFFFFFF90] =	vst v25  }
0x6f: {  	v39 =	vadd.s32 v3, v17;
	v40 =	vld.idx.msk [tilespmem:v30+s23+$0x0], $0xffff;
	[tilespmem:s24+$0xFFFFFFD0] =	vst v27  }
0x70: {  	v34 =	vadd.s32 v3, v18;
	v27 =	vadd.s32 v1, v35;
	v35 =	vld.idx.msk [tilespmem:v41+s23+$0x0], $0xffff;
	[tilespmem:s24+$0x50] =	vst v37  }
0x71: {  	s25 =	smul.u32 $0x18000, s25;
	v29 =	vld.idx.msk [tilespmem:v28+s23+$0x0], $0xffff;
	[tilespmem:s24+$0xD0] =	vst v31  }
0x72: {  	v21 =	vadd.s32 v8, v20;
	v30 =	vadd.s32 v8, v23;
	v28 =	vld.idx.msk [tilespmem:v63+s23+$0x0], $0xffff;
	[tilespmem:s26+$0x10] =	vst v62  }
0x73: {  	s30 =	simm.s32 $0x40;
	s25 =	sshrl.u32 s25, $0x2;
	v20 =	vadd.s32 v8, v18;
	v36 =	vor.u32 $0x2, v19;
	v25 =	vld.idx.msk [tilespmem:v38+s23+$0x0], $0xffff;
	[tilespmem:s24+$0xFFFFFF50] =	vst v26;
	v26 =	vor.u32 $0x6, v24  }
0x74: {  	s29 =	simm.s32 $0x4;
	s28 =	smov.u32 s26;
	s25 =	sadd.s32 $0xD000, s25;
	v23 =	vor.u32 $0x7, v24;
	v31 =	vadd.s32 v1, v18;
	v32 =	vld.idx.msk [tilespmem:v39+s23+$0x0], $0xffff;
	v24 =	vadd.s32 v8, v22;
	[tilespmem:s26+$0x90] =	vst v40  }
.LBB2_3:
0x75: {  	v37 =	vmov s30;
	s31 =	sadd.s32 $0x8, s30;
	s1 =	sadd.s32 $0x10, s30;
	s0 =	sadd.s32 $0x18, s30;
	[tilespmem:s26+$0xFFFFFF10] =	vst v33;
	v33 =	vadd.s32 v1, v16;
	v38 =	vadd.s32 v1, v17;
	v34 =	vld.idx.msk [tilespmem:v34+s23+$0x0], $0xffff;
	v22 =	vmovc v19  }
0x76: {  	s29 =	sadd.s32 $0x4, s29;
	v19 =	vmov s31;
	v39 =	vmov s1;
	v40 =	vmov s0;
	[tilespmem:s24+$0xFFFFFFE0] =	vst v29  }
0x77: {  	v29 =	vand.u32 $0x60, v37;
	p2 =	slt.u32 s29, $0xBC;
	v41 =	vshll.u32 v19, $0x3;
	v42 =	vshll.u32 v40, $0x3;
	v30 =	vld.idx.msk [tilespmem:v30+s23+$0x0], $0xffff;
	[tilespmem:s24+$0x60] =	vst v28  }
0x78: {  	v28 =	vand.u32 $0x3C00, v41;
	v41 =	vand.u32 $0x70, v39;
	v42 =	vand.u32 $0x3C00, v42;
	v26 =	vld.idx.msk [tilespmem:v26+s23+$0x0], $0xffff;
	[tilespmem:s24+$0xE0] =	vst v25  }
0x79: {  	v19 =	vand.u32 $0x68, v19;
	v25 =	vshll.u32 v37, $0x3;
	v37 =	vand.u32 $0x78, v40;
	v36 =	vld.idx.msk [tilespmem:v36+s23+$0x0], $0xffff;
	[tilespmem:s26+$0x20] =	vst v32  }
0x7a: {  	v32 =	vor.u32 v19, v28;
	v19 =	vshll.u32 v39, $0x3;
	v28 =	vor.u32 v37, v42;
	[tilespmem:s26+$0xFFFFFFA0] =	vst v35;
	v35 =	vld.idx.msk [tilespmem:v21+s23+$0x0], $0xffff  }
0x7b: {  	v25 =	vand.u32 $0x3C00, v25;
	v37 =	vadd.s32 v0, v32;
	v19 =	vand.u32 $0x3C00, v19;
	v21 =	vmovc v20;
	v33 =	vld.idx.msk [tilespmem:v33+s23+$0x0], $0xffff;
	[tilespmem:s26+$0xA0] =	vst v34  }
0x7c: {  	v39 =	vor.u32 v29, v25;
	v25 =	vadd.s32 v0, v28;
	v40 =	vor.u32 v41, v19;
	v29 =	vld.idx.msk [tilespmem:v38+s23+$0x0], $0xffff  }
0x7d: {  	v19 =	vadd.s32 v0, v39;
	v34 =	vadd.s32 v4, v16;
	[tilespmem:s24+$0xFFFFFFF0] =	vst v30;
	v24 =	vld.idx.msk [tilespmem:v24+s23+$0x0], $0xffff  }
0x7e: {  	v20 =	vadd.s32 v8, v28;
	v30 =	vadd.s32 v4, v17;
	v31 =	vld.idx.msk [tilespmem:v31+s23+$0x0], $0xffff;
	[tilespmem:s24+$0xFFFFFF60] =	vst v26  }
0x7f: {  	[tilespmem:s26+$0xFFFFFF20] =	vst v36;
	v23 =	vld.idx.msk [tilespmem:v23+s23+$0x0], $0xffff  }
0x80: {  	v26 =	vadd.s32 v0, v40;
	v36 =	vadd.s32 v4, v18;
	v27 =	vld.idx.msk [tilespmem:v27+s23+$0x0], $0xffff;
	[tilespmem:s24+$0xF0] =	vst v35  }
0x81: {  	v35 =	vld.idx.msk [tilespmem:v37+s23+$0x0], $0xffff;
	[tilespmem:s26+$0xFFFFFFB0] =	vst v33  }
0x82: {  	v33 =	vor.u32 $0x4, v22;
	v34 =	vld.idx.msk [tilespmem:v34+s23+$0x0], $0xffff;
	[tilespmem:s26+$0x30] =	vst v29  }
0x83: {  	s26 =	sadd.s32 $0x200, s26;
	v29 =	vld.idx.msk [tilespmem:v30+s23+$0x0], $0xffff;
	[tilespmem:s24+$0x70] =	vst v24  }
0x84: {  	v30 =	vadd.s32 v2, v32;
	v24 =	vld.idx.msk [tilespmem:v19+s23+$0x0], $0xffff;
	[tilespmem:s28+$0xB0] =	vst v31  }
0x85: {  	v31 =	vadd.s32 v5, v16;
	v36 =	vld.idx.msk [tilespmem:v36+s23+$0x0], $0xffff;
	[tilespmem:s24+$0xFFFFFF70] =	vst v23;
	s24 =	smov.u32 s28;
	s28 =	smov.u32 s26  }
0x86: {  	v23 =	vld.idx.msk [tilespmem:v26+s23+$0x0], $0xffff;
	[tilespmem:s24+$0xFFFFFF30] =	vst v27;
	v26 =	vadd.s32 v5, v17  }
0x87: {  	[tilespmem:s26+$0xFFFFFF80] =	vst v35;
	v27 =	vld.idx.msk [tilespmem:v33+s23+$0x0], $0xffff;
	v33 =	vadd.s32 v5, v18  }
0x88: {  	v35 =	vadd.s32 v2, v40;
	v25 =	vld.idx.msk [tilespmem:v25+s23+$0x0], $0xffff;
	[tilespmem:s24+$0xFFFFFFC0] =	vst v34  }
0x89: {  	v34 =	vor.u32 $0x5, v22;
	v30 =	vld.idx.msk [tilespmem:v30+s23+$0x0], $0xffff;
	[tilespmem:s24+$0x40] =	vst v29  }
0x8a: {  	[tilespmem:s26+$0xFFFFFF00] =	vst v24;
	v24 =	vadd.s32 v2, v28;
	v29 =	vld.idx.msk [tilespmem:v31+s23+$0x0], $0xffff  }
0x8b: {  	v31 =	vor.u32 $0x1, v19;
	v26 =	vld.idx.msk [tilespmem:v26+s23+$0x0], $0xffff;
	[tilespmem:s24+$0xC0] =	vst v36  }
0x8c: {  	[tilespmem:s26+$0x0] =	vst v23;
	v23 =	vadd.s32 v7, v16;
	v36 =	vld.idx.msk [tilespmem:v33+s23+$0x0], $0xffff  }
0x8d: {  	v35 =	vld.idx.msk [tilespmem:v35+s23+$0x0], $0xffff;
	[tilespmem:s24+$0xFFFFFF40] =	vst v27;
	v27 =	vadd.s32 v7, v17  }
0x8e: {  	[tilespmem:s26+$0x80] =	vst v25;
	v37 =	vld.idx.msk [tilespmem:v34+s23+$0x0], $0xffff;
	v25 =	vadd.s32 v7, v18;
	v18 =	vmov v28  }
0x8f: {  	v38 =	vadd.s32 v3, v40;
	[tilespmem:s26+$0xFFFFFF90] =	vst v30;
	v41 =	vld.idx.msk [tilespmem:v24+s23+$0x0], $0xffff  }
0x90: {  	v33 =	vld.idx.msk [tilespmem:v31+s23+$0x0], $0xffff;
	v31 =	vadd.s32 v3, v32;
	[tilespmem:s24+$0xFFFFFFD0] =	vst v29  }
.Ltmp2:
0x91: {  	v34 =	vadd.s32 v3, v18;
	v29 =	vld.idx.msk [tilespmem:v23+s23+$0x0], $0xffff;
	[tilespmem:s24+$0x50] =	vst v26;
	(pc) =	sbr.rel @p2 .LBB2_3-.Ltmp2, $4  }
0x92: {  	v28 =	vld.idx.msk [tilespmem:v27+s23+$0x0], $0xffff;
	[tilespmem:s24+$0xD0] =	vst v36  }
0x93: {  	v30 =	vadd.s32 v8, v16;
	v16 =	vmov v32;
	[tilespmem:s26+$0x10] =	vst v35;
	v25 =	vld.idx.msk [tilespmem:v25+s23+$0x0], $0xffff  }
0x94: {  	v24 =	vadd.s32 v8, v17;
	v17 =	vmovc v40;
	v26 =	vor.u32 $0x6, v22;
	v23 =	vor.u32 $0x7, v22;
	v32 =	vld.idx.msk [tilespmem:v38+s23+$0x0], $0xffff;
	[tilespmem:s24+$0xFFFFFF50] =	vst v37  }
0x95: {  	s30 =	sadd.s32 $0x20, s30;
	v36 =	vor.u32 $0x2, v19;
	v27 =	vadd.s32 v1, v39;
	v35 =	vld.idx.msk [tilespmem:v31+s23+$0x0], $0xffff;
	[tilespmem:s26+$0x90] =	vst v41;
	v31 =	vadd.s32 v1, v18  }
0x96: {  	_ =	sdelay $0x2  }
0x97: {  	v22 =	vadd.s32 v1, v16  }
0x98: {  	v34 =	vld.idx.msk [tilespmem:v34+s23+$0x0], $0xffff;
	[tilespmem:s26+$0xFFFFFF10] =	vst v33;
	v46 =	vadd.s32 v1, v17  }
0x99: {  	v36 =	vld.idx.msk [tilespmem:v36+s23+$0x0], $0xffff;
	_ =	sdelay $0x1  }
0x9a: {  	[tilespmem:s26+$0xFFFFFFA0] =	vst v35  }
0x9b: {  	[tilespmem:s26+$0x20] =	vst v32;
	v22 =	vld.idx.msk [tilespmem:v22+s23+$0x0], $0xffff  }
0x9c: {  	v47 =	vadd.s32 v4, v16;
	[tilespmem:s26+$0xA0] =	vst v34;
	v33 =	vld.idx.msk [tilespmem:v46+s23+$0x0], $0xffff  }
0x9d: {  	v49 =	vadd.s32 v4, v17;
	v31 =	vld.idx.msk [tilespmem:v31+s23+$0x0], $0xffff;
	[tilespmem:s26+$0xFFFFFF20] =	vst v36  }
0x9e: {  	v48 =	vadd.s32 v4, v18;
	v27 =	vld.idx.msk [tilespmem:v27+s23+$0x0], $0xffff  }
0x9f: {  	v50 =	vor.u32 $0x4, v19  }
0xa0: {  	[tilespmem:s26+$0xFFFFFFB0] =	vst v22  }
0xa1: {  	[tilespmem:s26+$0x30] =	vst v33;
	v22 =	vld.idx.msk [tilespmem:v47+s23+$0x0], $0xffff  }
0xa2: {  	v51 =	vadd.s32 v5, v16;
	[tilespmem:s28+$0xB0] =	vst v31;
	v33 =	vld.idx.msk [tilespmem:v49+s23+$0x0], $0xffff  }
0xa3: {  	v54 =	vadd.s32 v5, v17;
	v52 =	vld.idx.msk [tilespmem:v48+s23+$0x0], $0xffff;
	[tilespmem:s28+$0xFFFFFF30] =	vst v27  }
0xa4: {  	v53 =	vadd.s32 v5, v18;
	[tilespmem:s24+$0xFFFFFFE0] =	vst v29;
	v55 =	vld.idx.msk [tilespmem:v50+s23+$0x0], $0xffff  }
0xa5: {  	v56 =	vor.u32 $0x5, v19;
	[tilespmem:s24+$0x60] =	vst v28  }
0xa6: {  	v26 =	vld.idx.msk [tilespmem:v26+s23+$0x0], $0xffff;
	[tilespmem:s28+$0xFFFFFFC0] =	vst v22  }
0xa7: {  	[tilespmem:s28+$0x40] =	vst v33;
	v22 =	vld.idx.msk [tilespmem:v51+s23+$0x0], $0xffff  }
0xa8: {  	v57 =	vadd.s32 v7, v16;
	[tilespmem:s28+$0xC0] =	vst v52;
	v29 =	vld.idx.msk [tilespmem:v54+s23+$0x0], $0xffff  }
0xa9: {  	v59 =	vadd.s32 v7, v17;
	v27 =	vld.idx.msk [tilespmem:v53+s23+$0x0], $0xffff;
	[tilespmem:s28+$0xFFFFFF40] =	vst v55  }
0xaa: {  	v58 =	vadd.s32 v7, v18;
	[tilespmem:s24+$0xE0] =	vst v25;
	v28 =	vld.idx.msk [tilespmem:v56+s23+$0x0], $0xffff  }
0xab: {  	v60 =	vor.u32 $0x6, v19;
	v30 =	vld.idx.msk [tilespmem:v30+s23+$0x0], $0xffff;
	[tilespmem:s24+$0xFFFFFF60] =	vst v26  }
0xac: {  	v24 =	vld.idx.msk [tilespmem:v24+s23+$0x0], $0xffff;
	[tilespmem:s28+$0xFFFFFFD0] =	vst v22  }
0xad: {  	[tilespmem:s28+$0x50] =	vst v29;
	v22 =	vld.idx.msk [tilespmem:v57+s23+$0x0], $0xffff  }
0xae: {  	v16 =	vadd.s32 v8, v16;
	[tilespmem:s28+$0xD0] =	vst v27;
	v25 =	vld.idx.msk [tilespmem:v59+s23+$0x0], $0xffff  }
0xaf: {  	v17 =	vadd.s32 v8, v17;
	v18 =	vld.idx.msk [tilespmem:v58+s23+$0x0], $0xffff;
	[tilespmem:s28+$0xFFFFFF50] =	vst v28  }
0xb0: {  	[tilespmem:s24+$0xFFFFFFF0] =	vst v30;
	v61 =	vld.idx.msk [tilespmem:v60+s23+$0x0], $0xffff  }
0xb1: {  	v62 =	vor.u32 $0x7, v19;
	v21 =	vld.idx.msk [tilespmem:v21+s23+$0x0], $0xffff;
	[tilespmem:s24+$0x70] =	vst v24  }
0xb2: {  	v63 =	vld.idx.msk [tilespmem:v23+s23+$0x0], $0xffff;
	[tilespmem:s28+$0xFFFFFFE0] =	vst v22  }
0xb3: {  	[tilespmem:s28+$0x60] =	vst v25;
	v16 =	vld.idx.msk [tilespmem:v16+s23+$0x0], $0xffff  }
0xb4: {  	[tilespmem:s28+$0xE0] =	vst v18;
	v17 =	vld.idx.msk [tilespmem:v17+s23+$0x0], $0xffff  }
0xb5: {  	v18 =	vld.idx.msk [tilespmem:v20+s23+$0x0], $0xffff;
	[tilespmem:s28+$0xFFFFFF60] =	vst v61  }
0xb6: {  	[tilespmem:s24+$0xF0] =	vst v21;
	v19 =	vld.idx.msk [tilespmem:v62+s23+$0x0], $0xffff  }
0xb7: {  	s0 =	smul.u32 $0x600, s22;
	p2 =	sne.s32 s21, $0x14;
	[tilespmem:s24+$0xFFFFFF70] =	vst v63  }
.Ltmp3:
0xb8: {  	[tilespmem:s28+$0xFFFFFFF0] =	vst v16;
	(pc) =	sbr.rel @p2 .LBB2_2-.Ltmp3, $4  }
0xb9: {  	s0 =	sadd.s32 s3, s0;
	[tilespmem:s28+$0x70] =	vst v17  }
0xba: {  	s0 =	sshll.u32 s0, $0x1;
	[tilespmem:s28+$0xF0] =	vst v18  }
0xbb: {  	p1 =	por !p1, !p1;
	s22 =	smov.u32 s21;
	s0 =	sadd.s32 s5, s0;
	[tilespmem:s28+$0xFFFFFF70] =	vst v19  }
0xbc: {  	[hbm4b:s0+s2] =	stream.linear.scatter [tilespmem:s25], [sflag:$0x2], $0x6000, $0x38;
	[tilespmem:$0x1B000] =	vst v63  }
0xbd: {  	_ =	swait.ge [sflag:s16], $0x6000  }
0xbe: {  	s0 =	simm.s32 $0x0;
	[sflag:s16] =	ssyncset.done $0x0  }
0xbf: {  	s1 =	simm.s32 $0x8;
	s21 =	simm.s32 $0x18;
	[sflag:s16] =	ssyncadd.s32 $0xFFFFA000  }
0xc0: {  	s22 =	simm.s32 $0x10;
	v16 =	vmov s0;
	v17 =	vmov s1;
	v18 =	vmov s21;
	_ =	swait.ge [sflag:s16], $0x6000  }
0xc1: {  	v19 =	vmov s22;
	v20 =	vshll.u32 v17, $0x3;
	v21 =	vshll.u32 v18, $0x3;
	[sflag:s16] =	ssyncset.done $0x0  }
0xc2: {  	v17 =	vand.u32 $0x68, v17;
	v23 =	vshll.u32 v19, $0x3;
	v20 =	vand.u32 $0xC00, v20;
	[sflag:s16] =	ssyncadd.s32 $0xFFFFA000  }
0xc3: {  	v19 =	vand.u32 $0x70, v19;
	v22 =	vor.u32 v17, v20;
	v17 =	vand.u32 $0xC00, v23;
	[tilespmem:s0], [sflag:$0x3] =	stream.linear.gather [hbm4b:s7+s0], $0x1000, $0x38;
	[tilespmem:$0x1B000] =	vst v63  }
0xc4: {  	s26 =	sadd.s32 $0xF4280, s7;
	v20 =	vand.u32 $0xC00, v21;
	v21 =	vadd.s32 v0, v22;
	v23 =	vor.u32 v19, v17  }
0xc5: {  	v18 =	vand.u32 $0x78, v18;
	v17 =	vshll.u32 v16, $0x3;
	v19 =	vadd.s32 v0, v23;
	[tilespmem:s14], [sflag:$0x3] =	stream.linear.gather [hbm4b:s26+s0], $0x1000, $0x38;
	[tilespmem:$0x1B000] =	vst v63  }
0xc6: {  	v16 =	vand.u32 $0x60, v16;
	v20 =	vor.u32 v18, v20;
	v17 =	vand.u32 $0xC00, v17;
	_ =	swait.ge [sflag:s17], $0x2000  }
0xc7: {  	v16 =	vor.u32 v16, v17;
	v17 =	vadd.s32 v0, v20;
	[sflag:s17] =	ssyncset.done $0x0  }
0xc8: {  	v24 =	vadd.s32 v0, v16;
	[sflag:s17] =	ssyncadd.s32 $0xFFFFE000  }
0xc9: {  	v18 =	vld.idx.msk [tilespmem:v21+s2+$0x0], $0xffff  }
0xca: {  	v21 =	vadd.s32 v2, v22;
	v19 =	vld.idx.msk [tilespmem:v19+s2+$0x0], $0xffff  }
0xcb: {  	v25 =	vadd.s32 v2, v23  }
0xcc: {  	v17 =	vld.idx.msk [tilespmem:v17+s2+$0x0], $0xffff  }
0xcd: {  	s21 =	simm.s32 $0xD100;
	v27 =	vadd.s32 v2, v20;
	v26 =	vld.idx.msk [tilespmem:v24+s2+$0x0], $0xffff  }
0xce: {  	[tilespmem:s21+$0xFFFFFF80] =	vst v18;
	v18 =	vor.u32 $0x1, v24  }
0xcf: {  	[tilespmem:s21+$0x0] =	vst v19;
	v21 =	vld.idx.msk [tilespmem:v21+s2+$0x0], $0xffff  }
0xd0: {  	v19 =	vld.idx.msk [tilespmem:v25+s2+$0x0], $0xffff;
	v25 =	vadd.s32 v3, v22  }
0xd1: {  	[tilespmem:s21+$0x80] =	vst v17;
	v17 =	vadd.s32 v3, v23  }
0xd2: {  	[tilespmem:s21+$0xFFFFFF00] =	vst v26;
	v26 =	vld.idx.msk [tilespmem:v27+s2+$0x0], $0xffff  }
0xd3: {  	v27 =	vadd.s32 v3, v20;
	v18 =	vld.idx.msk [tilespmem:v18+s2+$0x0], $0xffff  }
0xd4: {  	[tilespmem:s21+$0xFFFFFF90] =	vst v21  }
0xd5: {  	s28 =	simm.s32 $0x28;
	v21 =	vor.u32 $0x2, v24;
	[tilespmem:s21+$0x10] =	vst v19;
	v19 =	vld.idx.msk [tilespmem:v25+s2+$0x0], $0xffff  }
0xd6: {  	v28 =	vmov s28;
	v17 =	vld.idx.msk [tilespmem:v17+s2+$0x0], $0xffff;
	v25 =	vadd.s32 v1, v22  }
0xd7: {  	v29 =	vadd.s32 v1, v16;
	v16 =	vshll.u32 v28, $0x3;
	[tilespmem:s21+$0x90] =	vst v26;
	v26 =	vadd.s32 v1, v23  }
0xd8: {  	v28 =	vand.u32 $0x68, v28;
	v16 =	vand.u32 $0xC00, v16;
	[tilespmem:s21+$0xFFFFFF10] =	vst v18;
	v18 =	vld.idx.msk [tilespmem:v27+s2+$0x0], $0xffff  }
0xd9: {  	s29 =	simm.s32 $0x20;
	s30 =	simm.s32 $0x30;
	v16 =	vor.u32 v28, v16;
	v27 =	vadd.s32 v1, v20  }
0xda: {  	v30 =	vmov s29;
	v31 =	vmov s30;
	v32 =	vadd.s32 v0, v16;
	v21 =	vld.idx.msk [tilespmem:v21+s2+$0x0], $0xffff;
	[tilespmem:s21+$0xFFFFFFA0] =	vst v19  }
0xdb: {  	v33 =	vshll.u32 v31, $0x3;
	v19 =	vshll.u32 v30, $0x3;
	[tilespmem:s21+$0x20] =	vst v17;
	v25 =	vld.idx.msk [tilespmem:v25+s2+$0x0], $0xffff  }
0xdc: {  	s31 =	simm.s32 $0x38;
	v17 =	vand.u32 $0x60, v30;
	v30 =	vadd.s32 v4, v22;
	v19 =	vand.u32 $0xC00, v19;
	v26 =	vld.idx.msk [tilespmem:v26+s2+$0x0], $0xffff  }
0xdd: {  	v35 =	vadd.s32 v4, v23;
	v28 =	vmov s31;
	v34 =	vor.u32 v17, v19;
	[tilespmem:s21+$0xA0] =	vst v18  }
0xde: {  	v17 =	vand.u32 $0x70, v31;
	v18 =	vand.u32 $0xC00, v33;
	v19 =	vadd.s32 v0, v34;
	v27 =	vld.idx.msk [tilespmem:v27+s2+$0x0], $0xffff  }
0xdf: {  	v32 =	vld.idx.msk [tilespmem:v32+s2+$0x0], $0xffff;
	v31 =	vadd.s32 v4, v20;
	[tilespmem:s21+$0xFFFFFF20] =	vst v21;
	v21 =	vshll.u32 v28, $0x3;
	v17 =	vor.u32 v17, v18  }
0xe0: {  	v29 =	vld.idx.msk [tilespmem:v29+s2+$0x0], $0xffff;
	v18 =	vand.u32 $0xC00, v21;
	v21 =	vand.u32 $0x78, v28;
	v28 =	vadd.s32 v0, v17;
	[tilespmem:s21+$0xFFFFFFB0] =	vst v25  }
0xe1: {  	v18 =	vor.u32 v21, v18;
	v21 =	vor.u32 $0x4, v24;
	[tilespmem:s21+$0x30] =	vst v26;
	v25 =	vld.idx.msk [tilespmem:v30+s2+$0x0], $0xffff  }
0xe2: {  	v26 =	vadd.s32 v0, v18;
	v30 =	vld.idx.msk [tilespmem:v35+s2+$0x0], $0xffff  }
0xe3: {  	v58 =	vadd.s32 v2, v16;
	v57 =	vld.idx.msk [tilespmem:v19+s2+$0x0], $0xffff;
	[tilespmem:s21+$0xB0] =	vst v27  }
0xe4: {  	v27 =	vadd.s32 v5, v22;
	v31 =	vld.idx.msk [tilespmem:v31+s2+$0x0], $0xffff  }
0xe5: {  	s22 =	simm.s32 $0xD300;
	v61 =	vor.u32 $0x1, v19;
	v28 =	vld.idx.msk [tilespmem:v28+s2+$0x0], $0xffff;
	[tilespmem:s21+$0xFFFFFF30] =	vst v29  }
0xe6: {  	[tilespmem:s22+$0xFFFFFF80] =	vst v32;
	v29 =	vadd.s32 v5, v23;
	v21 =	vld.idx.msk [tilespmem:v21+s2+$0x0], $0xffff  }
0xe7: {  	v59 =	vadd.s32 v5, v20;
	v26 =	vld.idx.msk [tilespmem:v26+s2+$0x0], $0xffff;
	[tilespmem:s21+$0xFFFFFFC0] =	vst v25  }
0xe8: {  	v36 =	vadd.s32 v2, v17;
	v25 =	vld.idx.msk [tilespmem:v58+s2+$0x0], $0xffff;
	[tilespmem:s21+$0x40] =	vst v30  }
0xe9: {  	v60 =	vor.u32 $0x5, v24;
	[tilespmem:s22+$0xFFFFFF00] =	vst v57;
	v27 =	vld.idx.msk [tilespmem:v27+s2+$0x0], $0xffff  }
0xea: {  	v30 =	vadd.s32 v2, v18;
	v33 =	vld.idx.msk [tilespmem:v61+s2+$0x0], $0xffff;
	[tilespmem:s21+$0xC0] =	vst v31  }
0xeb: {  	v37 =	vld.idx.msk [tilespmem:v29+s2+$0x0], $0xffff;
	[tilespmem:s22+$0x0] =	vst v28;
	v28 =	vadd.s32 v7, v22  }
0xec: {  	v63 =	vadd.s32 v7, v23;
	v31 =	vld.idx.msk [tilespmem:v59+s2+$0x0], $0xffff;
	[tilespmem:s21+$0xFFFFFF40] =	vst v21  }
0xed: {  	v38 =	vadd.s32 v7, v20;
	v62 =	vld.idx.msk [tilespmem:v36+s2+$0x0], $0xffff;
	[tilespmem:s22+$0x80] =	vst v26  }
0xee: {  	v39 =	vadd.s32 v3, v17;
	v26 =	vld.idx.msk [tilespmem:v60+s2+$0x0], $0xffff;
	[tilespmem:s22+$0xFFFFFF90] =	vst v25  }
0xef: {  	v41 =	vadd.s32 v3, v16;
	v40 =	vld.idx.msk [tilespmem:v30+s2+$0x0], $0xffff;
	[tilespmem:s21+$0xFFFFFFD0] =	vst v27  }
0xf0: {  	v35 =	vadd.s32 v3, v18;
	v29 =	vld.idx.msk [tilespmem:v28+s2+$0x0], $0xffff;
	[tilespmem:s21+$0x50] =	vst v37  }
0xf1: {  	v21 =	vadd.s32 v8, v20;
	v28 =	vld.idx.msk [tilespmem:v63+s2+$0x0], $0xffff;
	[tilespmem:s21+$0xD0] =	vst v31  }
0xf2: {  	v20 =	vadd.s32 v8, v18;
	v30 =	vadd.s32 v8, v22;
	[tilespmem:s22+$0x10] =	vst v62;
	v25 =	vld.idx.msk [tilespmem:v38+s2+$0x0], $0xffff  }
0xf3: {  	v22 =	vor.u32 $0x7, v24;
	v27 =	vor.u32 $0x6, v24;
	v24 =	vadd.s32 v8, v23;
	v32 =	vld.idx.msk [tilespmem:v39+s2+$0x0], $0xffff;
	[tilespmem:s21+$0xFFFFFF50] =	vst v26  }
0xf4: {  	s24 =	simm.s32 $0x4;
	s25 =	simm.s32 $0x40;
	s23 =	simm.s32 $0xD300;
	v36 =	vor.u32 $0x2, v19;
	v31 =	vadd.s32 v1, v18;
	v26 =	vadd.s32 v1, v34;
	v34 =	vld.idx.msk [tilespmem:v41+s2+$0x0], $0xffff;
	[tilespmem:s22+$0x90] =	vst v40  }
.LBB2_6:
0xf5: {  	v37 =	vmov s25;
	s0 =	sadd.s32 $0x8, s25;
	s1 =	sadd.s32 $0x10, s25;
	s26 =	sadd.s32 $0x18, s25;
	[tilespmem:s22+$0xFFFFFF10] =	vst v33;
	v33 =	vadd.s32 v1, v16;
	v38 =	vadd.s32 v1, v17;
	v35 =	vld.idx.msk [tilespmem:v35+s2+$0x0], $0xffff;
	v23 =	vmovc v19  }
0xf6: {  	s24 =	sadd.s32 $0x4, s24;
	v19 =	vmov s0;
	v39 =	vmov s1;
	v40 =	vmov s26;
	[tilespmem:s21+$0xFFFFFFE0] =	vst v29  }
0xf7: {  	v29 =	vand.u32 $0x60, v37;
	p1 =	slt.u32 s24, $0x3C;
	v41 =	vshll.u32 v19, $0x3;
	v42 =	vshll.u32 v40, $0x3;
	v30 =	vld.idx.msk [tilespmem:v30+s2+$0x0], $0xffff;
	[tilespmem:s21+$0x60] =	vst v28  }
0xf8: {  	v28 =	vand.u32 $0xC00, v41;
	v41 =	vand.u32 $0x70, v39;
	v42 =	vand.u32 $0xC00, v42;
	v27 =	vld.idx.msk [tilespmem:v27+s2+$0x0], $0xffff;
	[tilespmem:s21+$0xE0] =	vst v25  }
0xf9: {  	v19 =	vand.u32 $0x68, v19;
	v25 =	vshll.u32 v37, $0x3;
	v37 =	vand.u32 $0x78, v40;
	v36 =	vld.idx.msk [tilespmem:v36+s2+$0x0], $0xffff;
	[tilespmem:s22+$0x20] =	vst v32  }
0xfa: {  	v32 =	vor.u32 v19, v28;
	v19 =	vshll.u32 v39, $0x3;
	v28 =	vor.u32 v37, v42;
	[tilespmem:s22+$0xFFFFFFA0] =	vst v34;
	v34 =	vld.idx.msk [tilespmem:v21+s2+$0x0], $0xffff  }
0xfb: {  	v25 =	vand.u32 $0xC00, v25;
	v37 =	vadd.s32 v0, v32;
	v19 =	vand.u32 $0xC00, v19;
	v21 =	vmovc v20;
	v33 =	vld.idx.msk [tilespmem:v33+s2+$0x0], $0xffff;
	[tilespmem:s22+$0xA0] =	vst v35  }
0xfc: {  	v39 =	vor.u32 v29, v25;
	v25 =	vadd.s32 v0, v28;
	v40 =	vor.u32 v41, v19;
	v29 =	vld.idx.msk [tilespmem:v38+s2+$0x0], $0xffff  }
0xfd: {  	v19 =	vadd.s32 v0, v39;
	v35 =	vadd.s32 v4, v16;
	[tilespmem:s21+$0xFFFFFFF0] =	vst v30;
	v24 =	vld.idx.msk [tilespmem:v24+s2+$0x0], $0xffff  }
0xfe: {  	v20 =	vadd.s32 v8, v28;
	v30 =	vadd.s32 v4, v17;
	v31 =	vld.idx.msk [tilespmem:v31+s2+$0x0], $0xffff;
	[tilespmem:s21+$0xFFFFFF60] =	vst v27  }
0xff: {  	[tilespmem:s22+$0xFFFFFF20] =	vst v36;
	v22 =	vld.idx.msk [tilespmem:v22+s2+$0x0], $0xffff  }
0x100: {  	v27 =	vadd.s32 v0, v40;
	v36 =	vadd.s32 v4, v18;
	v26 =	vld.idx.msk [tilespmem:v26+s2+$0x0], $0xffff;
	[tilespmem:s21+$0xF0] =	vst v34  }
0x101: {  	v34 =	vld.idx.msk [tilespmem:v37+s2+$0x0], $0xffff;
	[tilespmem:s22+$0xFFFFFFB0] =	vst v33  }
0x102: {  	v33 =	vor.u32 $0x4, v23;
	v35 =	vld.idx.msk [tilespmem:v35+s2+$0x0], $0xffff;
	[tilespmem:s22+$0x30] =	vst v29  }
0x103: {  	s22 =	sadd.s32 $0x200, s22;
	v29 =	vld.idx.msk [tilespmem:v30+s2+$0x0], $0xffff;
	[tilespmem:s21+$0x70] =	vst v24  }
0x104: {  	v30 =	vadd.s32 v2, v32;
	v24 =	vld.idx.msk [tilespmem:v19+s2+$0x0], $0xffff;
	[tilespmem:s23+$0xB0] =	vst v31  }
0x105: {  	v31 =	vadd.s32 v5, v16;
	v36 =	vld.idx.msk [tilespmem:v36+s2+$0x0], $0xffff;
	[tilespmem:s21+$0xFFFFFF70] =	vst v22;
	s21 =	smov.u32 s23;
	s23 =	smov.u32 s22  }
0x106: {  	v22 =	vld.idx.msk [tilespmem:v27+s2+$0x0], $0xffff;
	[tilespmem:s21+$0xFFFFFF30] =	vst v26;
	v26 =	vadd.s32 v5, v17  }
0x107: {  	[tilespmem:s22+$0xFFFFFF80] =	vst v34;
	v27 =	vld.idx.msk [tilespmem:v33+s2+$0x0], $0xffff;
	v33 =	vadd.s32 v5, v18  }
0x108: {  	v34 =	vadd.s32 v2, v40;
	v25 =	vld.idx.msk [tilespmem:v25+s2+$0x0], $0xffff;
	[tilespmem:s21+$0xFFFFFFC0] =	vst v35  }
0x109: {  	v35 =	vor.u32 $0x5, v23;
	v30 =	vld.idx.msk [tilespmem:v30+s2+$0x0], $0xffff;
	[tilespmem:s21+$0x40] =	vst v29  }
0x10a: {  	[tilespmem:s22+$0xFFFFFF00] =	vst v24;
	v24 =	vadd.s32 v2, v28;
	v29 =	vld.idx.msk [tilespmem:v31+s2+$0x0], $0xffff  }
0x10b: {  	v31 =	vor.u32 $0x1, v19;
	v26 =	vld.idx.msk [tilespmem:v26+s2+$0x0], $0xffff;
	[tilespmem:s21+$0xC0] =	vst v36  }
0x10c: {  	[tilespmem:s22+$0x0] =	vst v22;
	v22 =	vadd.s32 v7, v16;
	v36 =	vld.idx.msk [tilespmem:v33+s2+$0x0], $0xffff  }
0x10d: {  	v34 =	vld.idx.msk [tilespmem:v34+s2+$0x0], $0xffff;
	[tilespmem:s21+$0xFFFFFF40] =	vst v27;
	v27 =	vadd.s32 v7, v17  }
0x10e: {  	[tilespmem:s22+$0x80] =	vst v25;
	v37 =	vld.idx.msk [tilespmem:v35+s2+$0x0], $0xffff;
	v25 =	vadd.s32 v7, v18;
	v18 =	vmov v28  }
0x10f: {  	v38 =	vadd.s32 v3, v40;
	[tilespmem:s22+$0xFFFFFF90] =	vst v30;
	v41 =	vld.idx.msk [tilespmem:v24+s2+$0x0], $0xffff  }
0x110: {  	v33 =	vld.idx.msk [tilespmem:v31+s2+$0x0], $0xffff;
	v31 =	vadd.s32 v3, v32;
	[tilespmem:s21+$0xFFFFFFD0] =	vst v29  }
.Ltmp4:
0x111: {  	v35 =	vadd.s32 v3, v18;
	v29 =	vld.idx.msk [tilespmem:v22+s2+$0x0], $0xffff;
	[tilespmem:s21+$0x50] =	vst v26;
	(pc) =	sbr.rel @p1 .LBB2_6-.Ltmp4, $4  }
0x112: {  	v28 =	vld.idx.msk [tilespmem:v27+s2+$0x0], $0xffff;
	[tilespmem:s21+$0xD0] =	vst v36  }
0x113: {  	v30 =	vadd.s32 v8, v16;
	v16 =	vmov v32;
	[tilespmem:s22+$0x10] =	vst v34;
	v25 =	vld.idx.msk [tilespmem:v25+s2+$0x0], $0xffff  }
0x114: {  	v24 =	vadd.s32 v8, v17;
	v17 =	vmovc v40;
	v22 =	vor.u32 $0x7, v23;
	v27 =	vor.u32 $0x6, v23;
	v32 =	vld.idx.msk [tilespmem:v38+s2+$0x0], $0xffff;
	[tilespmem:s21+$0xFFFFFF50] =	vst v37  }
0x115: {  	s25 =	sadd.s32 $0x20, s25;
	v26 =	vadd.s32 v1, v39;
	v36 =	vor.u32 $0x2, v19;
	v34 =	vld.idx.msk [tilespmem:v31+s2+$0x0], $0xffff;
	[tilespmem:s22+$0x90] =	vst v41;
	v31 =	vadd.s32 v1, v18  }
0x116: {  	_ =	sdelay $0x2  }
0x117: {  	v23 =	vadd.s32 v1, v16  }
0x118: {  	v35 =	vld.idx.msk [tilespmem:v35+s2+$0x0], $0xffff;
	[tilespmem:s22+$0xFFFFFF10] =	vst v33;
	v46 =	vadd.s32 v1, v17  }
0x119: {  	v36 =	vld.idx.msk [tilespmem:v36+s2+$0x0], $0xffff;
	_ =	sdelay $0x1  }
0x11a: {  	[tilespmem:s22+$0xFFFFFFA0] =	vst v34  }
0x11b: {  	[tilespmem:s22+$0x20] =	vst v32;
	v23 =	vld.idx.msk [tilespmem:v23+s2+$0x0], $0xffff  }
0x11c: {  	v47 =	vadd.s32 v4, v16;
	[tilespmem:s22+$0xA0] =	vst v35;
	v33 =	vld.idx.msk [tilespmem:v46+s2+$0x0], $0xffff  }
0x11d: {  	v49 =	vadd.s32 v4, v17;
	v31 =	vld.idx.msk [tilespmem:v31+s2+$0x0], $0xffff;
	[tilespmem:s22+$0xFFFFFF20] =	vst v36  }
0x11e: {  	v48 =	vadd.s32 v4, v18;
	v26 =	vld.idx.msk [tilespmem:v26+s2+$0x0], $0xffff  }
0x11f: {  	v50 =	vor.u32 $0x4, v19  }
0x120: {  	[tilespmem:s22+$0xFFFFFFB0] =	vst v23  }
0x121: {  	[tilespmem:s22+$0x30] =	vst v33;
	v23 =	vld.idx.msk [tilespmem:v47+s2+$0x0], $0xffff  }
0x122: {  	v51 =	vadd.s32 v5, v16;
	[tilespmem:s23+$0xB0] =	vst v31;
	v33 =	vld.idx.msk [tilespmem:v49+s2+$0x0], $0xffff  }
0x123: {  	v54 =	vadd.s32 v5, v17;
	v52 =	vld.idx.msk [tilespmem:v48+s2+$0x0], $0xffff;
	[tilespmem:s23+$0xFFFFFF30] =	vst v26  }
0x124: {  	v53 =	vadd.s32 v5, v18;
	[tilespmem:s21+$0xFFFFFFE0] =	vst v29;
	v55 =	vld.idx.msk [tilespmem:v50+s2+$0x0], $0xffff  }
0x125: {  	v56 =	vor.u32 $0x5, v19;
	[tilespmem:s21+$0x60] =	vst v28  }
0x126: {  	v27 =	vld.idx.msk [tilespmem:v27+s2+$0x0], $0xffff;
	[tilespmem:s23+$0xFFFFFFC0] =	vst v23  }
0x127: {  	[tilespmem:s23+$0x40] =	vst v33;
	v23 =	vld.idx.msk [tilespmem:v51+s2+$0x0], $0xffff  }
0x128: {  	v57 =	vadd.s32 v7, v16;
	[tilespmem:s23+$0xC0] =	vst v52;
	v29 =	vld.idx.msk [tilespmem:v54+s2+$0x0], $0xffff  }
0x129: {  	v59 =	vadd.s32 v7, v17;
	v26 =	vld.idx.msk [tilespmem:v53+s2+$0x0], $0xffff;
	[tilespmem:s23+$0xFFFFFF40] =	vst v55  }
0x12a: {  	v58 =	vadd.s32 v7, v18;
	[tilespmem:s21+$0xE0] =	vst v25;
	v28 =	vld.idx.msk [tilespmem:v56+s2+$0x0], $0xffff  }
0x12b: {  	v60 =	vor.u32 $0x6, v19;
	v30 =	vld.idx.msk [tilespmem:v30+s2+$0x0], $0xffff;
	[tilespmem:s21+$0xFFFFFF60] =	vst v27  }
0x12c: {  	v24 =	vld.idx.msk [tilespmem:v24+s2+$0x0], $0xffff;
	[tilespmem:s23+$0xFFFFFFD0] =	vst v23  }
0x12d: {  	[tilespmem:s23+$0x50] =	vst v29;
	v23 =	vld.idx.msk [tilespmem:v57+s2+$0x0], $0xffff  }
0x12e: {  	v16 =	vadd.s32 v8, v16;
	[tilespmem:s23+$0xD0] =	vst v26;
	v25 =	vld.idx.msk [tilespmem:v59+s2+$0x0], $0xffff  }
0x12f: {  	v17 =	vadd.s32 v8, v17;
	v18 =	vld.idx.msk [tilespmem:v58+s2+$0x0], $0xffff;
	[tilespmem:s23+$0xFFFFFF50] =	vst v28  }
0x130: {  	[tilespmem:s21+$0xFFFFFFF0] =	vst v30;
	v61 =	vld.idx.msk [tilespmem:v60+s2+$0x0], $0xffff  }
0x131: {  	v62 =	vor.u32 $0x7, v19;
	v21 =	vld.idx.msk [tilespmem:v21+s2+$0x0], $0xffff;
	[tilespmem:s21+$0x70] =	vst v24  }
0x132: {  	v63 =	vld.idx.msk [tilespmem:v22+s2+$0x0], $0xffff;
	[tilespmem:s23+$0xFFFFFFE0] =	vst v23  }
0x133: {  	[tilespmem:s23+$0x60] =	vst v25;
	v16 =	vld.idx.msk [tilespmem:v16+s2+$0x0], $0xffff  }
0x134: {  	[tilespmem:s23+$0xE0] =	vst v18;
	v17 =	vld.idx.msk [tilespmem:v17+s2+$0x0], $0xffff  }
0x135: {  	v18 =	vld.idx.msk [tilespmem:v20+s2+$0x0], $0xffff;
	[tilespmem:s23+$0xFFFFFF60] =	vst v61  }
0x136: {  	[tilespmem:s21+$0xF0] =	vst v21;
	v19 =	vld.idx.msk [tilespmem:v62+s2+$0x0], $0xffff  }
0x137: {  	[tilespmem:s21+$0xFFFFFF70] =	vst v63  }
0x138: {  	[tilespmem:s23+$0xFFFFFFF0] =	vst v16  }
0x139: {  	[tilespmem:s23+$0x70] =	vst v17  }
0x13a: {  	[tilespmem:s23+$0xF0] =	vst v18  }
.Ltmp5:
0x13b: {  	[tilespmem:s23+$0xFFFFFF70] =	vst v19;
	(pc) =	sbr.rel @p0 .LBB2_13-.Ltmp5, $4  }
0x13c: {  	[hbm4b:s8+s2] =	stream.linear.scatter [tilespmem:s18], [sflag:$0x1], $0x2000, $0x38;
	[tilespmem:$0x1B000] =	vst v63  }
0x13d: {  	_ =	swait.ge [sflag:s15], $0x2000  }
0x13e: {  	[sflag:s15] =	ssyncset.done $0x0  }
0x13f: {  	[sflag:s15] =	ssyncadd.s32 $0xFFFFE000  }
0x140: {  	s0 =	simm.s32 $0x0;
	s1 =	simm.s32 $0x8;
	s21 =	simm.s32 $0x18  }
0x141: {  	s22 =	simm.s32 $0x10;
	v16 =	vmov s0;
	v17 =	vmov s1;
	v18 =	vmov s21  }
0x142: {  	v19 =	vmov s22;
	v20 =	vshll.u32 v17, $0x3;
	v21 =	vshll.u32 v18, $0x3  }
0x143: {  	v17 =	vand.u32 $0x68, v17;
	v23 =	vshll.u32 v19, $0x3;
	v20 =	vand.u32 $0xC00, v20  }
0x144: {  	[tilespmem:s0], [sflag:$0x3] =	stream.linear.gather [hbm4b:s9+s0], $0x1000, $0x38;
	v19 =	vand.u32 $0x70, v19;
	v22 =	vor.u32 v17, v20;
	v17 =	vand.u32 $0xC00, v23;
	[tilespmem:$0x1B000] =	vst v63  }
0x145: {  	s26 =	sadd.s32 $0xF4280, s9;
	v20 =	vand.u32 $0xC00, v21;
	v21 =	vadd.s32 v0, v22;
	v23 =	vor.u32 v19, v17  }
0x146: {  	v18 =	vand.u32 $0x78, v18;
	[tilespmem:s14], [sflag:$0x3] =	stream.linear.gather [hbm4b:s26+s0], $0x1000, $0x38;
	v17 =	vshll.u32 v16, $0x3;
	v19 =	vadd.s32 v0, v23;
	[tilespmem:$0x1B000] =	vst v63  }
0x147: {  	_ =	swait.ge [sflag:s17], $0x2000;
	v16 =	vand.u32 $0x60, v16;
	v20 =	vor.u32 v18, v20;
	v17 =	vand.u32 $0xC00, v17  }
0x148: {  	[sflag:s17] =	ssyncset.done $0x0;
	v16 =	vor.u32 v16, v17;
	v17 =	vadd.s32 v0, v20  }
0x149: {  	[sflag:s17] =	ssyncadd.s32 $0xFFFFE000;
	v24 =	vadd.s32 v0, v16  }
0x14a: {  	v18 =	vld.idx.msk [tilespmem:v21+s2+$0x0], $0xffff  }
0x14b: {  	v21 =	vadd.s32 v2, v22;
	v19 =	vld.idx.msk [tilespmem:v19+s2+$0x0], $0xffff  }
0x14c: {  	v25 =	vadd.s32 v2, v23  }
0x14d: {  	v17 =	vld.idx.msk [tilespmem:v17+s2+$0x0], $0xffff  }
0x14e: {  	s21 =	simm.s32 $0xD100;
	v27 =	vadd.s32 v2, v20;
	v26 =	vld.idx.msk [tilespmem:v24+s2+$0x0], $0xffff  }
0x14f: {  	[tilespmem:s21+$0xFFFFFF80] =	vst v18;
	v18 =	vor.u32 $0x1, v24  }
0x150: {  	v21 =	vld.idx.msk [tilespmem:v21+s2+$0x0], $0xffff;
	[tilespmem:s21+$0x0] =	vst v19  }
0x151: {  	v19 =	vld.idx.msk [tilespmem:v25+s2+$0x0], $0xffff;
	v25 =	vadd.s32 v3, v22  }
0x152: {  	[tilespmem:s21+$0x80] =	vst v17;
	v17 =	vadd.s32 v3, v23  }
0x153: {  	[tilespmem:s21+$0xFFFFFF00] =	vst v26;
	v26 =	vld.idx.msk [tilespmem:v27+s2+$0x0], $0xffff  }
0x154: {  	v27 =	vadd.s32 v3, v20;
	v18 =	vld.idx.msk [tilespmem:v18+s2+$0x0], $0xffff  }
0x155: {  	[tilespmem:s21+$0xFFFFFF90] =	vst v21  }
0x156: {  	s28 =	simm.s32 $0x28;
	v21 =	vor.u32 $0x2, v24;
	[tilespmem:s21+$0x10] =	vst v19;
	v19 =	vld.idx.msk [tilespmem:v25+s2+$0x0], $0xffff  }
0x157: {  	v28 =	vmov s28;
	v25 =	vadd.s32 v1, v22;
	v17 =	vld.idx.msk [tilespmem:v17+s2+$0x0], $0xffff  }
0x158: {  	v29 =	vadd.s32 v1, v16;
	v16 =	vshll.u32 v28, $0x3;
	[tilespmem:s21+$0x90] =	vst v26;
	v26 =	vadd.s32 v1, v23  }
0x159: {  	v28 =	vand.u32 $0x68, v28;
	v16 =	vand.u32 $0xC00, v16;
	[tilespmem:s21+$0xFFFFFF10] =	vst v18;
	v18 =	vld.idx.msk [tilespmem:v27+s2+$0x0], $0xffff  }
0x15a: {  	s29 =	simm.s32 $0x20;
	s30 =	simm.s32 $0x30;
	v16 =	vor.u32 v28, v16;
	v27 =	vadd.s32 v1, v20  }
0x15b: {  	v30 =	vmov s29;
	v31 =	vmov s30;
	v32 =	vadd.s32 v0, v16;
	v21 =	vld.idx.msk [tilespmem:v21+s2+$0x0], $0xffff;
	[tilespmem:s21+$0xFFFFFFA0] =	vst v19  }
0x15c: {  	v33 =	vshll.u32 v31, $0x3;
	v19 =	vshll.u32 v30, $0x3;
	[tilespmem:s21+$0x20] =	vst v17;
	v25 =	vld.idx.msk [tilespmem:v25+s2+$0x0], $0xffff  }
0x15d: {  	s31 =	simm.s32 $0x38;
	v17 =	vand.u32 $0x60, v30;
	v19 =	vand.u32 $0xC00, v19;
	v30 =	vadd.s32 v4, v22;
	v26 =	vld.idx.msk [tilespmem:v26+s2+$0x0], $0xffff  }
0x15e: {  	v35 =	vadd.s32 v4, v23;
	v28 =	vmov s31;
	v34 =	vor.u32 v17, v19;
	[tilespmem:s21+$0xA0] =	vst v18  }
0x15f: {  	v17 =	vand.u32 $0x70, v31;
	v18 =	vand.u32 $0xC00, v33;
	v19 =	vadd.s32 v0, v34;
	v27 =	vld.idx.msk [tilespmem:v27+s2+$0x0], $0xffff  }
0x160: {  	v32 =	vld.idx.msk [tilespmem:v32+s2+$0x0], $0xffff;
	v31 =	vadd.s32 v4, v20;
	[tilespmem:s21+$0xFFFFFF20] =	vst v21;
	v21 =	vshll.u32 v28, $0x3;
	v17 =	vor.u32 v17, v18  }
0x161: {  	v29 =	vld.idx.msk [tilespmem:v29+s2+$0x0], $0xffff;
	v18 =	vand.u32 $0xC00, v21;
	v21 =	vand.u32 $0x78, v28;
	v28 =	vadd.s32 v0, v17;
	[tilespmem:s21+$0xFFFFFFB0] =	vst v25  }
0x162: {  	v18 =	vor.u32 v21, v18;
	v21 =	vor.u32 $0x4, v24;
	v25 =	vld.idx.msk [tilespmem:v30+s2+$0x0], $0xffff;
	[tilespmem:s21+$0x30] =	vst v26  }
0x163: {  	v26 =	vadd.s32 v0, v18;
	v30 =	vld.idx.msk [tilespmem:v35+s2+$0x0], $0xffff  }
0x164: {  	v58 =	vadd.s32 v2, v16;
	v57 =	vld.idx.msk [tilespmem:v19+s2+$0x0], $0xffff;
	[tilespmem:s21+$0xB0] =	vst v27  }
0x165: {  	v27 =	vadd.s32 v5, v22;
	v31 =	vld.idx.msk [tilespmem:v31+s2+$0x0], $0xffff  }
0x166: {  	s22 =	simm.s32 $0xD300;
	v61 =	vor.u32 $0x1, v19;
	v28 =	vld.idx.msk [tilespmem:v28+s2+$0x0], $0xffff;
	[tilespmem:s21+$0xFFFFFF30] =	vst v29  }
0x167: {  	[tilespmem:s22+$0xFFFFFF80] =	vst v32;
	v29 =	vadd.s32 v5, v23;
	v21 =	vld.idx.msk [tilespmem:v21+s2+$0x0], $0xffff  }
0x168: {  	v59 =	vadd.s32 v5, v20;
	v26 =	vld.idx.msk [tilespmem:v26+s2+$0x0], $0xffff;
	[tilespmem:s21+$0xFFFFFFC0] =	vst v25  }
0x169: {  	v36 =	vadd.s32 v2, v17;
	v25 =	vld.idx.msk [tilespmem:v58+s2+$0x0], $0xffff;
	[tilespmem:s21+$0x40] =	vst v30  }
0x16a: {  	v60 =	vor.u32 $0x5, v24;
	[tilespmem:s22+$0xFFFFFF00] =	vst v57;
	v27 =	vld.idx.msk [tilespmem:v27+s2+$0x0], $0xffff  }
0x16b: {  	v30 =	vadd.s32 v2, v18;
	v33 =	vld.idx.msk [tilespmem:v61+s2+$0x0], $0xffff;
	[tilespmem:s21+$0xC0] =	vst v31  }
0x16c: {  	v37 =	vld.idx.msk [tilespmem:v29+s2+$0x0], $0xffff;
	[tilespmem:s22+$0x0] =	vst v28;
	v28 =	vadd.s32 v7, v22  }
0x16d: {  	v63 =	vadd.s32 v7, v23;
	v31 =	vld.idx.msk [tilespmem:v59+s2+$0x0], $0xffff;
	[tilespmem:s21+$0xFFFFFF40] =	vst v21  }
0x16e: {  	v38 =	vadd.s32 v7, v20;
	v62 =	vld.idx.msk [tilespmem:v36+s2+$0x0], $0xffff;
	[tilespmem:s22+$0x80] =	vst v26  }
0x16f: {  	v39 =	vadd.s32 v3, v17;
	v26 =	vld.idx.msk [tilespmem:v60+s2+$0x0], $0xffff;
	[tilespmem:s22+$0xFFFFFF90] =	vst v25  }
0x170: {  	v41 =	vadd.s32 v3, v16;
	v40 =	vld.idx.msk [tilespmem:v30+s2+$0x0], $0xffff;
	[tilespmem:s21+$0xFFFFFFD0] =	vst v27  }
0x171: {  	v35 =	vadd.s32 v3, v18;
	v29 =	vld.idx.msk [tilespmem:v28+s2+$0x0], $0xffff;
	[tilespmem:s21+$0x50] =	vst v37  }
0x172: {  	v21 =	vadd.s32 v8, v20;
	v28 =	vld.idx.msk [tilespmem:v63+s2+$0x0], $0xffff;
	[tilespmem:s21+$0xD0] =	vst v31  }
0x173: {  	v20 =	vadd.s32 v8, v18;
	v30 =	vadd.s32 v8, v22;
	[tilespmem:s22+$0x10] =	vst v62;
	v25 =	vld.idx.msk [tilespmem:v38+s2+$0x0], $0xffff  }
0x174: {  	v22 =	vor.u32 $0x7, v24;
	v27 =	vor.u32 $0x6, v24;
	v24 =	vadd.s32 v8, v23;
	v32 =	vld.idx.msk [tilespmem:v39+s2+$0x0], $0xffff;
	[tilespmem:s21+$0xFFFFFF50] =	vst v26  }
0x175: {  	s24 =	simm.s32 $0x4;
	s25 =	simm.s32 $0x40;
	s23 =	simm.s32 $0xD300;
	v36 =	vor.u32 $0x2, v19;
	v31 =	vadd.s32 v1, v18;
	v26 =	vadd.s32 v1, v34;
	v34 =	vld.idx.msk [tilespmem:v41+s2+$0x0], $0xffff;
	[tilespmem:s22+$0x90] =	vst v40  }
.LBB2_9:
0x176: {  	v37 =	vmov s25;
	s0 =	sadd.s32 $0x8, s25;
	s1 =	sadd.s32 $0x10, s25;
	s26 =	sadd.s32 $0x18, s25;
	[tilespmem:s22+$0xFFFFFF10] =	vst v33;
	v33 =	vadd.s32 v1, v16;
	v38 =	vadd.s32 v1, v17;
	v35 =	vld.idx.msk [tilespmem:v35+s2+$0x0], $0xffff;
	v23 =	vmovc v19  }
0x177: {  	s24 =	sadd.s32 $0x4, s24;
	v19 =	vmov s0;
	v39 =	vmov s1;
	v40 =	vmov s26;
	[tilespmem:s21+$0xFFFFFFE0] =	vst v29  }
0x178: {  	v29 =	vand.u32 $0x60, v37;
	p1 =	slt.u32 s24, $0x3C;
	v41 =	vshll.u32 v19, $0x3;
	v42 =	vshll.u32 v40, $0x3;
	v30 =	vld.idx.msk [tilespmem:v30+s2+$0x0], $0xffff;
	[tilespmem:s21+$0x60] =	vst v28  }
0x179: {  	v28 =	vand.u32 $0xC00, v41;
	v41 =	vand.u32 $0x70, v39;
	v42 =	vand.u32 $0xC00, v42;
	v27 =	vld.idx.msk [tilespmem:v27+s2+$0x0], $0xffff;
	[tilespmem:s21+$0xE0] =	vst v25  }
0x17a: {  	v19 =	vand.u32 $0x68, v19;
	v25 =	vshll.u32 v37, $0x3;
	v37 =	vand.u32 $0x78, v40;
	v36 =	vld.idx.msk [tilespmem:v36+s2+$0x0], $0xffff;
	[tilespmem:s22+$0x20] =	vst v32  }
0x17b: {  	v32 =	vor.u32 v19, v28;
	v19 =	vshll.u32 v39, $0x3;
	v28 =	vor.u32 v37, v42;
	[tilespmem:s22+$0xFFFFFFA0] =	vst v34;
	v34 =	vld.idx.msk [tilespmem:v21+s2+$0x0], $0xffff  }
0x17c: {  	v25 =	vand.u32 $0xC00, v25;
	v37 =	vadd.s32 v0, v32;
	v19 =	vand.u32 $0xC00, v19;
	v21 =	vmovc v20;
	v33 =	vld.idx.msk [tilespmem:v33+s2+$0x0], $0xffff;
	[tilespmem:s22+$0xA0] =	vst v35  }
0x17d: {  	v39 =	vor.u32 v29, v25;
	v25 =	vadd.s32 v0, v28;
	v40 =	vor.u32 v41, v19;
	v29 =	vld.idx.msk [tilespmem:v38+s2+$0x0], $0xffff  }
0x17e: {  	v19 =	vadd.s32 v0, v39;
	v35 =	vadd.s32 v4, v16;
	[tilespmem:s21+$0xFFFFFFF0] =	vst v30;
	v24 =	vld.idx.msk [tilespmem:v24+s2+$0x0], $0xffff  }
0x17f: {  	v20 =	vadd.s32 v8, v28;
	v30 =	vadd.s32 v4, v17;
	v31 =	vld.idx.msk [tilespmem:v31+s2+$0x0], $0xffff;
	[tilespmem:s21+$0xFFFFFF60] =	vst v27  }
0x180: {  	[tilespmem:s22+$0xFFFFFF20] =	vst v36;
	v22 =	vld.idx.msk [tilespmem:v22+s2+$0x0], $0xffff  }
0x181: {  	v27 =	vadd.s32 v0, v40;
	v36 =	vadd.s32 v4, v18;
	v26 =	vld.idx.msk [tilespmem:v26+s2+$0x0], $0xffff;
	[tilespmem:s21+$0xF0] =	vst v34  }
0x182: {  	v34 =	vld.idx.msk [tilespmem:v37+s2+$0x0], $0xffff;
	[tilespmem:s22+$0xFFFFFFB0] =	vst v33  }
0x183: {  	v33 =	vor.u32 $0x4, v23;
	v35 =	vld.idx.msk [tilespmem:v35+s2+$0x0], $0xffff;
	[tilespmem:s22+$0x30] =	vst v29  }
0x184: {  	s22 =	sadd.s32 $0x200, s22;
	v29 =	vld.idx.msk [tilespmem:v30+s2+$0x0], $0xffff;
	[tilespmem:s21+$0x70] =	vst v24  }
0x185: {  	v30 =	vadd.s32 v2, v32;
	v24 =	vld.idx.msk [tilespmem:v19+s2+$0x0], $0xffff;
	[tilespmem:s23+$0xB0] =	vst v31  }
0x186: {  	v31 =	vadd.s32 v5, v16;
	v36 =	vld.idx.msk [tilespmem:v36+s2+$0x0], $0xffff;
	[tilespmem:s21+$0xFFFFFF70] =	vst v22;
	s21 =	smov.u32 s23;
	s23 =	smov.u32 s22  }
0x187: {  	v22 =	vld.idx.msk [tilespmem:v27+s2+$0x0], $0xffff;
	[tilespmem:s21+$0xFFFFFF30] =	vst v26;
	v26 =	vadd.s32 v5, v17  }
0x188: {  	[tilespmem:s22+$0xFFFFFF80] =	vst v34;
	v27 =	vld.idx.msk [tilespmem:v33+s2+$0x0], $0xffff;
	v33 =	vadd.s32 v5, v18  }
0x189: {  	v34 =	vadd.s32 v2, v40;
	v25 =	vld.idx.msk [tilespmem:v25+s2+$0x0], $0xffff;
	[tilespmem:s21+$0xFFFFFFC0] =	vst v35  }
0x18a: {  	v35 =	vor.u32 $0x5, v23;
	v30 =	vld.idx.msk [tilespmem:v30+s2+$0x0], $0xffff;
	[tilespmem:s21+$0x40] =	vst v29  }
0x18b: {  	[tilespmem:s22+$0xFFFFFF00] =	vst v24;
	v24 =	vadd.s32 v2, v28;
	v29 =	vld.idx.msk [tilespmem:v31+s2+$0x0], $0xffff  }
0x18c: {  	v31 =	vor.u32 $0x1, v19;
	v26 =	vld.idx.msk [tilespmem:v26+s2+$0x0], $0xffff;
	[tilespmem:s21+$0xC0] =	vst v36  }
0x18d: {  	[tilespmem:s22+$0x0] =	vst v22;
	v22 =	vadd.s32 v7, v16;
	v36 =	vld.idx.msk [tilespmem:v33+s2+$0x0], $0xffff  }
0x18e: {  	v34 =	vld.idx.msk [tilespmem:v34+s2+$0x0], $0xffff;
	[tilespmem:s21+$0xFFFFFF40] =	vst v27;
	v27 =	vadd.s32 v7, v17  }
0x18f: {  	[tilespmem:s22+$0x80] =	vst v25;
	v37 =	vld.idx.msk [tilespmem:v35+s2+$0x0], $0xffff;
	v25 =	vadd.s32 v7, v18;
	v18 =	vmov v28  }
0x190: {  	v38 =	vadd.s32 v3, v40;
	[tilespmem:s22+$0xFFFFFF90] =	vst v30;
	v41 =	vld.idx.msk [tilespmem:v24+s2+$0x0], $0xffff  }
0x191: {  	v33 =	vld.idx.msk [tilespmem:v31+s2+$0x0], $0xffff;
	v31 =	vadd.s32 v3, v32;
	[tilespmem:s21+$0xFFFFFFD0] =	vst v29  }
.Ltmp6:
0x192: {  	v35 =	vadd.s32 v3, v18;
	v29 =	vld.idx.msk [tilespmem:v22+s2+$0x0], $0xffff;
	[tilespmem:s21+$0x50] =	vst v26;
	(pc) =	sbr.rel @p1 .LBB2_9-.Ltmp6, $4  }
0x193: {  	v28 =	vld.idx.msk [tilespmem:v27+s2+$0x0], $0xffff;
	[tilespmem:s21+$0xD0] =	vst v36  }
0x194: {  	v30 =	vadd.s32 v8, v16;
	v16 =	vmov v32;
	[tilespmem:s22+$0x10] =	vst v34;
	v25 =	vld.idx.msk [tilespmem:v25+s2+$0x0], $0xffff  }
0x195: {  	v24 =	vadd.s32 v8, v17;
	v17 =	vmovc v40;
	v22 =	vor.u32 $0x7, v23;
	v27 =	vor.u32 $0x6, v23;
	v32 =	vld.idx.msk [tilespmem:v38+s2+$0x0], $0xffff;
	[tilespmem:s21+$0xFFFFFF50] =	vst v37  }
0x196: {  	s25 =	sadd.s32 $0x20, s25;
	v26 =	vadd.s32 v1, v39;
	v36 =	vor.u32 $0x2, v19;
	v34 =	vld.idx.msk [tilespmem:v31+s2+$0x0], $0xffff;
	[tilespmem:s22+$0x90] =	vst v41;
	v31 =	vadd.s32 v1, v18  }
0x197: {  	_ =	sdelay $0x2  }
0x198: {  	v23 =	vadd.s32 v1, v16  }
0x199: {  	v35 =	vld.idx.msk [tilespmem:v35+s2+$0x0], $0xffff;
	[tilespmem:s22+$0xFFFFFF10] =	vst v33;
	v48 =	vadd.s32 v1, v17  }
0x19a: {  	v36 =	vld.idx.msk [tilespmem:v36+s2+$0x0], $0xffff;
	_ =	sdelay $0x1  }
0x19b: {  	[tilespmem:s22+$0xFFFFFFA0] =	vst v34  }
0x19c: {  	[tilespmem:s22+$0x20] =	vst v32;
	v23 =	vld.idx.msk [tilespmem:v23+s2+$0x0], $0xffff  }
0x19d: {  	v49 =	vadd.s32 v4, v16;
	[tilespmem:s22+$0xA0] =	vst v35;
	v33 =	vld.idx.msk [tilespmem:v48+s2+$0x0], $0xffff  }
0x19e: {  	v51 =	vadd.s32 v4, v17;
	v31 =	vld.idx.msk [tilespmem:v31+s2+$0x0], $0xffff;
	[tilespmem:s22+$0xFFFFFF20] =	vst v36  }
0x19f: {  	v50 =	vadd.s32 v4, v18;
	v26 =	vld.idx.msk [tilespmem:v26+s2+$0x0], $0xffff  }
0x1a0: {  	v52 =	vor.u32 $0x4, v19  }
0x1a1: {  	[tilespmem:s22+$0xFFFFFFB0] =	vst v23  }
0x1a2: {  	[tilespmem:s22+$0x30] =	vst v33;
	v23 =	vld.idx.msk [tilespmem:v49+s2+$0x0], $0xffff  }
0x1a3: {  	v53 =	vadd.s32 v5, v16;
	[tilespmem:s23+$0xB0] =	vst v31;
	v33 =	vld.idx.msk [tilespmem:v51+s2+$0x0], $0xffff  }
0x1a4: {  	v56 =	vadd.s32 v5, v17;
	v54 =	vld.idx.msk [tilespmem:v50+s2+$0x0], $0xffff;
	[tilespmem:s23+$0xFFFFFF30] =	vst v26  }
0x1a5: {  	v55 =	vadd.s32 v5, v18;
	[tilespmem:s21+$0xFFFFFFE0] =	vst v29;
	v57 =	vld.idx.msk [tilespmem:v52+s2+$0x0], $0xffff  }
0x1a6: {  	v58 =	vor.u32 $0x5, v19;
	[tilespmem:s21+$0x60] =	vst v28  }
0x1a7: {  	v27 =	vld.idx.msk [tilespmem:v27+s2+$0x0], $0xffff;
	[tilespmem:s23+$0xFFFFFFC0] =	vst v23  }
0x1a8: {  	[tilespmem:s23+$0x40] =	vst v33;
	v23 =	vld.idx.msk [tilespmem:v53+s2+$0x0], $0xffff  }
0x1a9: {  	v59 =	vadd.s32 v7, v16;
	[tilespmem:s23+$0xC0] =	vst v54;
	v29 =	vld.idx.msk [tilespmem:v56+s2+$0x0], $0xffff  }
0x1aa: {  	v60 =	vadd.s32 v7, v17;
	v26 =	vld.idx.msk [tilespmem:v55+s2+$0x0], $0xffff;
	[tilespmem:s23+$0xFFFFFF40] =	vst v57  }
0x1ab: {  	v18 =	vadd.s32 v7, v18;
	[tilespmem:s21+$0xE0] =	vst v25;
	v28 =	vld.idx.msk [tilespmem:v58+s2+$0x0], $0xffff  }
0x1ac: {  	v61 =	vor.u32 $0x6, v19;
	v30 =	vld.idx.msk [tilespmem:v30+s2+$0x0], $0xffff;
	[tilespmem:s21+$0xFFFFFF60] =	vst v27  }
0x1ad: {  	v24 =	vld.idx.msk [tilespmem:v24+s2+$0x0], $0xffff;
	[tilespmem:s23+$0xFFFFFFD0] =	vst v23  }
0x1ae: {  	[tilespmem:s23+$0x50] =	vst v29;
	v23 =	vld.idx.msk [tilespmem:v59+s2+$0x0], $0xffff  }
0x1af: {  	v16 =	vadd.s32 v8, v16;
	[tilespmem:s23+$0xD0] =	vst v26;
	v25 =	vld.idx.msk [tilespmem:v60+s2+$0x0], $0xffff  }
0x1b0: {  	v17 =	vadd.s32 v8, v17;
	v18 =	vld.idx.msk [tilespmem:v18+s2+$0x0], $0xffff;
	[tilespmem:s23+$0xFFFFFF50] =	vst v28  }
0x1b1: {  	[tilespmem:s21+$0xFFFFFFF0] =	vst v30;
	v62 =	vld.idx.msk [tilespmem:v61+s2+$0x0], $0xffff  }
0x1b2: {  	v19 =	vor.u32 $0x7, v19;
	v21 =	vld.idx.msk [tilespmem:v21+s2+$0x0], $0xffff;
	[tilespmem:s21+$0x70] =	vst v24  }
0x1b3: {  	v63 =	vld.idx.msk [tilespmem:v22+s2+$0x0], $0xffff;
	[tilespmem:s23+$0xFFFFFFE0] =	vst v23  }
0x1b4: {  	[tilespmem:s23+$0x60] =	vst v25;
	v16 =	vld.idx.msk [tilespmem:v16+s2+$0x0], $0xffff  }
0x1b5: {  	[tilespmem:s23+$0xE0] =	vst v18;
	v17 =	vld.idx.msk [tilespmem:v17+s2+$0x0], $0xffff  }
0x1b6: {  	v18 =	vld.idx.msk [tilespmem:v20+s2+$0x0], $0xffff;
	[tilespmem:s23+$0xFFFFFF60] =	vst v62  }
0x1b7: {  	[tilespmem:s21+$0xF0] =	vst v21;
	v19 =	vld.idx.msk [tilespmem:v19+s2+$0x0], $0xffff  }
0x1b8: {  	[tilespmem:s21+$0xFFFFFF70] =	vst v63  }
0x1b9: {  	[tilespmem:s23+$0xFFFFFFF0] =	vst v16  }
0x1ba: {  	[tilespmem:s23+$0x70] =	vst v17  }
0x1bb: {  	[tilespmem:s23+$0xF0] =	vst v18  }
0x1bc: {  	s0 =	simm.s32 $0x0;
	[tilespmem:s23+$0xFFFFFF70] =	vst v19  }
0x1bd: {  	[hbm4b:s10+s0] =	stream.linear.scatter [tilespmem:s18], [sflag:$0x1], $0x2000, $0x38;
	[tilespmem:$0x1B000] =	vst v63  }
0x1be: {  	_ =	swait.ge [sflag:s15], $0x2000  }
0x1bf: {  	[sflag:s15] =	ssyncset.done $0x0  }
0x1c0: {  	[sflag:s15] =	ssyncadd.s32 $0xFFFFE000  }
0x1c1: {  	[tilespmem:s19], [sflag:$0x3] =	stream.linear.gather [hbm4b:s4+s0], $0x2000, $0x38;
	[tilespmem:$0x1B000] =	vst v63  }
0x1c2: {  	_ =	swait.ge [sflag:s17], $0x2000  }
0x1c3: {  	[sflag:s17] =	ssyncset.done $0x0  }
0x1c4: {  	s31 =	simm.s32 $0x0;
	s21 =	simm.s32 $0x19200;
	[sflag:s17] =	ssyncadd.s32 $0xFFFFE000  }
0x1c5: {  	v17 =	vor.u32 s31, v6;
	v16 =	vld [tilespmem:s21+$0xFFFFFE00];
	_ =	sdelay $0x4  }
0x1c6: {  	[tilespmem:v17+s18+$0x0] =	vst.idx.msk $0xffff, v16  }
0x1c7: {  	v17 =	vor.u32 s31, v9;
	v16 =	vld [tilespmem:s21+$0xFFFFFE80];
	_ =	sdelay $0x4  }
0x1c8: {  	[tilespmem:v17+s18+$0x0] =	vst.idx.msk $0xffff, v16  }
0x1c9: {  	v17 =	vor.u32 s31, v10;
	v16 =	vld [tilespmem:s21+$0xFFFFFF00];
	_ =	sdelay $0x4  }
0x1ca: {  	[tilespmem:v17+s18+$0x0] =	vst.idx.msk $0xffff, v16  }
0x1cb: {  	v17 =	vor.u32 s31, v11;
	v16 =	vld [tilespmem:s21+$0xFFFFFF80];
	_ =	sdelay $0x4  }
0x1cc: {  	[tilespmem:v17+s18+$0x0] =	vst.idx.msk $0xffff, v16  }
0x1cd: {  	v17 =	vor.u32 s31, v12;
	v16 =	vld [tilespmem:s21+$0x0];
	_ =	sdelay $0x4  }
0x1ce: {  	[tilespmem:v17+s18+$0x0] =	vst.idx.msk $0xffff, v16  }
0x1cf: {  	v17 =	vor.u32 s31, v13;
	v16 =	vld [tilespmem:s21+$0x80];
	_ =	sdelay $0x4  }
0x1d0: {  	[tilespmem:v17+s18+$0x0] =	vst.idx.msk $0xffff, v16  }
0x1d1: {  	v17 =	vor.u32 s31, v14;
	v16 =	vld [tilespmem:s21+$0x100];
	_ =	sdelay $0x4  }
0x1d2: {  	[tilespmem:v17+s18+$0x0] =	vst.idx.msk $0xffff, v16  }
0x1d3: {  	v17 =	vor.u32 s31, v15;
	v16 =	vld [tilespmem:s21+$0x180];
	_ =	sdelay $0x3  }
0x1d4: {  	s22 =	simm.s32 $0x0;
	s23 =	simm.s32 $0x1  }
.LBB2_11:
0x1d5: {  	s24 =	sshll.u32 s23, $0x7;
	s22 =	sadd.s32 $0x8, s22;
	[tilespmem:v17+s18+$0x0] =	vst.idx.msk $0xffff, v16;
	s21 =	sadd.s32 $0x400, s21  }
0x1d6: {  	v16 =	vld [tilespmem:s21+$0xFFFFFE00];
	v17 =	vor.u32 s24, v6;
	p1 =	slt.u32 s22, $0x38;
	_ =	sdelay $0x4  }
0x1d7: {  	[tilespmem:v17+s18+$0x0] =	vst.idx.msk $0xffff, v16  }
0x1d8: {  	v17 =	vor.u32 s24, v9;
	v16 =	vld [tilespmem:s21+$0xFFFFFE80];
	_ =	sdelay $0x4  }
0x1d9: {  	[tilespmem:v17+s18+$0x0] =	vst.idx.msk $0xffff, v16  }
0x1da: {  	v17 =	vor.u32 s24, v10;
	v16 =	vld [tilespmem:s21+$0xFFFFFF00];
	_ =	sdelay $0x4  }
0x1db: {  	[tilespmem:v17+s18+$0x0] =	vst.idx.msk $0xffff, v16  }
0x1dc: {  	v17 =	vor.u32 s24, v11;
	v16 =	vld [tilespmem:s21+$0xFFFFFF80];
	_ =	sdelay $0x4  }
0x1dd: {  	[tilespmem:v17+s18+$0x0] =	vst.idx.msk $0xffff, v16  }
0x1de: {  	v17 =	vor.u32 s24, v12;
	v16 =	vld [tilespmem:s21+$0x0];
	_ =	sdelay $0x4  }
0x1df: {  	[tilespmem:v17+s18+$0x0] =	vst.idx.msk $0xffff, v16  }
0x1e0: {  	v17 =	vor.u32 s24, v13;
	v16 =	vld [tilespmem:s21+$0x80];
	_ =	sdelay $0x4  }
0x1e1: {  	[tilespmem:v17+s18+$0x0] =	vst.idx.msk $0xffff, v16  }
0x1e2: {  	v17 =	vor.u32 s24, v14;
	v16 =	vld [tilespmem:s21+$0x100];
	_ =	sdelay $0x4  }
0x1e3: {  	[tilespmem:v17+s18+$0x0] =	vst.idx.msk $0xffff, v16  }
.Ltmp7:
0x1e4: {  	v17 =	vor.u32 s24, v15;
	v16 =	vld [tilespmem:s21+$0x180];
	(pc) =	sbr.rel @p1 .LBB2_11-.Ltmp7, $2  }
0x1e5: {  	_ =	sdelay $0x2  }
0x1e6: {  	s23 =	sadd.s32 $0x1, s23  }
0x1e7: {  	_ =	sdelay $0x3  }
.Ltmp8:
0x1e8: {  	[tilespmem:v17+s18+$0x0] =	vst.idx.msk $0xffff, v16;
	(pc) =	sbr.rel .LBB2_13-.Ltmp8, $4  }
0x1e9: {  	[hbm4b:s11+s2] =	stream.linear.scatter [tilespmem:s18], [sflag:$0x3], $0x400, $0x38;
	[tilespmem:$0x1B000] =	vst v63  }
0x1ea: {  	_ =	swait.ge [sflag:s17], $0x400  }
0x1eb: {  	[sflag:s17] =	ssyncset.done $0x0  }
0x1ec: {  	[sflag:s17] =	ssyncadd.s32 $0xFFFFFC00  }
.LBB2_14:
0x1ed: {  	_ =	sfence.sel $0x180000  }
0x1ee: {  	[bflag:$0x0] =	sbarrier.arrive $0xFFFF  }
0x1ef: {  	_ =	strace $0x90000047  }
0x1f0: {  	s0 =	stileid.u32;
	[bflag:$0x2] =	sbarrier.arrive $0xFFFF  }
0x1f1: {  	p0 =	sne.s32 s0, $0x0;
	s0 =	rddreg [dreg:$0x2]  }
0x1f2: {  	s0 =	sadd.s32 @!p0 $0x100000, s0  }
0x1f3: {  	[sflag:s0] =	ssyncadd.tile.s32 @!p0 $0x1;
	_ =	shalt  }
.Lfunc_end2:
_tile_overlayer_lowered:
.L_overlay_start_2:
0x1f4: {  	(tag) =	ssettag $0x2  }
0x1f5: {  	s0 =	rddreg [dreg:$0x0];
	s2 =	stileid.u32  }
0x1f6: {  	s1 =	rddreg [dreg:$0x1];
	p0 =	sne.s32 s2, $0x0  }
0x1f7: {  	s3 =	rddreg [dreg:$0x2];
	[bflag:$0x3] =	sbarrier.arrive $0xFFFF;
	s2 =	simm.s32 @!p0 $0x1C03  }
0x1f8: {  	[timem:s3], [sflag:s2] =	dma.local @!p0 [hbm:s0], s1  }
0x1f9: {  	s0 =	simm.s32 @!p0 $0x3  }
0x1fa: {  	_ =	swait.ge @!p0 [sflag:s0], s1  }
0x1fb: {  	s1 =	ssub.s32 @!p0 $0x0, s1;
	[sflag:s0] =	ssyncset.done @!p0 $0x0  }
0x1fc: {  	[sflag:s0] =	ssyncadd.s32 @!p0 s1  }
0x1fd: {  	[bflag:$0x3] =	sbarrier.arrive $0xFFFF  }
0x1fe: {  	_ =	shalt  }

// kernel: _embed.7.cloned.1.call-start
scs
__scs_entry_jumppad:
0x0: {  	(pc) =	sbr.rel $0x88, $3  }
0x1: {  	(tag) =	ssettag $0x0;
	lr =	simm.s32 $0x1  }
0x2: {  	[smem:$0x3F9E] =	sst lr;
	_ =	strace $0xD0000000  }
0x3: {  	_ = 	snop  }
0x4: {  	_ = 	snop  }
0x5: {  	_ = 	snop  }
0x6: {  	_ = 	snop  }
0x7: {  	_ = 	snop  }
__scs_overlays_trampoline_lowered:
0x8: {  	[smem:$0x3FAD] =	sst s0  }
0x9: {  	[smem:$0x3FAE] =	sst s1  }
0xa: {  	[smem:$0x3FAF] =	sst s2  }
0xb: {  	[smem:$0x3FB0] =	sst s3  }
0xc: {  	[smem:$0x3FB1] =	sst s4  }
0xd: {  	[smem:$0x3FB2] =	sst s5  }
0xe: {  	[smem:$0x3FB3] =	sst s6  }
0xf: {  	[smem:$0x3FB4] =	sst s7  }
0x10: {  	[smem:$0x3FB5] =	sst s8  }
0x11: {  	[smem:$0x3FB6] =	sst s9;
	s0 =	simm.s32 @!p0 $0x0  }
0x12: {  	s1 =	sld [smem:$0x3F9C];
	s0 =	simm.s32 @p0 $0x1  }
0x13: {  	[smem:$0x3FB7] =	sst s0;
	s0 =	simm.s32 @!p1 $0x0  }
0x14: {  	s2 =	sld [smem:$0x3F9B];
	s0 =	simm.s32 @p1 $0x1  }
0x15: {  	[smem:$0x3FB8] =	sst s0;
	s0 =	simm.s32 @!p2 $0x0  }
0x16: {  	s3 =	sld [smem:$0x3FDB];
	s0 =	simm.s32 @p2 $0x1  }
0x17: {  	s4 =	simm.s32 $0x1BF5;
	[smem:$0x3FBA] =	sst s0  }
0x18: {  	s0 =	sld [smem:$0x3F9D];
	_ =	swait.ge [sflag:s4], $0x0  }
0x19: {  	s7 =	sld [smem:$0x3F9E]  }
0x1a: {  	s8 =	sadd.s32 $0xFFFFE003, lr  }
0x1b: {  	s9 =	sadd.s32 $0xFFFFFEF7, lr;
	s5 =	simm.s32 $0xFFFFFFFF;
	p2 =	slt.u32 s8, $0xFFFFF086  }
0x1c: {  	p1 =	slt.u32 s9, $0xF7A;
	s5 =	simm.s32 @!p2 $0x0  }
0x1d: {  	s5 =	simm.s32 @p1 $0x1;
	p0 =	seq.s32 s7, s2  }
0x1e: {  	s7 =	smul.u32 @!p0 $0xF7A, s2;
	p2 =	seq.s32 @!p0 s5, $0x0  }
0x1f: {  	s9 =	smul.u32 $0xF7A, s1;
	s8 =	simm.s32 @!p0 $0x1BF5;
	p2 =	por !p2, p0  }
0x20: {  	[sflag:s8] =	ssyncset.s32 @!p0 $0xFFFFF086;
	s6 =	sadd.s32 @!p0 s3, s7;
	s7 =	simm.s32 @!p0 $0x108  }
0x21: {  	s3 =	sadd.s32 s3, s9;
	s6 =	sadd.s32 @!p0 $0x88, s6;
	s7 =	simm.s32 @p2 $0x1082  }
0x22: {  	[simem:s7], [sflag:s8] =	dma.local @!p0 [hbm:s6], $0xF7A  }
0x23: {  	s9 =	sor.u32 $0xD0000000, s2;
	s6 =	simm.s32 $0x108;
	_ =	swait.ge @!p0 [sflag:s8], $0x0  }
0x24: {  	s3 =	sadd.s32 $0x88, s3;
	s6 =	simm.s32 @!p1 $0x1082;
	[sflag:s4] =	ssyncset.s32 $0xFFFFF086  }
0x25: {  	[simem:s6], [sflag:s4] =	dma.local [hbm:s3], $0xF7A  }
0x26: {  	[smem:$0x3F9E] =	sst s1;
	(tag) =	ssettag s2;
	_ =	strace s9  }
0x27: {  	s1 =	sld [smem:$0x3FAE]  }
0x28: {  	s2 =	sld [smem:$0x3FAF]  }
0x29: {  	s4 =	sld [smem:$0x3FB1]  }
0x2a: {  	p0 =	seq.s32 s5, $0x0;
	s5 =	sld [smem:$0x3FB2]  }
0x2b: {  	s6 =	sld [smem:$0x3FB3]  }
0x2c: {  	s7 =	sld [smem:$0x3FB4]  }
0x2d: {  	s3 =	simm.s32 $0x108;
	s8 =	sld [smem:$0x3FB5]  }
0x2e: {  	s3 =	simm.s32 @!p0 $0x1082;
	s9 =	sld [smem:$0x3FB6]  }
0x2f: {  	lr =	sadd.s32 s0, s3;
	s0 =	sld [smem:$0x3FAD]  }
0x30: {  	s3 =	sld [smem:$0x3FB0]  }
0x31: {  	[smem:$0x3FB9] =	sst s10  }
0x32: {  	s10 =	sld [smem:$0x3FB7];
	_ =	sdelay $0x3  }
0x33: {  	p0 =	seq.s32 s10, $0x1;
	s10 =	sld [smem:$0x3FB9];
	_ =	sdelay $0x3  }
0x34: {  	[smem:$0x3FB9] =	sst s10  }
0x35: {  	s10 =	sld [smem:$0x3FB8];
	_ =	sdelay $0x3  }
0x36: {  	p1 =	seq.s32 s10, $0x1;
	s10 =	sld [smem:$0x3FB9];
	_ =	sdelay $0x3  }
0x37: {  	[smem:$0x3FB9] =	sst s10  }
0x38: {  	s10 =	sld [smem:$0x3FBA]  }
0x39: {  	_ = 	snop;
	(pc) =	sbr.ind lr, $3  }
0x3a: {  	_ = 	snop  }
0x3b: {  	_ = 	snop  }
0x3c: {  	p2 =	seq.s32 s10, $0x1;
	s10 =	sld [smem:$0x3FB9]  }
0x3d: {  	_ =	shalt  }
0x3e: {  	_ =	shalt  }
0x3f: {  	_ =	shalt  }
0x40: {  	_ =	shalt  }
0x41: {  	_ =	shalt  }
0x42: {  	_ =	shalt  }
0x43: {  	_ =	shalt  }
0x44: {  	_ =	shalt  }
0x45: {  	_ =	shalt  }
0x46: {  	_ =	shalt  }
0x47: {  	_ =	shalt  }
0x48: {  	_ =	shalt  }
0x49: {  	_ =	shalt  }
0x4a: {  	_ =	shalt  }
0x4b: {  	_ =	shalt  }
0x4c: {  	_ =	shalt  }
0x4d: {  	_ =	shalt  }
0x4e: {  	_ =	shalt  }
0x4f: {  	_ =	shalt  }
0x50: {  	_ =	shalt  }
0x51: {  	_ =	shalt  }
0x52: {  	_ =	shalt  }
0x53: {  	_ =	shalt  }
0x54: {  	_ =	shalt  }
0x55: {  	_ =	shalt  }
0x56: {  	_ =	shalt  }
0x57: {  	_ =	shalt  }
0x58: {  	_ =	shalt  }
0x59: {  	_ =	shalt  }
0x5a: {  	_ =	shalt  }
0x5b: {  	_ =	shalt  }
0x5c: {  	_ =	shalt  }
0x5d: {  	_ =	shalt  }
0x5e: {  	_ =	shalt  }
0x5f: {  	_ =	shalt  }
0x60: {  	_ =	shalt  }
0x61: {  	_ =	shalt  }
0x62: {  	_ =	shalt  }
0x63: {  	_ =	shalt  }
0x64: {  	_ =	shalt  }
0x65: {  	_ =	shalt  }
0x66: {  	_ =	shalt  }
0x67: {  	_ =	shalt  }
0x68: {  	_ =	shalt  }
0x69: {  	_ =	shalt  }
0x6a: {  	_ =	shalt  }
0x6b: {  	_ =	shalt  }
0x6c: {  	_ =	shalt  }
0x6d: {  	_ =	shalt  }
0x6e: {  	_ =	shalt  }
0x6f: {  	_ =	shalt  }
0x70: {  	_ =	shalt  }
0x71: {  	_ =	shalt  }
0x72: {  	_ =	shalt  }
0x73: {  	_ =	shalt  }
0x74: {  	_ =	shalt  }
0x75: {  	_ =	shalt  }
0x76: {  	_ =	shalt  }
0x77: {  	_ =	shalt  }
0x78: {  	_ =	shalt  }
0x79: {  	_ =	shalt  }
0x7a: {  	_ =	shalt  }
0x7b: {  	_ =	shalt  }
0x7c: {  	_ =	shalt  }
0x7d: {  	_ =	shalt  }
0x7e: {  	_ =	shalt  }
0x7f: {  	_ =	shalt  }
0x80: {  	_ =	shalt  }
0x81: {  	_ =	shalt  }
0x82: {  	_ =	shalt  }
0x83: {  	_ =	shalt  }
0x84: {  	_ =	shalt  }
0x85: {  	_ =	shalt  }
0x86: {  	_ =	shalt  }
0x87: {  	_ =	shalt  }
.Lfunc_end0:
.L_simem_size_0:
called_computation.1_lowered:
.L_overlay_start_0:
0x88: {  	s2 =	sld [smem:$0x3FD9]  }
0x89: {  	s3 =	sld [smem:$0x3FFE];
	_ =	sdelay $0x1  }
0x8a: {  	s1 =	srdreg.scid  }
0x8b: {  	s0 =	sand.u32 $0x1, s1  }
0x8c: {  	s17 =	sshll.u32 s0, $0xA;
	s2 =	sadd.s32 s3, s2  }
0x8d: {  	s2 =	sadd.s32 s2, s17  }
0x8e: {  	[smem:$0x3FC5] =	sst s2  }
0x8f: {  	_ = 	snop  }
0x90: {  	s2 =	sld [smem:$0x3FD0];
	(tm) =	ssettm $0x1  }
0x91: {  	s18 =	sld [smem:$0x3FFB];
	_ =	sdelay $0x3  }
0x92: {  	_ =	strace s18  }
0x93: {  	s3 =	sld [smem:$0x3FFC];
	_ =	sdelay $0x3  }
0x94: {  	_ =	strace s3  }
0x95: {  	s3 =	sld [smem:$0x3FFD];
	_ =	sdelay $0x3  }
0x96: {  	_ =	strace s3  }
0x97: {  	_ =	strace $0x8FFFFFFF  }
0x98: {  	s19 =	sld [smem:$0x3FDB];
	_ =	sdelay $0x1  }
0x99: {  	s4 =	simm.s32 $_scs_section_size  }
0x9a: {  	s5 =	simm.s32 $_size__tile_overlayer_lowered;
	s6 =	simm.s32 $_tile_overlayer_lowered  }
0x9b: {  	s22 =	simm.s32 $0x1BFF;
	s21 =	sshll.u32 s6, $0x1;
	s3 =	sadd.s32 s4, s19  }
0x9c: {  	s7 =	simm.s32 $0x0;
	s20 =	sshll.u32 s5, $0x1;
	s5 =	sadd.s32 s21, s3  }
0x9d: {  	[timem:s7], [sflag:s22] =	dma.local [hbm:s5], s20  }
0x9e: {  	_ =	swait.ge [sflag:s22], s20  }
0x9f: {  	s4 =	ssub.s32 $0x0, s20;
	[sflag:s22] =	ssyncset.done $0x0  }
0xa0: {  	[sflag:s22] =	ssyncadd.s32 s4;
	_ =	sdelay $0x1  }
0xa1: {  	s23 =	simm.s32 $0x1B8B  }
0xa2: {  	_ =	swait.ge [sflag:s23], $0x1  }
0xa3: {  	[sflag:s23] =	ssyncset.done $0x0  }
0xa4: {  	s25 =	simm.s32 $0x1B8E;
	s24 =	sld [smem:$0x3FFE];
	[sflag:s23] =	ssyncadd.s32 $0xFFFFFFFF  }
0xa5: {  	s26 =	simm.s32 $execute0_lowered;
	[smem:$0x3FD2] =	sst s25  }
0xa6: {  	s5 =	sshll.u32 s26, $0x1;
	_ =	strace $0x80000049;
	[dreg:$0x1] =	wrdreg $0xFFFFFFFF  }
0xa7: {  	s28 =	simm.s32 $_size_execute0_lowered;
	s3 =	sadd.s32 s3, s5;
	[dreg:$0x0] =	wrdreg $0x0  }
0xa8: {  	s5 =	sshll.u32 s28, $0x1;
	[dreg:$0x2] =	wrdreg s3  }
0xa9: {  	[dreg:$0x3] =	wrdreg s5  }
0xaa: {  	[dreg:$0x4] =	wrdreg $0xC0  }
0xab: {  	_ =	task [dreg:s7], $0x5FFFF  }
0xac: {  	[dreg:$0x1] =	wrdreg $0xFFFFFFFF  }
0xad: {  	[dreg:$0x0] =	wrdreg $0x60  }
0xae: {  	[dreg:$0x2] =	wrdreg s2  }
0xaf: {  	[dreg:$0x3] =	wrdreg s24  }
0xb0: {  	[dreg:$0x4] =	wrdreg $0x9  }
0xb1: {  	_ =	task.clear_ibuf [dreg:s7], $0x5FFFF;
	_ =	strace $0x90000049  }
0xb2: {  	s29 =	simm.s32 $0x9;
	_ =	strace $0x8000004B  }
0xb3: {  	_ =	swait.ge [sflag:s29], $0x1  }
0xb4: {  	[sflag:s29] =	ssyncadd.s32 $0xFFFFFFFF  }
0xb5: {  	_ =	strace $0x9000004B  }
0xb6: {  	_ =	sfence  }
0xb7: {  	s30 =	sld [smem:$0x0];
	_ =	sdelay $0x2  }
0xb8: {  	s31 =	sshll.u32 s1, $0xD;
	s1 =	sshrl.u32 s1, $0x2  }
0xb9: {  	s3 =	sand.u32 $0x4000, s31;
	s1 =	sadd.s32 s1, s30  }
0xba: {  	s0 =	sor.u32 s3, s0;
	s1 =	sshll.u32 s1, $0x11  }
0xbb: {  	s0 =	sor.u32 s1, s0  }
0xbc: {  	s0 =	sadd.s32 $0x8F2B, s0  }
0xbd: {  	[sflag:s0] =	ssyncadd.remote.s32 $0x1  }
0xbe: {  	_ =	sfence.sel $0xFFFF  }
0xbf: {  	[dreg:$0x0] =	wrdreg $0xFFFFFFFF;
	(pc) =	sbr.abs _section_cstart, $3  }
0xc0: {  	[dreg:$0x1] =	wrdreg $0xFFFFFFFF  }
0xc1: {  	_ =	task.clear_ibuf [dreg:s7], $0x2FFFF;
	_ =	strace $0x9FFFFFFF  }
0xc2: {  	(tm) =	ssettm $0x7FFFFFFF  }
0xc3: {  	_ =	shalt  }
tec
execute0_lowered:
.L_overlay_start_1:
0x0: {  	(tag) =	ssettag $0x1  }
0x1: {  	s0 =	rddreg [dreg:$0x0]  }
0x2: {  	s1 =	rddreg [dreg:$0x1];
	s2 =	simm.s32 $0x0  }
0x3: {  	s3 =	srdreg.scid;
	s5 =	stileid.u32;
	s9 =	simm.s32 $0x2  }
0x4: {  	s11 =	simm.s32 $0x68;
	s15 =	simm.s32 $0x9480;
	s23 =	simm.s32 $0xA180  }
0x5: {  	s12 =	simm.s32 $0xA800;
	s14 =	simm.s32 $0xAE80;
	s16 =	simm.s32 $0xBB80  }
0x6: {  	s18 =	simm.s32 $0xC200;
	s20 =	simm.s32 $0xCF00;
	s22 =	simm.s32 $0xDC00  }
0x7: {  	s24 =	simm.s32 $0xE280;
	s26 =	simm.s32 $0x1;
	s29 =	simm.s32 $0xE900  }
0x8: {  	s31 =	simm.s32 $0x60;
	[smem:$0x7FF] =	sst s2;
	s4 =	sand.u32 $0x1, s3  }
0x9: {  	s5 =	sshll.u32 s5, $0x6;
	s3 =	sadd.s32 $0x1000, s1;
	s8 =	sadd.s32 $0x1E9600, s1  }
0xa: {  	_ =	strace $0x8000004A;
	s6 =	sshll.u32 s4, $0x5;
	s4 =	ssub.s32 $0x2, s4  }
0xb: {  	[dreg:$0x3] =	wrdreg s8;
	s5 =	sor.u32 s6, s5;
	s7 =	sshrl.u32 s4, $0x1  }
0xc: {  	s6 =	sshrl.u32 s5, $0x3;
	s5 =	smul.u32 $0x19, s5;
	s4 =	ssub.s32 s4, s7  }
0xd: {  	s8 =	simm.s32 $0xD580;
	s1 =	sadd.s32 s6, s1;
	s30 =	smax.u32 s4, $0x1  }
0xe: {  	s4 =	simm.s32 $0xB500;
	s0 =	sadd.s32 s0, s5;
	s6 =	sadd.s32 $0x1E9800, s1  }
0xf: {  	v0 =	vlaneseq.u32;
	s7 =	sadd.s32 $0x21D800, s1;
	[dreg:$0x5] =	wrdreg s30;
	s5 =	simm.s32 $0xC880  }
0x10: {  	v0 =	vmul.u32 $0x28, v0;
	s1 =	simm.s32 $0x0;
	[dreg:$0x4] =	wrdreg s0;
	s0 =	simm.s32 $0x9B00  }
.LBB2_1:
0x11: {  	s10 =	rddreg [dreg:$0x4]  }
0x12: {  	[tilespmem:s2], [sflag:$0x2] =	stream.linear.gather [hbm4b:s10+s2], $0x1900, $0x38;
	[tilespmem:$0x1F980] =	vst v63  }
0x13: {  	_ =	swait.ge [sflag:s9], $0x1900  }
0x14: {  	[sflag:s9] =	ssyncset.done $0x0  }
0x15: {  	s13 =	simm.s32 $0x1ED00;
	s30 =	rddreg [dreg:$0x3];
	[sflag:s9] =	ssyncadd.s32 $0xFFFFE700  }
0x16: {  	[tilespmem:s13], [sflag:$0x2] =	stream.linear.gather [hbm4b:s30+s2], $0xC80, $0x38;
	[tilespmem:$0x1F980] =	vst v63  }
0x17: {  	_ =	swait.ge [sflag:s9], $0xC80  }
0x18: {  	[sflag:s9] =	ssyncset.done $0x0  }
0x19: {  	s10 =	simm.s32 $0x1ED20;
	[sflag:s9] =	ssyncadd.s32 $0xFFFFF380  }
0x1a: {  	v1 =	vld [tilespmem:s10+$0xFFFFFFE0];
	_ =	sdelay $0x2  }
0x1b: {  	v2 =	vld [tilespmem:s10+$0x0]  }
0x1c: {  	v3 =	vld [tilespmem:s10+$0x10]  }
0x1d: {  	v4 =	vmul.f32 $7.071067690e-01, v1;
	v1 =	vld [tilespmem:s10+$0xFFFFFFF0];
	_ =	sdelay $0x2  }
0x1e: {  	v2 =	vmul.f32 $7.071067690e-01, v2  }
0x1f: {  	s17 =	simm.s32 $0x1ED60;
	s13 =	simm.s32 $0x0;
	v3 =	vmul.f32 $7.071067690e-01, v3;
	[tilespmem:s10+$0xFFFFFFE0] =	vst v4  }
.LBB2_2:
0x20: {  	v4 =	vld [tilespmem:s17+$0xFFFFFFE0];
	v1 =	vmul.f32 $7.071067690e-01, v1;
	[tilespmem:s10+$0x0] =	vst v2  }
0x21: {  	s13 =	sadd.s32 $0x4, s13;
	v2 =	vld [tilespmem:s17+$0x0];
	[tilespmem:s10+$0x10] =	vst v3  }
0x22: {  	p0 =	slt.u32 s13, $0xC4;
	v3 =	vld [tilespmem:s17+$0x10];
	[tilespmem:s10+$0xFFFFFFF0] =	vst v1;
	s10 =	smov.u32 s17  }
.Ltmp0:
0x23: {  	v1 =	vld [tilespmem:s17+$0xFFFFFFF0];
	(pc) =	sbr.rel @p0 .LBB2_2-.Ltmp0, $4  }
0x24: {  	_ = 	snop  }
0x25: {  	v4 =	vmul.f32 $7.071067690e-01, v4  }
0x26: {  	v2 =	vmul.f32 $7.071067690e-01, v2  }
0x27: {  	s17 =	sadd.s32 $0x40, s17;
	[tilespmem:s10+$0xFFFFFFE0] =	vst v4;
	v3 =	vmul.f32 $7.071067690e-01, v3  }
0x28: {  	v1 =	vmul.f32 $7.071067690e-01, v1;
	[tilespmem:s10+$0x0] =	vst v2  }
0x29: {  	[tilespmem:s10+$0x10] =	vst v3  }
0x2a: {  	s13 =	simm.s32 $0x0;
	s28 =	simm.s32 $0x1900;
	[tilespmem:s10+$0xFFFFFFF0] =	vst v1  }
0x2b: {  	[tilespmem:s28], [sflag:$0x1] =	stream.indirect.gather [hbm4b:s3+s11], $0x10, s13, s11, $0xb8;
	[tilespmem:$0x1F980] =	vst v63  }
0x2c: {  	s30 =	simm.s32 $0xC8;
	s17 =	simm.s32 $0x1F80  }
0x2d: {  	[tilespmem:s17], [sflag:$0x1] =	stream.indirect.gather [hbm4b:s3+s11], $0x10, s30, s11, $0xb8;
	[tilespmem:$0x1F980] =	vst v63  }
0x2e: {  	s19 =	simm.s32 $0x2600;
	s17 =	simm.s32 $0x190  }
0x2f: {  	[tilespmem:s19], [sflag:$0x1] =	stream.indirect.gather [hbm4b:s3+s11], $0x10, s17, s11, $0xb8;
	[tilespmem:$0x1F980] =	vst v63  }
0x30: {  	s21 =	simm.s32 $0x258;
	s25 =	simm.s32 $0x2C80  }
0x31: {  	[tilespmem:s25], [sflag:$0x1] =	stream.indirect.gather [hbm4b:s3+s11], $0x10, s21, s11, $0xb8;
	[tilespmem:$0x1F980] =	vst v63  }
0x32: {  	s28 =	simm.s32 $0x320;
	s30 =	simm.s32 $0x3300  }
0x33: {  	[tilespmem:s30], [sflag:$0x1] =	stream.indirect.gather [hbm4b:s3+s11], $0x10, s28, s11, $0xb8;
	[tilespmem:$0x1F980] =	vst v63  }
0x34: {  	s17 =	simm.s32 $0x3E8;
	s19 =	simm.s32 $0x3980  }
0x35: {  	[tilespmem:s19], [sflag:$0x1] =	stream.indirect.gather [hbm4b:s3+s11], $0x10, s17, s11, $0xb8;
	[tilespmem:$0x1F980] =	vst v63  }
0x36: {  	s21 =	simm.s32 $0x4B0;
	s25 =	simm.s32 $0x4000  }
0x37: {  	[tilespmem:s25], [sflag:$0x1] =	stream.indirect.gather [hbm4b:s3+s11], $0x10, s21, s11, $0xb8;
	[tilespmem:$0x1F980] =	vst v63  }
0x38: {  	s28 =	simm.s32 $0x578;
	s30 =	simm.s32 $0x4680  }
0x39: {  	[tilespmem:s30], [sflag:$0x1] =	stream.indirect.gather [hbm4b:s3+s11], $0x10, s28, s11, $0xb8;
	[tilespmem:$0x1F980] =	vst v63  }
0x3a: {  	s17 =	simm.s32 $0x640;
	s19 =	simm.s32 $0x4D00  }
0x3b: {  	[tilespmem:s19], [sflag:$0x1] =	stream.indirect.gather [hbm4b:s3+s11], $0x10, s17, s11, $0xb8;
	[tilespmem:$0x1F980] =	vst v63  }
0x3c: {  	s21 =	simm.s32 $0x708;
	s25 =	simm.s32 $0x5380  }
0x3d: {  	[tilespmem:s25], [sflag:$0x1] =	stream.indirect.gather [hbm4b:s3+s11], $0x10, s21, s11, $0xb8;
	[tilespmem:$0x1F980] =	vst v63  }
0x3e: {  	s28 =	simm.s32 $0x7D0;
	s30 =	simm.s32 $0x5A00  }
0x3f: {  	[tilespmem:s30], [sflag:$0x1] =	stream.indirect.gather [hbm4b:s3+s11], $0x10, s28, s11, $0xb8;
	[tilespmem:$0x1F980] =	vst v63  }
0x40: {  	s17 =	simm.s32 $0x898;
	s19 =	simm.s32 $0x6080  }
0x41: {  	[tilespmem:s19], [sflag:$0x1] =	stream.indirect.gather [hbm4b:s3+s11], $0x10, s17, s11, $0xb8;
	[tilespmem:$0x1F980] =	vst v63  }
0x42: {  	s21 =	simm.s32 $0x960;
	s25 =	simm.s32 $0x6700  }
0x43: {  	[tilespmem:s25], [sflag:$0x1] =	stream.indirect.gather [hbm4b:s3+s11], $0x10, s21, s11, $0xb8;
	[tilespmem:$0x1F980] =	vst v63  }
0x44: {  	s28 =	simm.s32 $0xA28;
	s30 =	simm.s32 $0x6D80  }
0x45: {  	[tilespmem:s30], [sflag:$0x1] =	stream.indirect.gather [hbm4b:s3+s11], $0x10, s28, s11, $0xb8;
	[tilespmem:$0x1F980] =	vst v63  }
0x46: {  	s17 =	simm.s32 $0xAF0;
	s19 =	simm.s32 $0x7400  }
0x47: {  	[tilespmem:s19], [sflag:$0x1] =	stream.indirect.gather [hbm4b:s3+s11], $0x10, s17, s11, $0xb8;
	[tilespmem:$0x1F980] =	vst v63  }
0x48: {  	s21 =	simm.s32 $0xBB8;
	s25 =	simm.s32 $0x7A80  }
0x49: {  	[tilespmem:s25], [sflag:$0x1] =	stream.indirect.gather [hbm4b:s3+s11], $0x10, s21, s11, $0xb8;
	[tilespmem:$0x1F980] =	vst v63  }
0x4a: {  	s28 =	simm.s32 $0xC80;
	s30 =	simm.s32 $0x8100  }
0x4b: {  	[tilespmem:s30], [sflag:$0x1] =	stream.indirect.gather [hbm4b:s3+s11], $0x10, s28, s11, $0xb8;
	[tilespmem:$0x1F980] =	vst v63  }
0x4c: {  	s19 =	simm.s32 $0xD48;
	s21 =	simm.s32 $0x8780  }
0x4d: {  	[tilespmem:s21], [sflag:$0x1] =	stream.indirect.gather [hbm4b:s3+s11], $0x10, s19, s11, $0xb8;
	[tilespmem:$0x1F980] =	vst v63  }
0x4e: {  	s25 =	simm.s32 $0xE10;
	s28 =	simm.s32 $0x8E00  }
0x4f: {  	[tilespmem:s28], [sflag:$0x1] =	stream.indirect.gather [hbm4b:s3+s11], $0x10, s25, s11, $0xb8;
	[tilespmem:$0x1F980] =	vst v63  }
0x50: {  	s30 =	simm.s32 $0xED8  }
0x51: {  	[tilespmem:s15], [sflag:$0x1] =	stream.indirect.gather [hbm4b:s3+s11], $0x10, s30, s11, $0xb8;
	[tilespmem:$0x1F980] =	vst v63  }
0x52: {  	s17 =	simm.s32 $0xFA0  }
0x53: {  	[tilespmem:s0], [sflag:$0x1] =	stream.indirect.gather [hbm4b:s3+s11], $0x10, s17, s11, $0xb8;
	[tilespmem:$0x1F980] =	vst v63  }
0x54: {  	s19 =	simm.s32 $0x1068  }
0x55: {  	[tilespmem:s23], [sflag:$0x1] =	stream.indirect.gather [hbm4b:s3+s11], $0x10, s19, s11, $0xb8;
	[tilespmem:$0x1F980] =	vst v63  }
0x56: {  	s21 =	simm.s32 $0x1130  }
0x57: {  	[tilespmem:s12], [sflag:$0x1] =	stream.indirect.gather [hbm4b:s3+s11], $0x10, s21, s11, $0xb8;
	[tilespmem:$0x1F980] =	vst v63  }
0x58: {  	s25 =	simm.s32 $0x11F8  }
0x59: {  	[tilespmem:s14], [sflag:$0x1] =	stream.indirect.gather [hbm4b:s3+s11], $0x10, s25, s11, $0xb8;
	[tilespmem:$0x1F980] =	vst v63  }
0x5a: {  	s28 =	simm.s32 $0x12C0  }
0x5b: {  	[tilespmem:s4], [sflag:$0x1] =	stream.indirect.gather [hbm4b:s3+s11], $0x10, s28, s11, $0xb8;
	[tilespmem:$0x1F980] =	vst v63  }
0x5c: {  	s30 =	simm.s32 $0x1388  }
0x5d: {  	[tilespmem:s16], [sflag:$0x1] =	stream.indirect.gather [hbm4b:s3+s11], $0x10, s30, s11, $0xb8;
	[tilespmem:$0x1F980] =	vst v63  }
0x5e: {  	s17 =	simm.s32 $0x1450  }
0x5f: {  	[tilespmem:s18], [sflag:$0x1] =	stream.indirect.gather [hbm4b:s3+s11], $0x10, s17, s11, $0xb8;
	[tilespmem:$0x1F980] =	vst v63  }
0x60: {  	s19 =	simm.s32 $0x1518  }
0x61: {  	[tilespmem:s5], [sflag:$0x1] =	stream.indirect.gather [hbm4b:s3+s11], $0x10, s19, s11, $0xb8;
	[tilespmem:$0x1F980] =	vst v63  }
0x62: {  	s21 =	simm.s32 $0x15E0  }
0x63: {  	[tilespmem:s20], [sflag:$0x1] =	stream.indirect.gather [hbm4b:s3+s11], $0x10, s21, s11, $0xb8;
	[tilespmem:$0x1F980] =	vst v63  }
0x64: {  	s25 =	simm.s32 $0x16A8  }
0x65: {  	[tilespmem:s8], [sflag:$0x1] =	stream.indirect.gather [hbm4b:s3+s11], $0x10, s25, s11, $0xb8;
	[tilespmem:$0x1F980] =	vst v63  }
0x66: {  	s28 =	simm.s32 $0x1770  }
0x67: {  	[tilespmem:s22], [sflag:$0x1] =	stream.indirect.gather [hbm4b:s3+s11], $0x10, s28, s11, $0xb8;
	[tilespmem:$0x1F980] =	vst v63  }
0x68: {  	s30 =	simm.s32 $0x1838  }
0x69: {  	[tilespmem:s24], [sflag:$0x1] =	stream.indirect.gather [hbm4b:s3+s11], $0x10, s30, s11, $0xb8;
	[tilespmem:$0x1F980] =	vst v63  }
0x6a: {  	_ =	swait.ge [sflag:s26], $0x680  }
0x6b: {  	[sflag:s26] =	ssyncset.done $0x0  }
0x6c: {  	[sflag:s26] =	ssyncadd.s32 $0xFFFFF980  }
0x6d: {  	_ =	swait.ge [sflag:s26], $0x680  }
0x6e: {  	[sflag:s26] =	ssyncset.done $0x0  }
0x6f: {  	[sflag:s26] =	ssyncadd.s32 $0xFFFFF980  }
0x70: {  	_ =	swait.ge [sflag:s26], $0x680  }
0x71: {  	[sflag:s26] =	ssyncset.done $0x0  }
0x72: {  	[sflag:s26] =	ssyncadd.s32 $0xFFFFF980  }
0x73: {  	_ =	swait.ge [sflag:s26], $0x680  }
0x74: {  	[sflag:s26] =	ssyncset.done $0x0  }
0x75: {  	[sflag:s26] =	ssyncadd.s32 $0xFFFFF980  }
0x76: {  	_ =	swait.ge [sflag:s26], $0x680  }
0x77: {  	[sflag:s26] =	ssyncset.done $0x0  }
0x78: {  	[sflag:s26] =	ssyncadd.s32 $0xFFFFF980  }
0x79: {  	_ =	swait.ge [sflag:s26], $0x680  }
0x7a: {  	[sflag:s26] =	ssyncset.done $0x0  }
0x7b: {  	[sflag:s26] =	ssyncadd.s32 $0xFFFFF980  }
0x7c: {  	_ =	swait.ge [sflag:s26], $0x680  }
0x7d: {  	[sflag:s26] =	ssyncset.done $0x0  }
0x7e: {  	[sflag:s26] =	ssyncadd.s32 $0xFFFFF980  }
0x7f: {  	_ =	swait.ge [sflag:s26], $0x680  }
0x80: {  	[sflag:s26] =	ssyncset.done $0x0  }
0x81: {  	[sflag:s26] =	ssyncadd.s32 $0xFFFFF980  }
0x82: {  	_ =	swait.ge [sflag:s26], $0x680  }
0x83: {  	[sflag:s26] =	ssyncset.done $0x0  }
0x84: {  	[sflag:s26] =	ssyncadd.s32 $0xFFFFF980  }
0x85: {  	_ =	swait.ge [sflag:s26], $0x680  }
0x86: {  	[sflag:s26] =	ssyncset.done $0x0  }
0x87: {  	[sflag:s26] =	ssyncadd.s32 $0xFFFFF980  }
0x88: {  	_ =	swait.ge [sflag:s26], $0x680  }
0x89: {  	[sflag:s26] =	ssyncset.done $0x0  }
0x8a: {  	[sflag:s26] =	ssyncadd.s32 $0xFFFFF980  }
0x8b: {  	_ =	swait.ge [sflag:s26], $0x680  }
0x8c: {  	[sflag:s26] =	ssyncset.done $0x0  }
0x8d: {  	[sflag:s26] =	ssyncadd.s32 $0xFFFFF980  }
0x8e: {  	_ =	swait.ge [sflag:s26], $0x680  }
0x8f: {  	[sflag:s26] =	ssyncset.done $0x0  }
0x90: {  	[sflag:s26] =	ssyncadd.s32 $0xFFFFF980  }
0x91: {  	_ =	swait.ge [sflag:s26], $0x680  }
0x92: {  	[sflag:s26] =	ssyncset.done $0x0  }
0x93: {  	[sflag:s26] =	ssyncadd.s32 $0xFFFFF980  }
0x94: {  	_ =	swait.ge [sflag:s26], $0x680  }
0x95: {  	[sflag:s26] =	ssyncset.done $0x0  }
0x96: {  	[sflag:s26] =	ssyncadd.s32 $0xFFFFF980  }
0x97: {  	_ =	swait.ge [sflag:s26], $0x680  }
0x98: {  	[sflag:s26] =	ssyncset.done $0x0  }
0x99: {  	[sflag:s26] =	ssyncadd.s32 $0xFFFFF980  }
0x9a: {  	_ =	swait.ge [sflag:s26], $0x680  }
0x9b: {  	[sflag:s26] =	ssyncset.done $0x0  }
0x9c: {  	[sflag:s26] =	ssyncadd.s32 $0xFFFFF980  }
0x9d: {  	_ =	swait.ge [sflag:s26], $0x680  }
0x9e: {  	[sflag:s26] =	ssyncset.done $0x0  }
0x9f: {  	[sflag:s26] =	ssyncadd.s32 $0xFFFFF980  }
0xa0: {  	_ =	swait.ge [sflag:s26], $0x680  }
0xa1: {  	[sflag:s26] =	ssyncset.done $0x0  }
0xa2: {  	[sflag:s26] =	ssyncadd.s32 $0xFFFFF980  }
0xa3: {  	_ =	swait.ge [sflag:s26], $0x680  }
0xa4: {  	[sflag:s26] =	ssyncset.done $0x0  }
0xa5: {  	[sflag:s26] =	ssyncadd.s32 $0xFFFFF980  }
0xa6: {  	_ =	swait.ge [sflag:s26], $0x680  }
0xa7: {  	[sflag:s26] =	ssyncset.done $0x0  }
0xa8: {  	[sflag:s26] =	ssyncadd.s32 $0xFFFFF980  }
0xa9: {  	_ =	swait.ge [sflag:s26], $0x680  }
0xaa: {  	[sflag:s26] =	ssyncset.done $0x0  }
0xab: {  	[sflag:s26] =	ssyncadd.s32 $0xFFFFF980  }
0xac: {  	_ =	swait.ge [sflag:s26], $0x680  }
0xad: {  	[sflag:s26] =	ssyncset.done $0x0  }
0xae: {  	[sflag:s26] =	ssyncadd.s32 $0xFFFFF980  }
0xaf: {  	_ =	swait.ge [sflag:s26], $0x680  }
0xb0: {  	[sflag:s26] =	ssyncset.done $0x0  }
0xb1: {  	[sflag:s26] =	ssyncadd.s32 $0xFFFFF980  }
0xb2: {  	_ =	swait.ge [sflag:s26], $0x680  }
0xb3: {  	[sflag:s26] =	ssyncset.done $0x0  }
0xb4: {  	[sflag:s26] =	ssyncadd.s32 $0xFFFFF980  }
0xb5: {  	_ =	swait.ge [sflag:s26], $0x680  }
0xb6: {  	[sflag:s26] =	ssyncset.done $0x0  }
0xb7: {  	[sflag:s26] =	ssyncadd.s32 $0xFFFFF980  }
0xb8: {  	_ =	swait.ge [sflag:s26], $0x680  }
0xb9: {  	[sflag:s26] =	ssyncset.done $0x0  }
0xba: {  	[sflag:s26] =	ssyncadd.s32 $0xFFFFF980  }
0xbb: {  	_ =	swait.ge [sflag:s26], $0x680  }
0xbc: {  	[sflag:s26] =	ssyncset.done $0x0  }
0xbd: {  	[sflag:s26] =	ssyncadd.s32 $0xFFFFF980  }
0xbe: {  	_ =	swait.ge [sflag:s26], $0x680  }
0xbf: {  	[sflag:s26] =	ssyncset.done $0x0  }
0xc0: {  	[sflag:s26] =	ssyncadd.s32 $0xFFFFF980  }
0xc1: {  	_ =	swait.ge [sflag:s26], $0x680  }
0xc2: {  	[sflag:s26] =	ssyncset.done $0x0  }
0xc3: {  	[sflag:s26] =	ssyncadd.s32 $0xFFFFF980  }
0xc4: {  	_ =	swait.ge [sflag:s26], $0x680  }
0xc5: {  	[sflag:s26] =	ssyncset.done $0x0  }
0xc6: {  	[sflag:s26] =	ssyncadd.s32 $0xFFFFF980  }
0xc7: {  	_ =	swait.ge [sflag:s26], $0x680  }
0xc8: {  	[sflag:s26] =	ssyncset.done $0x0  }
0xc9: {  	s17 =	simm.s32 $0x1920;
	s21 =	simm.s32 $0x0;
	[sflag:s26] =	ssyncadd.s32 $0xFFFFF980  }
.LBB2_4:
0xca: {  	s10 =	simm.s32 $0x3;
	v2 =	vld [tilespmem:s17+$0x10]  }
0xcb: {  	v4 =	vld [tilespmem:s17+$0xFFFFFFF0];
	v1 =	vmov s10  }
0xcc: {  	v3 =	vmov s21;
	s25 =	simm.s32 $0x2;
	v8 =	vld [tilespmem:s17+$0x0];
	v1 =	vmul.u32 $0x280, v1  }
0xcd: {  	v5 =	vmov s13;
	v10 =	vld [tilespmem:s17+$0xFFFFFFE0];
	s10 =	simm.s32 $0x1ED20;
	v3 =	vand.u32 $0x1F, v3;
	v9 =	vmov s25;
	s25 =	simm.s32 $0x4  }
0xce: {  	s19 =	simm.s32 $0x1;
	v6 =	vld [tilespmem:s10+$0x10];
	v9 =	vmul.u32 $0x280, v9;
	v12 =	vmov s25;
	v7 =	vbroadcast v1, $0x0  }
0xcf: {  	v11 =	vld [tilespmem:s10+$0xFFFFFFE0];
	s25 =	simm.s32 $0x7;
	v1 =	vadd.s32 v0, v3;
	v3 =	vmul.u32 $0x280, v5;
	v5 =	vmov s19  }
0xd0: {  	v13 =	vld [tilespmem:s10+$0xFFFFFFF0];
	v14 =	vmov s25;
	v9 =	vbroadcast v9, $0x0;
	v5 =	vmul.u32 $0x280, v5  }
0xd1: {  	v15 =	vld [tilespmem:s10+$0x0];
	s25 =	sadd.s32 $0x40, s17;
	v12 =	vmul.u32 $0x280, v12;
	v2 =	vmul.f32 $7.071067690e-01, v2;
	v4 =	vmul.f32 $7.071067690e-01, v4  }
0xd2: {  	v16 =	vld [tilespmem:s25+$0x10];
	v7 =	vadd.s32 v7, v1;
	v3 =	vbroadcast v3, $0x0;
	v5 =	vbroadcast v5, $0x0  }
0xd3: {  	v18 =	vld [tilespmem:s25+$0xFFFFFFF0];
	v19 =	vadd.s32 v9, v1;
	v2 =	vadd.f32 v6, v2;
	v6 =	vmul.u32 $0x280, v14  }
0xd4: {  	s30 =	simm.s32 $0x1ED60;
	s19 =	simm.s32 $0x5;
	v14 =	vmul.f32 $7.071067690e-01, v8;
	v17 =	vadd.s32 v5, v1;
	v5 =	vmul.f32 $7.071067690e-01, v10  }
0xd5: {  	v9 =	vmov s19;
	v3 =	vadd.s32 v3, v1;
	v10 =	vld [tilespmem:s30+$0x10];
	v6 =	vbroadcast v6, $0x0  }
0xd6: {  	s19 =	simm.s32 $0x6;
	v8 =	vld [tilespmem:s25+$0x0];
	v20 =	vmul.u32 $0x280, v9;
	v21 =	vadd.f32 v15, v14;
	v5 =	vadd.f32 v11, v5  }
0xd7: {  	v11 =	vadd.f32 v13, v4;
	v13 =	vmov s19;
	[tilespmem:v7+s29+$0x0] =	vst.idx.msk $0xffff, v2;
	v7 =	vld [tilespmem:s25+$0xFFFFFFE0];
	v4 =	vadd.s32 v6, v1  }
0xd8: {  	s10 =	simm.s32 $0x8;
	v9 =	vmul.f32 $7.071067690e-01, v18;
	v2 =	vld [tilespmem:s30+$0xFFFFFFE0];
	[tilespmem:v19+s29+$0x0] =	vst.idx.msk $0xffff, v21;
	v14 =	vmul.u32 $0x280, v13;
	v13 =	vmul.f32 $7.071067690e-01, v16  }
0xd9: {  	s28 =	simm.s32 $0xB;
	v15 =	vbroadcast v20, $0x0;
	v6 =	vbroadcast v12, $0x0;
	v12 =	vmov s10;
	s19 =	simm.s32 $0xC;
	[tilespmem:v17+s29+$0x0] =	vst.idx.msk $0xffff, v11;
	v11 =	vld [tilespmem:s30+$0xFFFFFFF0]  }
.LBB2_5:
0xda: {  	p0 =	slt.u32 s19, $0x64;
	v16 =	vmov s28;
	v17 =	vld [tilespmem:s30+$0x0];
	v14 =	vbroadcast v14, $0x0;
	v10 =	vadd.f32 v10, v13;
	s25 =	sadd.s32 $0x40, s25;
	[tilespmem:v3+s29+$0x0] =	vst.idx.msk $0xffff, v5  }
0xdb: {  	v13 =	vld [tilespmem:s25+$0x10];
	v3 =	vmul.u32 $0x280, v16;
	v15 =	vadd.s32 v15, v1;
	v16 =	vmul.f32 $7.071067690e-01, v8  }
0xdc: {  	v12 =	vmul.u32 $0x280, v12;
	s28 =	sadd.s32 $0x1, s10;
	s30 =	sadd.s32 $0x40, s30;
	v18 =	vld [tilespmem:s25+$0xFFFFFFF0];
	v5 =	vmul.f32 $7.071067690e-01, v7;
	v19 =	vadd.s32 v14, v1;
	[tilespmem:v4+s29+$0x0] =	vst.idx.msk $0xffff, v10  }
.Ltmp1:
0xdd: {  	v4 =	vmov s28;
	s28 =	sadd.s32 $0x2, s10;
	s10 =	smov.u32 s19;
	v10 =	vld [tilespmem:s30+$0x10];
	v14 =	vbroadcast v3, $0x0;
	v3 =	vadd.s32 v6, v1;
	(pc) =	sbr.rel @p0 .LBB2_5-.Ltmp1, $4  }
0xde: {  	v20 =	vmov s28;
	v8 =	vld [tilespmem:s25+$0x0];
	v5 =	vadd.f32 v2, v5;
	v9 =	vadd.f32 v11, v9  }
0xdf: {  	v21 =	vmul.u32 $0x280, v4;
	v7 =	vld [tilespmem:s25+$0xFFFFFFE0];
	v4 =	vadd.s32 v14, v1;
	v16 =	vadd.f32 v17, v16  }
0xe0: {  	v6 =	vbroadcast v12, $0x0;
	v14 =	vmul.u32 $0x280, v20;
	v2 =	vld [tilespmem:s30+$0xFFFFFFE0];
	v13 =	vmul.f32 $7.071067690e-01, v13;
	[tilespmem:v15+s29+$0x0] =	vst.idx.msk $0xffff, v9  }
0xe1: {  	s19 =	sadd.s32 $0x4, s19;
	v12 =	vmov s10;
	s28 =	sadd.s32 $0x3, s10;
	v15 =	vbroadcast v21, $0x0;
	v9 =	vmul.f32 $7.071067690e-01, v18;
	v11 =	vld [tilespmem:s30+$0xFFFFFFF0];
	[tilespmem:v19+s29+$0x0] =	vst.idx.msk $0xffff, v16  }
0xe2: {  	v16 =	vld [tilespmem:s30+$0x0];
	s19 =	sadd.s32 $0x40, s25  }
0xe3: {  	v17 =	vmov s28;
	v14 =	vbroadcast v14, $0x0;
	v10 =	vadd.f32 v10, v13;
	v18 =	vld [tilespmem:s19+$0x10]  }
0xe4: {  	s25 =	sadd.s32 $0x1, s10;
	s28 =	sadd.s32 $0x40, s30;
	v12 =	vmul.u32 $0x280, v12;
	v6 =	vadd.s32 v6, v1;
	v49 =	vmul.u32 $0x280, v17;
	v50 =	vld [tilespmem:s19+$0xFFFFFFF0]  }
0xe5: {  	s30 =	sadd.s32 $0x2, s10;
	v15 =	vadd.s32 v15, v1;
	v8 =	vmul.f32 $7.071067690e-01, v8;
	v19 =	vmov s25;
	v20 =	vld [tilespmem:s28+$0x10]  }
0xe6: {  	v21 =	vld [tilespmem:s19+$0x0];
	v22 =	vmov s30;
	v7 =	vmul.f32 $7.071067690e-01, v7;
	v19 =	vmul.u32 $0x280, v19  }
0xe7: {  	v23 =	vld [tilespmem:s19+$0xFFFFFFE0];
	v14 =	vadd.s32 v14, v1;
	v22 =	vmul.u32 $0x280, v22;
	v13 =	vbroadcast v49, $0x0  }
0xe8: {  	v51 =	vld [tilespmem:s28+$0xFFFFFFF0];
	v56 =	vbroadcast v12, $0x0;
	v9 =	vadd.f32 v11, v9;
	v19 =	vbroadcast v19, $0x0  }
0xe9: {  	[tilespmem:v3+s29+$0x0] =	vst.idx.msk $0xffff, v5;
	v55 =	vld [tilespmem:s28+$0xFFFFFFE0];
	v54 =	vbroadcast v22, $0x0;
	v2 =	vadd.f32 v2, v7;
	v3 =	vadd.s32 v13, v1  }
0xea: {  	v53 =	vld [tilespmem:s28+$0x0];
	[tilespmem:v4+s29+$0x0] =	vst.idx.msk $0xffff, v10;
	v52 =	vadd.f32 v16, v8;
	v57 =	vmul.f32 $7.071067690e-01, v18;
	v58 =	vadd.s32 v19, v1  }
0xeb: {  	s21 =	sadd.s32 $0x1, s21;
	[tilespmem:v15+s29+$0x0] =	vst.idx.msk $0xffff, v9;
	v59 =	vmul.f32 $7.071067690e-01, v50;
	v60 =	vadd.s32 v54, v1;
	v1 =	vadd.s32 v56, v1  }
0xec: {  	p0 =	sne.s32 s21, $0x20;
	[tilespmem:v6+s29+$0x0] =	vst.idx.msk $0xffff, v2;
	v2 =	vmul.f32 $7.071067690e-01, v23;
	v61 =	vadd.f32 v20, v57  }
.Ltmp2:
0xed: {  	v62 =	vmul.f32 $7.071067690e-01, v21;
	[tilespmem:v14+s29+$0x0] =	vst.idx.msk $0xffff, v52;
	v63 =	vadd.f32 v51, v59;
	(pc) =	sbr.rel @p0 .LBB2_4-.Ltmp2, $4  }
0xee: {  	v2 =	vadd.f32 v55, v2;
	[tilespmem:v3+s29+$0x0] =	vst.idx.msk $0xffff, v61  }
0xef: {  	v3 =	vadd.f32 v53, v62;
	[tilespmem:v58+s29+$0x0] =	vst.idx.msk $0xffff, v63  }
0xf0: {  	[tilespmem:v1+s29+$0x0] =	vst.idx.msk $0xffff, v2  }
0xf1: {  	s17 =	sadd.s32 $0x680, s17;
	[tilespmem:v60+s29+$0x0] =	vst.idx.msk $0xffff, v3  }
0xf2: {  	s10 =	simm.s32 $0xE900  }
0xf3: {  	s13 =	simm.s32 $0x80;
	s19 =	sadd.s32 $0x0, s6;
	s17 =	simm.s32 $0xE928  }
.LBB2_8:
0xf4: {  	[hbm4b:s19+s2] =	stream.linear.scatter [tilespmem:s10], [sflag:$0x2], $0x20, $0x38;
	[tilespmem:$0x1F980] =	vst v63  }
0xf5: {  	s19 =	smov.u32 s13;
	s10 =	smov.u32 s17;
	p0 =	sne.s32 s13, $0x33F80  }
.Ltmp3:
0xf6: {  	s13 =	sadd.s32 $0x80, s13;
	(pc) =	sbr.rel @p0 .LBB2_8-.Ltmp3, $2  }
0xf7: {  	_ =	sdelay $0x2  }
0xf8: {  	s17 =	sadd.s32 $0x28, s17;
	s19 =	sadd.s32 s19, s6  }
0xf9: {  	[hbm4b:s19+s2] =	stream.linear.scatter [tilespmem:s10], [sflag:$0x2], $0x20, $0x38;
	[tilespmem:$0x1F980] =	vst v63  }
0xfa: {  	_ =	swait.ge [sflag:s9], $0xD000  }
0xfb: {  	[sflag:s9] =	ssyncset.done $0x0  }
0xfc: {  	s17 =	simm.s32 $0x1900;
	[sflag:s9] =	ssyncadd.s32 $0xFFFF3000  }
0xfd: {  	[tilespmem:s17], [sflag:$0x1] =	stream.indirect.gather [hbm4b:s3+s31], $0x10, s11, s31, $0xb8;
	[tilespmem:$0x1F980] =	vst v63  }
0xfe: {  	s19 =	simm.s32 $0x1F80;
	s13 =	simm.s32 $0x130  }
0xff: {  	[tilespmem:s19], [sflag:$0x1] =	stream.indirect.gather [hbm4b:s3+s31], $0x10, s13, s31, $0xb8;
	[tilespmem:$0x1F980] =	vst v63  }
0x100: {  	s21 =	simm.s32 $0x2600;
	s25 =	simm.s32 $0x1F8  }
0x101: {  	[tilespmem:s21], [sflag:$0x1] =	stream.indirect.gather [hbm4b:s3+s31], $0x10, s25, s31, $0xb8;
	[tilespmem:$0x1F980] =	vst v63  }
0x102: {  	s28 =	simm.s32 $0x2C80;
	s30 =	simm.s32 $0x2C0  }
0x103: {  	[tilespmem:s28], [sflag:$0x1] =	stream.indirect.gather [hbm4b:s3+s31], $0x10, s30, s31, $0xb8;
	[tilespmem:$0x1F980] =	vst v63  }
0x104: {  	s17 =	simm.s32 $0x3300;
	s19 =	simm.s32 $0x388  }
0x105: {  	[tilespmem:s17], [sflag:$0x1] =	stream.indirect.gather [hbm4b:s3+s31], $0x10, s19, s31, $0xb8;
	[tilespmem:$0x1F980] =	vst v63  }
0x106: {  	s21 =	simm.s32 $0x3980;
	s25 =	simm.s32 $0x450  }
0x107: {  	[tilespmem:s21], [sflag:$0x1] =	stream.indirect.gather [hbm4b:s3+s31], $0x10, s25, s31, $0xb8;
	[tilespmem:$0x1F980] =	vst v63  }
0x108: {  	s28 =	simm.s32 $0x4000;
	s30 =	simm.s32 $0x518  }
0x109: {  	[tilespmem:s28], [sflag:$0x1] =	stream.indirect.gather [hbm4b:s3+s31], $0x10, s30, s31, $0xb8;
	[tilespmem:$0x1F980] =	vst v63  }
0x10a: {  	s17 =	simm.s32 $0x4680;
	s19 =	simm.s32 $0x5E0  }
0x10b: {  	[tilespmem:s17], [sflag:$0x1] =	stream.indirect.gather [hbm4b:s3+s31], $0x10, s19, s31, $0xb8;
	[tilespmem:$0x1F980] =	vst v63  }
0x10c: {  	s21 =	simm.s32 $0x4D00;
	s25 =	simm.s32 $0x6A8  }
0x10d: {  	[tilespmem:s21], [sflag:$0x1] =	stream.indirect.gather [hbm4b:s3+s31], $0x10, s25, s31, $0xb8;
	[tilespmem:$0x1F980] =	vst v63  }
0x10e: {  	s28 =	simm.s32 $0x5380;
	s30 =	simm.s32 $0x770  }
0x10f: {  	[tilespmem:s28], [sflag:$0x1] =	stream.indirect.gather [hbm4b:s3+s31], $0x10, s30, s31, $0xb8;
	[tilespmem:$0x1F980] =	vst v63  }
0x110: {  	s17 =	simm.s32 $0x5A00;
	s19 =	simm.s32 $0x838  }
0x111: {  	[tilespmem:s17], [sflag:$0x1] =	stream.indirect.gather [hbm4b:s3+s31], $0x10, s19, s31, $0xb8;
	[tilespmem:$0x1F980] =	vst v63  }
0x112: {  	s21 =	simm.s32 $0x6080;
	s25 =	simm.s32 $0x900  }
0x113: {  	[tilespmem:s21], [sflag:$0x1] =	stream.indirect.gather [hbm4b:s3+s31], $0x10, s25, s31, $0xb8;
	[tilespmem:$0x1F980] =	vst v63  }
0x114: {  	s28 =	simm.s32 $0x6700;
	s30 =	simm.s32 $0x9C8  }
0x115: {  	[tilespmem:s28], [sflag:$0x1] =	stream.indirect.gather [hbm4b:s3+s31], $0x10, s30, s31, $0xb8;
	[tilespmem:$0x1F980] =	vst v63  }
0x116: {  	s17 =	simm.s32 $0x6D80;
	s19 =	simm.s32 $0xA90  }
0x117: {  	[tilespmem:s17], [sflag:$0x1] =	stream.indirect.gather [hbm4b:s3+s31], $0x10, s19, s31, $0xb8;
	[tilespmem:$0x1F980] =	vst v63  }
0x118: {  	s21 =	simm.s32 $0x7400;
	s25 =	simm.s32 $0xB58  }
0x119: {  	[tilespmem:s21], [sflag:$0x1] =	stream.indirect.gather [hbm4b:s3+s31], $0x10, s25, s31, $0xb8;
	[tilespmem:$0x1F980] =	vst v63  }
0x11a: {  	s28 =	simm.s32 $0x7A80;
	s30 =	simm.s32 $0xC20  }
0x11b: {  	[tilespmem:s28], [sflag:$0x1] =	stream.indirect.gather [hbm4b:s3+s31], $0x10, s30, s31, $0xb8;
	[tilespmem:$0x1F980] =	vst v63  }
0x11c: {  	s17 =	simm.s32 $0x8100;
	s19 =	simm.s32 $0xCE8  }
0x11d: {  	[tilespmem:s17], [sflag:$0x1] =	stream.indirect.gather [hbm4b:s3+s31], $0x10, s19, s31, $0xb8;
	[tilespmem:$0x1F980] =	vst v63  }
0x11e: {  	s21 =	simm.s32 $0x8780;
	s25 =	simm.s32 $0xDB0  }
0x11f: {  	[tilespmem:s21], [sflag:$0x1] =	stream.indirect.gather [hbm4b:s3+s31], $0x10, s25, s31, $0xb8;
	[tilespmem:$0x1F980] =	vst v63  }
0x120: {  	s28 =	simm.s32 $0x8E00;
	s30 =	simm.s32 $0xE78  }
0x121: {  	[tilespmem:s28], [sflag:$0x1] =	stream.indirect.gather [hbm4b:s3+s31], $0x10, s30, s31, $0xb8;
	[tilespmem:$0x1F980] =	vst v63  }
0x122: {  	s17 =	simm.s32 $0xF40  }
0x123: {  	[tilespmem:s15], [sflag:$0x1] =	stream.indirect.gather [hbm4b:s3+s31], $0x10, s17, s31, $0xb8;
	[tilespmem:$0x1F980] =	vst v63  }
0x124: {  	s19 =	simm.s32 $0x1008  }
0x125: {  	[tilespmem:s0], [sflag:$0x1] =	stream.indirect.gather [hbm4b:s3+s31], $0x10, s19, s31, $0xb8;
	[tilespmem:$0x1F980] =	vst v63  }
0x126: {  	s21 =	simm.s32 $0x10D0  }
0x127: {  	[tilespmem:s23], [sflag:$0x1] =	stream.indirect.gather [hbm4b:s3+s31], $0x10, s21, s31, $0xb8;
	[tilespmem:$0x1F980] =	vst v63  }
0x128: {  	s25 =	simm.s32 $0x1198  }
0x129: {  	[tilespmem:s12], [sflag:$0x1] =	stream.indirect.gather [hbm4b:s3+s31], $0x10, s25, s31, $0xb8;
	[tilespmem:$0x1F980] =	vst v63  }
0x12a: {  	s28 =	simm.s32 $0x1260  }
0x12b: {  	[tilespmem:s14], [sflag:$0x1] =	stream.indirect.gather [hbm4b:s3+s31], $0x10, s28, s31, $0xb8;
	[tilespmem:$0x1F980] =	vst v63  }
0x12c: {  	s30 =	simm.s32 $0x1328  }
0x12d: {  	[tilespmem:s4], [sflag:$0x1] =	stream.indirect.gather [hbm4b:s3+s31], $0x10, s30, s31, $0xb8;
	[tilespmem:$0x1F980] =	vst v63  }
0x12e: {  	s13 =	simm.s32 $0x13F0  }
0x12f: {  	[tilespmem:s16], [sflag:$0x1] =	stream.indirect.gather [hbm4b:s3+s31], $0x10, s13, s31, $0xb8;
	[tilespmem:$0x1F980] =	vst v63  }
0x130: {  	s17 =	simm.s32 $0x14B8  }
0x131: {  	[tilespmem:s18], [sflag:$0x1] =	stream.indirect.gather [hbm4b:s3+s31], $0x10, s17, s31, $0xb8;
	[tilespmem:$0x1F980] =	vst v63  }
0x132: {  	s19 =	simm.s32 $0x1580  }
0x133: {  	[tilespmem:s5], [sflag:$0x1] =	stream.indirect.gather [hbm4b:s3+s31], $0x10, s19, s31, $0xb8;
	[tilespmem:$0x1F980] =	vst v63  }
0x134: {  	s21 =	simm.s32 $0x1648  }
0x135: {  	[tilespmem:s20], [sflag:$0x1] =	stream.indirect.gather [hbm4b:s3+s31], $0x10, s21, s31, $0xb8;
	[tilespmem:$0x1F980] =	vst v63  }
0x136: {  	s25 =	simm.s32 $0x1710  }
0x137: {  	[tilespmem:s8], [sflag:$0x1] =	stream.indirect.gather [hbm4b:s3+s31], $0x10, s25, s31, $0xb8;
	[tilespmem:$0x1F980] =	vst v63  }
0x138: {  	s28 =	simm.s32 $0x17D8  }
0x139: {  	[tilespmem:s22], [sflag:$0x1] =	stream.indirect.gather [hbm4b:s3+s31], $0x10, s28, s31, $0xb8;
	[tilespmem:$0x1F980] =	vst v63  }
0x13a: {  	s30 =	simm.s32 $0x18A0  }
0x13b: {  	[tilespmem:s24], [sflag:$0x1] =	stream.indirect.gather [hbm4b:s3+s31], $0x10, s30, s31, $0xb8;
	[tilespmem:$0x1F980] =	vst v63  }
0x13c: {  	_ =	swait.ge [sflag:s26], $0x600  }
0x13d: {  	[sflag:s26] =	ssyncset.done $0x0  }
0x13e: {  	[sflag:s26] =	ssyncadd.s32 $0xFFFFFA00  }
0x13f: {  	_ =	swait.ge [sflag:s26], $0x600  }
0x140: {  	[sflag:s26] =	ssyncset.done $0x0  }
0x141: {  	[sflag:s26] =	ssyncadd.s32 $0xFFFFFA00  }
0x142: {  	_ =	swait.ge [sflag:s26], $0x600  }
0x143: {  	[sflag:s26] =	ssyncset.done $0x0  }
0x144: {  	[sflag:s26] =	ssyncadd.s32 $0xFFFFFA00  }
0x145: {  	_ =	swait.ge [sflag:s26], $0x600  }
0x146: {  	[sflag:s26] =	ssyncset.done $0x0  }
0x147: {  	[sflag:s26] =	ssyncadd.s32 $0xFFFFFA00  }
0x148: {  	_ =	swait.ge [sflag:s26], $0x600  }
0x149: {  	[sflag:s26] =	ssyncset.done $0x0  }
0x14a: {  	[sflag:s26] =	ssyncadd.s32 $0xFFFFFA00  }
0x14b: {  	_ =	swait.ge [sflag:s26], $0x600  }
0x14c: {  	[sflag:s26] =	ssyncset.done $0x0  }
0x14d: {  	[sflag:s26] =	ssyncadd.s32 $0xFFFFFA00  }
0x14e: {  	_ =	swait.ge [sflag:s26], $0x600  }
0x14f: {  	[sflag:s26] =	ssyncset.done $0x0  }
0x150: {  	[sflag:s26] =	ssyncadd.s32 $0xFFFFFA00  }
0x151: {  	_ =	swait.ge [sflag:s26], $0x600  }
0x152: {  	[sflag:s26] =	ssyncset.done $0x0  }
0x153: {  	[sflag:s26] =	ssyncadd.s32 $0xFFFFFA00  }
0x154: {  	_ =	swait.ge [sflag:s26], $0x600  }
0x155: {  	[sflag:s26] =	ssyncset.done $0x0  }
0x156: {  	[sflag:s26] =	ssyncadd.s32 $0xFFFFFA00  }
0x157: {  	_ =	swait.ge [sflag:s26], $0x600  }
0x158: {  	[sflag:s26] =	ssyncset.done $0x0  }
0x159: {  	[sflag:s26] =	ssyncadd.s32 $0xFFFFFA00  }
0x15a: {  	_ =	swait.ge [sflag:s26], $0x600  }
0x15b: {  	[sflag:s26] =	ssyncset.done $0x0  }
0x15c: {  	[sflag:s26] =	ssyncadd.s32 $0xFFFFFA00  }
0x15d: {  	_ =	swait.ge [sflag:s26], $0x600  }
0x15e: {  	[sflag:s26] =	ssyncset.done $0x0  }
0x15f: {  	[sflag:s26] =	ssyncadd.s32 $0xFFFFFA00  }
0x160: {  	_ =	swait.ge [sflag:s26], $0x600  }
0x161: {  	[sflag:s26] =	ssyncset.done $0x0  }
0x162: {  	[sflag:s26] =	ssyncadd.s32 $0xFFFFFA00  }
0x163: {  	_ =	swait.ge [sflag:s26], $0x600  }
0x164: {  	[sflag:s26] =	ssyncset.done $0x0  }
0x165: {  	[sflag:s26] =	ssyncadd.s32 $0xFFFFFA00  }
0x166: {  	_ =	swait.ge [sflag:s26], $0x600  }
0x167: {  	[sflag:s26] =	ssyncset.done $0x0  }
0x168: {  	[sflag:s26] =	ssyncadd.s32 $0xFFFFFA00  }
0x169: {  	_ =	swait.ge [sflag:s26], $0x600  }
0x16a: {  	[sflag:s26] =	ssyncset.done $0x0  }
0x16b: {  	[sflag:s26] =	ssyncadd.s32 $0xFFFFFA00  }
0x16c: {  	_ =	swait.ge [sflag:s26], $0x600  }
0x16d: {  	[sflag:s26] =	ssyncset.done $0x0  }
0x16e: {  	[sflag:s26] =	ssyncadd.s32 $0xFFFFFA00  }
0x16f: {  	_ =	swait.ge [sflag:s26], $0x600  }
0x170: {  	[sflag:s26] =	ssyncset.done $0x0  }
0x171: {  	[sflag:s26] =	ssyncadd.s32 $0xFFFFFA00  }
0x172: {  	_ =	swait.ge [sflag:s26], $0x600  }
0x173: {  	[sflag:s26] =	ssyncset.done $0x0  }
0x174: {  	[sflag:s26] =	ssyncadd.s32 $0xFFFFFA00  }
0x175: {  	_ =	swait.ge [sflag:s26], $0x600  }
0x176: {  	[sflag:s26] =	ssyncset.done $0x0  }
0x177: {  	[sflag:s26] =	ssyncadd.s32 $0xFFFFFA00  }
0x178: {  	_ =	swait.ge [sflag:s26], $0x600  }
0x179: {  	[sflag:s26] =	ssyncset.done $0x0  }
0x17a: {  	[sflag:s26] =	ssyncadd.s32 $0xFFFFFA00  }
0x17b: {  	_ =	swait.ge [sflag:s26], $0x600  }
0x17c: {  	[sflag:s26] =	ssyncset.done $0x0  }
0x17d: {  	[sflag:s26] =	ssyncadd.s32 $0xFFFFFA00  }
0x17e: {  	_ =	swait.ge [sflag:s26], $0x600  }
0x17f: {  	[sflag:s26] =	ssyncset.done $0x0  }
0x180: {  	[sflag:s26] =	ssyncadd.s32 $0xFFFFFA00  }
0x181: {  	_ =	swait.ge [sflag:s26], $0x600  }
0x182: {  	[sflag:s26] =	ssyncset.done $0x0  }
0x183: {  	[sflag:s26] =	ssyncadd.s32 $0xFFFFFA00  }
0x184: {  	_ =	swait.ge [sflag:s26], $0x600  }
0x185: {  	[sflag:s26] =	ssyncset.done $0x0  }
0x186: {  	[sflag:s26] =	ssyncadd.s32 $0xFFFFFA00  }
0x187: {  	_ =	swait.ge [sflag:s26], $0x600  }
0x188: {  	[sflag:s26] =	ssyncset.done $0x0  }
0x189: {  	[sflag:s26] =	ssyncadd.s32 $0xFFFFFA00  }
0x18a: {  	_ =	swait.ge [sflag:s26], $0x600  }
0x18b: {  	[sflag:s26] =	ssyncset.done $0x0  }
0x18c: {  	[sflag:s26] =	ssyncadd.s32 $0xFFFFFA00  }
0x18d: {  	_ =	swait.ge [sflag:s26], $0x600  }
0x18e: {  	[sflag:s26] =	ssyncset.done $0x0  }
0x18f: {  	[sflag:s26] =	ssyncadd.s32 $0xFFFFFA00  }
0x190: {  	_ =	swait.ge [sflag:s26], $0x600  }
0x191: {  	[sflag:s26] =	ssyncset.done $0x0  }
0x192: {  	[sflag:s26] =	ssyncadd.s32 $0xFFFFFA00  }
0x193: {  	_ =	swait.ge [sflag:s26], $0x600  }
0x194: {  	[sflag:s26] =	ssyncset.done $0x0  }
0x195: {  	[sflag:s26] =	ssyncadd.s32 $0xFFFFFA00  }
0x196: {  	_ =	swait.ge [sflag:s26], $0x600  }
0x197: {  	[sflag:s26] =	ssyncset.done $0x0  }
0x198: {  	[sflag:s26] =	ssyncadd.s32 $0xFFFFFA00  }
0x199: {  	_ =	swait.ge [sflag:s26], $0x600  }
0x19a: {  	s13 =	simm.s32 $0x0;
	[sflag:s26] =	ssyncset.done $0x0  }
0x19b: {  	s17 =	simm.s32 $0x1920;
	s21 =	simm.s32 $0x0;
	[sflag:s26] =	ssyncadd.s32 $0xFFFFFA00  }
.LBB2_10:
0x19c: {  	s10 =	simm.s32 $0x3;
	v2 =	vld [tilespmem:s17+$0x10]  }
0x19d: {  	v4 =	vld [tilespmem:s17+$0xFFFFFFF0];
	v1 =	vmov s10  }
0x19e: {  	v3 =	vmov s21;
	s25 =	simm.s32 $0x2;
	v8 =	vld [tilespmem:s17+$0x0];
	v1 =	vmul.u32 $0x280, v1  }
0x19f: {  	v5 =	vmov s13;
	v10 =	vld [tilespmem:s17+$0xFFFFFFE0];
	s10 =	simm.s32 $0x1F3B0;
	v3 =	vand.u32 $0x1F, v3;
	v9 =	vmov s25;
	s25 =	simm.s32 $0x4  }
0x1a0: {  	s19 =	simm.s32 $0x1;
	v6 =	vld [tilespmem:s10+$0x0];
	v9 =	vmul.u32 $0x280, v9;
	v12 =	vmov s25;
	v7 =	vbroadcast v1, $0x0  }
0x1a1: {  	v11 =	vld [tilespmem:s10+$0xFFFFFFD0];
	s25 =	simm.s32 $0x7;
	v1 =	vadd.s32 v0, v3;
	v3 =	vmul.u32 $0x280, v5;
	v5 =	vmov s19  }
0x1a2: {  	v13 =	vld [tilespmem:s10+$0xFFFFFFE0];
	v14 =	vmov s25;
	v9 =	vbroadcast v9, $0x0;
	v5 =	vmul.u32 $0x280, v5  }
0x1a3: {  	v15 =	vld [tilespmem:s10+$0xFFFFFFF0];
	s25 =	sadd.s32 $0x40, s17;
	v12 =	vmul.u32 $0x280, v12;
	v2 =	vmul.f32 $7.071067690e-01, v2;
	v4 =	vmul.f32 $7.071067690e-01, v4  }
0x1a4: {  	v16 =	vld [tilespmem:s25+$0x10];
	v7 =	vadd.s32 v7, v1;
	v3 =	vbroadcast v3, $0x0;
	v5 =	vbroadcast v5, $0x0  }
0x1a5: {  	v18 =	vld [tilespmem:s25+$0xFFFFFFF0];
	v19 =	vadd.s32 v9, v1;
	v2 =	vadd.f32 v6, v2;
	v6 =	vmul.u32 $0x280, v14  }
0x1a6: {  	s30 =	simm.s32 $0x1F3F0;
	s19 =	simm.s32 $0x5;
	v14 =	vmul.f32 $7.071067690e-01, v8;
	v17 =	vadd.s32 v5, v1;
	v5 =	vmul.f32 $7.071067690e-01, v10  }
0x1a7: {  	v9 =	vmov s19;
	v3 =	vadd.s32 v3, v1;
	v10 =	vld [tilespmem:s30+$0x0];
	v6 =	vbroadcast v6, $0x0  }
0x1a8: {  	s19 =	simm.s32 $0x6;
	v8 =	vld [tilespmem:s25+$0x0];
	v20 =	vmul.u32 $0x280, v9;
	v21 =	vadd.f32 v15, v14;
	v5 =	vadd.f32 v11, v5  }
0x1a9: {  	v11 =	vadd.f32 v13, v4;
	v13 =	vmov s19;
	[tilespmem:v7+s29+$0x0] =	vst.idx.msk $0xffff, v2;
	v7 =	vld [tilespmem:s25+$0xFFFFFFE0];
	v4 =	vadd.s32 v6, v1  }
0x1aa: {  	s10 =	simm.s32 $0x8;
	v9 =	vmul.f32 $7.071067690e-01, v18;
	v2 =	vld [tilespmem:s30+$0xFFFFFFD0];
	[tilespmem:v19+s29+$0x0] =	vst.idx.msk $0xffff, v21;
	v14 =	vmul.u32 $0x280, v13;
	v13 =	vmul.f32 $7.071067690e-01, v16  }
0x1ab: {  	s28 =	simm.s32 $0xB;
	v15 =	vbroadcast v20, $0x0;
	v6 =	vbroadcast v12, $0x0;
	v12 =	vmov s10;
	s19 =	simm.s32 $0xC;
	[tilespmem:v17+s29+$0x0] =	vst.idx.msk $0xffff, v11;
	v11 =	vld [tilespmem:s30+$0xFFFFFFE0]  }
.LBB2_11:
0x1ac: {  	p0 =	slt.u32 s19, $0x5C;
	v16 =	vmov s28;
	v17 =	vld [tilespmem:s30+$0xFFFFFFF0];
	v14 =	vbroadcast v14, $0x0;
	v10 =	vadd.f32 v10, v13;
	s25 =	sadd.s32 $0x40, s25;
	[tilespmem:v3+s29+$0x0] =	vst.idx.msk $0xffff, v5  }
0x1ad: {  	v13 =	vld [tilespmem:s25+$0x10];
	v3 =	vmul.u32 $0x280, v16;
	v15 =	vadd.s32 v15, v1;
	v16 =	vmul.f32 $7.071067690e-01, v8  }
0x1ae: {  	v12 =	vmul.u32 $0x280, v12;
	s28 =	sadd.s32 $0x1, s10;
	s30 =	sadd.s32 $0x40, s30;
	v18 =	vld [tilespmem:s25+$0xFFFFFFF0];
	v5 =	vmul.f32 $7.071067690e-01, v7;
	v19 =	vadd.s32 v14, v1;
	[tilespmem:v4+s29+$0x0] =	vst.idx.msk $0xffff, v10  }
.Ltmp4:
0x1af: {  	v4 =	vmov s28;
	s28 =	sadd.s32 $0x2, s10;
	s10 =	smov.u32 s19;
	v10 =	vld [tilespmem:s30+$0x0];
	v14 =	vbroadcast v3, $0x0;
	v3 =	vadd.s32 v6, v1;
	(pc) =	sbr.rel @p0 .LBB2_11-.Ltmp4, $4  }
0x1b0: {  	v20 =	vmov s28;
	v8 =	vld [tilespmem:s25+$0x0];
	v5 =	vadd.f32 v2, v5;
	v9 =	vadd.f32 v11, v9  }
0x1b1: {  	v21 =	vmul.u32 $0x280, v4;
	v7 =	vld [tilespmem:s25+$0xFFFFFFE0];
	v4 =	vadd.s32 v14, v1;
	v16 =	vadd.f32 v17, v16  }
0x1b2: {  	v6 =	vbroadcast v12, $0x0;
	v14 =	vmul.u32 $0x280, v20;
	v2 =	vld [tilespmem:s30+$0xFFFFFFD0];
	v13 =	vmul.f32 $7.071067690e-01, v13;
	[tilespmem:v15+s29+$0x0] =	vst.idx.msk $0xffff, v9  }
0x1b3: {  	s19 =	sadd.s32 $0x4, s19;
	v12 =	vmov s10;
	s28 =	sadd.s32 $0x3, s10;
	v15 =	vbroadcast v21, $0x0;
	v9 =	vmul.f32 $7.071067690e-01, v18;
	v11 =	vld [tilespmem:s30+$0xFFFFFFE0];
	[tilespmem:v19+s29+$0x0] =	vst.idx.msk $0xffff, v16  }
0x1b4: {  	v16 =	vld [tilespmem:s30+$0xFFFFFFF0];
	s19 =	sadd.s32 $0x40, s25  }
0x1b5: {  	v17 =	vmov s28;
	v14 =	vbroadcast v14, $0x0;
	v10 =	vadd.f32 v10, v13;
	v18 =	vld [tilespmem:s19+$0x10]  }
0x1b6: {  	s25 =	sadd.s32 $0x1, s10;
	s28 =	sadd.s32 $0x40, s30;
	v12 =	vmul.u32 $0x280, v12;
	v6 =	vadd.s32 v6, v1;
	v49 =	vmul.u32 $0x280, v17;
	v50 =	vld [tilespmem:s19+$0xFFFFFFF0]  }
0x1b7: {  	s30 =	sadd.s32 $0x2, s10;
	v15 =	vadd.s32 v15, v1;
	v8 =	vmul.f32 $7.071067690e-01, v8;
	v19 =	vmov s25;
	v20 =	vld [tilespmem:s28+$0x0]  }
0x1b8: {  	v21 =	vld [tilespmem:s19+$0x0];
	v22 =	vmov s30;
	v7 =	vmul.f32 $7.071067690e-01, v7;
	v19 =	vmul.u32 $0x280, v19  }
0x1b9: {  	v23 =	vld [tilespmem:s19+$0xFFFFFFE0];
	v14 =	vadd.s32 v14, v1;
	v22 =	vmul.u32 $0x280, v22;
	v13 =	vbroadcast v49, $0x0  }
0x1ba: {  	v51 =	vld [tilespmem:s28+$0xFFFFFFE0];
	v56 =	vbroadcast v12, $0x0;
	v9 =	vadd.f32 v11, v9;
	v19 =	vbroadcast v19, $0x0  }
0x1bb: {  	[tilespmem:v3+s29+$0x0] =	vst.idx.msk $0xffff, v5;
	v55 =	vld [tilespmem:s28+$0xFFFFFFD0];
	v54 =	vbroadcast v22, $0x0;
	v2 =	vadd.f32 v2, v7;
	v3 =	vadd.s32 v13, v1  }
0x1bc: {  	v53 =	vld [tilespmem:s28+$0xFFFFFFF0];
	[tilespmem:v4+s29+$0x0] =	vst.idx.msk $0xffff, v10;
	v52 =	vadd.f32 v16, v8;
	v57 =	vmul.f32 $7.071067690e-01, v18;
	v58 =	vadd.s32 v19, v1  }
0x1bd: {  	s21 =	sadd.s32 $0x1, s21;
	[tilespmem:v15+s29+$0x0] =	vst.idx.msk $0xffff, v9;
	v59 =	vmul.f32 $7.071067690e-01, v50;
	v60 =	vadd.s32 v54, v1;
	v1 =	vadd.s32 v56, v1  }
0x1be: {  	p0 =	sne.s32 s21, $0x20;
	[tilespmem:v6+s29+$0x0] =	vst.idx.msk $0xffff, v2;
	v2 =	vmul.f32 $7.071067690e-01, v23;
	v61 =	vadd.f32 v20, v57  }
.Ltmp5:
0x1bf: {  	v62 =	vmul.f32 $7.071067690e-01, v21;
	[tilespmem:v14+s29+$0x0] =	vst.idx.msk $0xffff, v52;
	v63 =	vadd.f32 v51, v59;
	(pc) =	sbr.rel @p0 .LBB2_10-.Ltmp5, $4  }
0x1c0: {  	v2 =	vadd.f32 v55, v2;
	[tilespmem:v3+s29+$0x0] =	vst.idx.msk $0xffff, v61  }
0x1c1: {  	v3 =	vadd.f32 v53, v62;
	[tilespmem:v58+s29+$0x0] =	vst.idx.msk $0xffff, v63  }
0x1c2: {  	[tilespmem:v1+s29+$0x0] =	vst.idx.msk $0xffff, v2  }
0x1c3: {  	s17 =	sadd.s32 $0x680, s17;
	[tilespmem:v60+s29+$0x0] =	vst.idx.msk $0xffff, v3  }
0x1c4: {  	s10 =	simm.s32 $0xE900  }
0x1c5: {  	[hbm4b:s7+s2] =	stream.linear.scatter [tilespmem:s10], [sflag:$0x2], $0x20, $0x38;
	[tilespmem:$0x1F980] =	vst v63  }
0x1c6: {  	s13 =	smov.u32 s7;
	s10 =	simm.s32 $0xA0  }
.LBB2_14:
0x1c7: {  	p0 =	sne.s32 s10, $0x3BF60  }
.Ltmp6:
0x1c8: {  	_ = 	snop;
	(pc) =	sbr.rel @p0 .LBB2_14-.Ltmp6, $4  }
0x1c9: {  	_ = 	snop  }
0x1ca: {  	s17 =	sshra.s32 s10, $0x2;
	s10 =	sadd.s32 $0xA0, s10  }
0x1cb: {  	s13 =	sadd.s32 $0x80, s13;
	s17 =	sadd.s32 $0xE900, s17  }
0x1cc: {  	[hbm4b:s13+s2] =	stream.linear.scatter [tilespmem:s17], [sflag:$0x2], $0x20, $0x38;
	[tilespmem:$0x1F980] =	vst v63  }
0x1cd: {  	_ =	swait.ge [sflag:s9], $0xC000  }
0x1ce: {  	s1 =	sadd.s32 $0x1, s1;
	s10 =	rddreg [dreg:$0x5]  }
0x1cf: {  	p0 =	sne.s32 s1, s10  }
.Ltmp7:
0x1d0: {  	_ = 	snop;
	(pc) =	sbr.rel @p0 .LBB2_1-.Ltmp7, $3  }
0x1d1: {  	_ =	sdelay $0x1  }
0x1d2: {  	[sflag:s9] =	ssyncset.done $0x0  }
0x1d3: {  	[sflag:s9] =	ssyncadd.s32 $0xFFFF4000  }
0x1d4: {  	_ =	sfence.sel $0x180000  }
0x1d5: {  	[bflag:$0x0] =	sbarrier.arrive $0xFFFF  }
0x1d6: {  	_ =	strace $0x9000004A  }
0x1d7: {  	s0 =	stileid.u32;
	[bflag:$0x2] =	sbarrier.arrive $0xFFFF  }
0x1d8: {  	p0 =	sne.s32 s0, $0x0;
	s0 =	rddreg [dreg:$0x2]  }
0x1d9: {  	s0 =	sadd.s32 @!p0 $0x100000, s0  }
0x1da: {  	[sflag:s0] =	ssyncadd.tile.s32 @!p0 $0x1;
	_ =	shalt  }
.Lfunc_end2:
_tile_overlayer_lowered:
.L_overlay_start_2:
0x1db: {  	(tag) =	ssettag $0x2  }
0x1dc: {  	s0 =	rddreg [dreg:$0x0];
	s2 =	stileid.u32  }
0x1dd: {  	s1 =	rddreg [dreg:$0x1];
	p0 =	sne.s32 s2, $0x0  }
0x1de: {  	s3 =	rddreg [dreg:$0x2];
	[bflag:$0x3] =	sbarrier.arrive $0xFFFF;
	s2 =	simm.s32 @!p0 $0x1C02  }
0x1df: {  	[timem:s3], [sflag:s2] =	dma.local @!p0 [hbm:s0], s1  }
0x1e0: {  	s0 =	simm.s32 @!p0 $0x2  }
0x1e1: {  	_ =	swait.ge @!p0 [sflag:s0], s1  }
0x1e2: {  	s1 =	ssub.s32 @!p0 $0x0, s1;
	[sflag:s0] =	ssyncset.done @!p0 $0x0  }
0x1e3: {  	[sflag:s0] =	ssyncadd.s32 @!p0 s1  }
0x1e4: {  	[bflag:$0x3] =	sbarrier.arrive $0xFFFF  }
0x1e5: {  	_ =	shalt  }

</sc_bundles>
